<compile_context>
chip_gen: v7x
topology: tpu7x:2x2x1
jax: 0.10.2.dev20260603
libtpu: 0.0.44.dev20260713+nightly
codegen_flags: <defaults>
</compile_context>

<pallas_src>
import functools

import jax
import jax.numpy as jnp
from jax import lax
from jax.experimental import pallas as pl
from jax.experimental.pallas import tpu as pltpu
from jax.experimental.pallas import tpu_sc as plsc

_N = 10000
_E = 320000
_D = 128
_G = 64
_W3P = 16
_NC = 2
_NS = 16
_NW = _NC * _NS
_K = 80
_TPW = _E // _NW
_NCH = _TPW // _K
_SB = 25
_NB = _NCH // _SB
_RPS = 624
_RLAST = _N - _RPS * (_NS - 1)
_NP1 = 10240
_RPS1 = _NP1 // _NS

_mesh = plsc.VectorSubcoreMesh(core_axis_name="c", subcore_axis_name="s",
                               num_cores=_NC, num_subcores=_NS)


def _stripe_copy(src, dst, sid):
    @pl.when(sid < _NS - 1)
    def _():
        pltpu.sync_copy(src.at[pl.ds(sid * _RPS, _RPS)],
                        dst.at[pl.ds(sid * _RPS, _RPS)])

    @pl.when(sid == _NS - 1)
    def _():
        pltpu.sync_copy(src.at[pl.ds((_NS - 1) * _RPS, _RLAST)],
                        dst.at[pl.ds((_NS - 1) * _RPS, _RLAST)])


def _stripe_copy1(src, dst, sid):
    pltpu.sync_copy(src.at[pl.ds(sid * _RPS1, _RPS1)],
                    dst.at[pl.ds(sid * _RPS1, _RPS1)])


def _make_agg(width):

    @functools.partial(
        pl.kernel,
        out_type=jax.ShapeDtypeStruct((_NC, _N, width), jnp.float32),
        mesh=_mesh,
        scratch_types=[
            pltpu.VMEM((_SB, _K), jnp.int32),
            pltpu.VMEM((_SB, _K), jnp.int32),
            pltpu.VMEM((2, _K, width), jnp.float32),
            pltpu.VMEM_SHARED((_N, width), jnp.float32),
            pltpu.SemaphoreType.DMA((2,)),
        ],
    )
    def agg(z_hbm, src_hbm, dst_hbm, zeros_hbm, out_hbm,
            src_v, dst_v, rows_v, acc_sh, sems):
        cid = lax.axis_index("c")
        sid = lax.axis_index("s")
        wid = cid * _NS + sid
        _stripe_copy(zeros_hbm, acc_sh, sid)
        plsc.subcore_barrier()

        def load(j, q):
            pltpu.async_copy(z_hbm.at[src_v.at[j]], rows_v.at[q], sems.at[q])

        def flush(j, q):
            pltpu.make_async_copy(z_hbm.at[src_v.at[j]], rows_v.at[q],
                                  sems.at[q]).wait()
            pltpu.sync_copy(rows_v.at[q], acc_sh.at[dst_v.at[j]], add=True)

        @pl.loop(0, _NB)
        def blk(b):
            pltpu.sync_copy(src_hbm.at[wid].at[b], src_v)
            pltpu.sync_copy(dst_hbm.at[wid].at[b], dst_v)
            load(0, 0)

            @pl.loop(1, _SB, step=2)
            def body(j):
                load(j, 1)
                flush(j - 1, 0)
                load(j + 1, 0)
                flush(j, 1)

            flush(_SB - 1, 0)

        plsc.subcore_barrier()
        _stripe_copy(acc_sh, out_hbm.at[cid], sid)

    return agg


_agg128 = _make_agg(_D)


@functools.partial(
    pl.kernel,
    out_type=jax.ShapeDtypeStruct((_NC, _NP1), jnp.float32),
    mesh=_mesh,
    scratch_types=[
        pltpu.VMEM((_NCH, _K), jnp.int32),
        pltpu.VMEM((_K,), jnp.float32),
        pltpu.VMEM_SHARED((_NP1,), jnp.float32),
    ],
)
def _deg_kernel(dst_hbm, zeros_hbm, out_hbm, dst_v, ones_v, acc_sh):
    cid = lax.axis_index("c")
    sid = lax.axis_index("s")
    wid = cid * _NS + sid
    for i in range(_K // 16):
        ones_v[pl.ds(i * 16, 16)] = jnp.full((16,), 1.0, jnp.float32)
    pltpu.sync_copy(dst_hbm.at[wid], dst_v)
    _stripe_copy1(zeros_hbm, acc_sh, sid)
    plsc.subcore_barrier()

    def body(c, carry):
        pltpu.sync_copy(ones_v, acc_sh.at[dst_v.at[c]], add=True)
        return carry

    lax.fori_loop(0, _NCH, body, 0)
    plsc.subcore_barrier()
    _stripe_copy1(acc_sh, out_hbm.at[cid], sid)


_BLK = 2000


def _dot(a, b):
    return jnp.dot(a, b, preferred_element_type=jnp.float32)


def _dot_hi(a, b):
    return jnp.dot(a, b, preferred_element_type=jnp.float32,
                   precision=lax.Precision.HIGHEST)


def _tc1_body(deg0_ref, deg1_ref, x_ref, w_ref, dinv_ref, z_ref):
    deg = deg0_ref[...] + deg1_ref[...] + 1.0
    dinv = lax.rsqrt(deg)
    dinv_ref[...] = dinv
    z_ref[...] = _dot(x_ref[...], w_ref[...]) * dinv


def _tc1(deg0, deg1, x, w1):
    return pl.pallas_call(
        _tc1_body,
        grid=(_N // _BLK,),
        in_specs=[
            pl.BlockSpec((_BLK, 1), lambda i: (i, 0)),
            pl.BlockSpec((_BLK, 1), lambda i: (i, 0)),
            pl.BlockSpec((_BLK, _D), lambda i: (i, 0)),
            pl.BlockSpec((_D, _D), lambda i: (0, 0)),
        ],
        out_specs=[
            pl.BlockSpec((_BLK, 1), lambda i: (i, 0)),
            pl.BlockSpec((_BLK, _D), lambda i: (i, 0)),
        ],
        out_shape=[
            jax.ShapeDtypeStruct((_N, 1), jnp.float32),
            jax.ShapeDtypeStruct((_N, _D), jnp.float32),
        ],
    )(deg0, deg1, x, w1)


def _tc2_body(s0_ref, s1_ref, zp_ref, dinv_ref, b_ref, w_ref, out_ref):
    dinv = dinv_ref[...]
    h = s0_ref[...] + s1_ref[...] + zp_ref[...]
    h = jnp.maximum(h * dinv + b_ref[...][None, :], 0.0)
    out_ref[...] = _dot(h, w_ref[...]) * dinv


def _tc_mid(s0, s1, zp, dinv, b, w):
    return pl.pallas_call(
        _tc2_body,
        grid=(_N // _BLK,),
        in_specs=[
            pl.BlockSpec((_BLK, _D), lambda i: (i, 0)),
            pl.BlockSpec((_BLK, _D), lambda i: (i, 0)),
            pl.BlockSpec((_BLK, _D), lambda i: (i, 0)),
            pl.BlockSpec((_BLK, 1), lambda i: (i, 0)),
            pl.BlockSpec((_D,), lambda i: (0,)),
            pl.BlockSpec((_D, _D), lambda i: (0, 0)),
        ],
        out_specs=pl.BlockSpec((_BLK, _D), lambda i: (i, 0)),
        out_shape=jax.ShapeDtypeStruct((_N, _D), jnp.float32),
    )(s0, s1, zp, dinv, b, w)


def _tcf_body(s0_ref, s1_ref, zp_ref, dinv_ref, batch_ref, b3_ref,
              wlp_ref, blp_ref, out_ref):
    dinv = dinv_ref[...]
    h = (s0_ref[...] + s1_ref[...] + zp_ref[...]) * dinv + b3_ref[...][None, :]
    batch = batch_ref[...]
    seg = lax.broadcasted_iota(jnp.int32, (_G, _N), 0)
    onehot = jnp.where(batch[None, :] == seg, 1.0, 0.0).astype(jnp.float32)
    counts = jnp.sum(onehot, axis=1)
    sums = _dot_hi(onehot, h)
    pooled = sums / jnp.maximum(counts, 1.0)[:, None]
    out_ref[...] = _dot(pooled, wlp_ref[...]) + blp_ref[...][None, :]


def _tc_final(s0, s1, zp, dinv, batch, b3, wlp, blp):
    return pl.pallas_call(
        _tcf_body,
        in_specs=[
            pl.BlockSpec((_N, _D), lambda: (0, 0)),
            pl.BlockSpec((_N, _D), lambda: (0, 0)),
            pl.BlockSpec((_N, _D), lambda: (0, 0)),
            pl.BlockSpec((_N, 1), lambda: (0, 0)),
            pl.BlockSpec((_N,), lambda: (0,)),
            pl.BlockSpec((_D,), lambda: (0,)),
            pl.BlockSpec((_D, _W3P), lambda: (0, 0)),
            pl.BlockSpec((_W3P,), lambda: (0,)),
        ],
        out_specs=pl.BlockSpec((_G, _W3P), lambda: (0, 0)),
        out_shape=jax.ShapeDtypeStruct((_G, _W3P), jnp.float32),
    )(s0, s1, zp, dinv, batch, b3, wlp, blp)


def kernel(x, edge_index, batch, W1, b1, W2, b2, W3, b3, Wl, bl):
    src = edge_index[0].reshape(_NW, _NB, _SB, _K)
    dst = edge_index[1].reshape(_NW, _NB, _SB, _K)
    zeros_n = jnp.zeros((_NP1,), jnp.float32)
    zeros_nd = jnp.zeros((_N, _D), jnp.float32)
    wl_pad = jnp.pad(Wl, ((0, 0), (0, _W3P - Wl.shape[1])))
    bl_pad = jnp.pad(bl, (0, _W3P - bl.shape[0]))

    degp = _deg_kernel(edge_index[1].reshape(_NW, _NCH, _K), zeros_n)
    dinv, z1p = _tc1(degp[0, :_N][:, None], degp[1, :_N][:, None], x, W1)
    s1 = _agg128(z1p, src, dst, zeros_nd)
    z2p = _tc_mid(s1[0], s1[1], z1p, dinv, b1, W2)
    s2 = _agg128(z2p, src, dst, zeros_nd)
    z3p = _tc_mid(s2[0], s2[1], z2p, dinv, b2, W3)
    s3 = _agg128(z3p, src, dst, zeros_nd)
    out16 = _tc_final(s3[0], s3[1], z3p, dinv, batch, b3, wl_pad, bl_pad)
    return out16[:, :2]

# --- scband reference (transcript-rebuilt; emitter-appended) ---
"""Pipeline reference for scband-gcn-10264971838082 (READ-ONLY COPY).

The authoritative reference and input builder live on the scoring server;
editing this copy changes nothing except your own understanding.
"""

import jax, jax.numpy as jnp
import numpy as np

N = 10000
E = 320000
D = 128
H = 128
C = 2
G = 64


def setup_inputs(seed: int = 0) -> dict:
    key = jax.random.key(seed)
    ks = jax.random.split(key, 8)
    x = jax.random.normal(ks[0], (N, D), dtype=jnp.float32)
    edge_index = jax.random.randint(ks[1], (2, E), 0, N, dtype=jnp.int32)
    batch = jnp.sort(jax.random.randint(ks[2], (N,), 0, G, dtype=jnp.int32))
    # GCNConv weights (glorot-ish scale) and zero biases, as in PyG defaults
    W1 = jax.random.normal(ks[3], (D, H), dtype=jnp.float32) * (1.0 / np.sqrt(D))
    b1 = jnp.zeros((H,), dtype=jnp.float32)
    W2 = jax.random.normal(ks[4], (H, H), dtype=jnp.float32) * (1.0 / np.sqrt(H))
    b2 = jnp.zeros((H,), dtype=jnp.float32)
    W3 = jax.random.normal(ks[5], (H, H), dtype=jnp.float32) * (1.0 / np.sqrt(H))
    b3 = jnp.zeros((H,), dtype=jnp.float32)
    Wl = jax.random.normal(ks[6], (H, C), dtype=jnp.float32) * (1.0 / np.sqrt(H))
    bl = jnp.zeros((C,), dtype=jnp.float32)
    return {"x": x, "edge_index": edge_index, "batch": batch,
            "W1": W1, "b1": b1, "W2": W2, "b2": b2, "W3": W3, "b3": b3,
            "Wl": Wl, "bl": bl}


def _gcn_conv(x, src, dst, W, b):
    # GCNConv: out = D^{-1/2} (A + I) D^{-1/2} X W + b  (self-loops already in src/dst)
    h = x @ W
    deg = jnp.zeros((N,), x.dtype).at[dst].add(1.0)
    dinv = jnp.where(deg > 0, jax.lax.rsqrt(jnp.maximum(deg, 1e-12)), 0.0)
    norm = dinv[src] * dinv[dst]
    msg = h[src] * norm[:, None]
    out = jnp.zeros((N, W.shape[1]), x.dtype).at[dst].add(msg)
    return out + b


def reference(x, edge_index, batch, W1, b1, W2, b2, W3, b3, Wl, bl):
    loops = jnp.arange(N, dtype=edge_index.dtype)
    src = jnp.concatenate([edge_index[0], loops])
    dst = jnp.concatenate([edge_index[1], loops])
    h = jax.nn.relu(_gcn_conv(x, src, dst, W1, b1))
    h = jax.nn.relu(_gcn_conv(h, src, dst, W2, b2))
    h = _gcn_conv(h, src, dst, W3, b3)
    # global_mean_pool over batch segment ids
    sums = jax.ops.segment_sum(h, batch, num_segments=G)
    counts = jax.ops.segment_sum(jnp.ones((N,), h.dtype), batch, num_segments=G)
    pooled = sums / jnp.maximum(counts, 1.0)[:, None]
    # dropout is identity in eval mode
    return pooled @ Wl + bl

if __name__ == "__main__":
    import jax
    _d = setup_inputs()
    print(jax.jit(kernel)(*tuple(_d.values())))

</pallas_src>

<mosaic_0001>
#map = affine_map<(d0, d1) -> (0, 0, 0)>
#map1 = affine_map<(d0, d1) -> (0)>
#map2 = affine_map<(d0, d1) -> (0, 0)>
module attributes {stable_mosaic.version = 14 : i64} {
  func.func @_deg_kernel(%arg0: i32, %arg1: i32, %arg2: memref<32x125x80xi32, #tpu.memory_space<hbm>>, %arg3: memref<10240xf32, #tpu.memory_space<hbm>>, %arg4: memref<2x10240xf32, #tpu.memory_space<hbm>>, %arg5: memref<125x80xi32, #tpu.memory_space<vmem>>, %arg6: memref<80xf32, #tpu.memory_space<vmem>>, %arg7: memref<10240xf32, #tpu.memory_space<vmem_shared>>) attributes {dimension_semantics = [#tpu.dimension_semantics<core_parallel>, #tpu.dimension_semantics<subcore_parallel>], iteration_bounds = array<i64: 2, 16>, scalar_prefetch = 0 : i64, scratch_operands = 3 : i64, tpu.core_type = #tpu.core_type<sc_vector_subcore>, window_params = [{transform_indices = #map}, {transform_indices = #map1}, {transform_indices = #map2}]} {
    %mul3A = arith.constant 16 : i32
    %mul3A_0 = arith.muli %arg0, %mul3A : i32
    %add3A = arith.addi %mul3A_0, %arg1 : i32
    %broadcast_in_dim3A = arith.constant 1.000000e+00 : f32
    %broadcast_in_dim3A_1 = vector.broadcast %broadcast_in_dim3A : f32 to vector<16xf32>
    %swap3A = arith.constant 0 : index
    %swap3A_2 = tpu.vector_load %arg6[%swap3A] {strides = array<i32>} : memref<80xf32, #tpu.memory_space<vmem>>, vector<16xf32>,
    %swap3A_3 = vector.shape_cast %swap3A_2 : vector<16xf32> to vector<16xf32>
    %swap3A_4 = vector.shape_cast %broadcast_in_dim3A_1 : vector<16xf32> to vector<16xf32>
    tpu.vector_store %arg6[%swap3A], %swap3A_4 {strides = array<i32>} : memref<80xf32, #tpu.memory_space<vmem>>, vector<16xf32>,
    %broadcast_in_dim3A_5 = arith.constant 1.000000e+00 : f32
    %broadcast_in_dim3A_6 = vector.broadcast %broadcast_in_dim3A_5 : f32 to vector<16xf32>
    %swap3A_7 = arith.constant 16 : index
    %swap3A_8 = tpu.vector_load %arg6[%swap3A_7] {strides = array<i32>} : memref<80xf32, #tpu.memory_space<vmem>>, vector<16xf32>,
    %swap3A_9 = vector.shape_cast %swap3A_8 : vector<16xf32> to vector<16xf32>
    %swap3A_10 = vector.shape_cast %broadcast_in_dim3A_6 : vector<16xf32> to vector<16xf32>
    tpu.vector_store %arg6[%swap3A_7], %swap3A_10 {strides = array<i32>} : memref<80xf32, #tpu.memory_space<vmem>>, vector<16xf32>,
    %broadcast_in_dim3A_11 = arith.constant 1.000000e+00 : f32
    %broadcast_in_dim3A_12 = vector.broadcast %broadcast_in_dim3A_11 : f32 to vector<16xf32>
    %swap3A_13 = arith.constant 32 : index
    %swap3A_14 = tpu.vector_load %arg6[%swap3A_13] {strides = array<i32>} : memref<80xf32, #tpu.memory_space<vmem>>, vector<16xf32>,
    %swap3A_15 = vector.shape_cast %swap3A_14 : vector<16xf32> to vector<16xf32>
    %swap3A_16 = vector.shape_cast %broadcast_in_dim3A_12 : vector<16xf32> to vector<16xf32>
    tpu.vector_store %arg6[%swap3A_13], %swap3A_16 {strides = array<i32>} : memref<80xf32, #tpu.memory_space<vmem>>, vector<16xf32>,
    %broadcast_in_dim3A_17 = arith.constant 1.000000e+00 : f32
    %broadcast_in_dim3A_18 = vector.broadcast %broadcast_in_dim3A_17 : f32 to vector<16xf32>
    %swap3A_19 = arith.constant 48 : index
    %swap3A_20 = tpu.vector_load %arg6[%swap3A_19] {strides = array<i32>} : memref<80xf32, #tpu.memory_space<vmem>>, vector<16xf32>,
    %swap3A_21 = vector.shape_cast %swap3A_20 : vector<16xf32> to vector<16xf32>
    %swap3A_22 = vector.shape_cast %broadcast_in_dim3A_18 : vector<16xf32> to vector<16xf32>
    tpu.vector_store %arg6[%swap3A_19], %swap3A_22 {strides = array<i32>} : memref<80xf32, #tpu.memory_space<vmem>>, vector<16xf32>,
    %broadcast_in_dim3A_23 = arith.constant 1.000000e+00 : f32
    %broadcast_in_dim3A_24 = vector.broadcast %broadcast_in_dim3A_23 : f32 to vector<16xf32>
    %swap3A_25 = arith.constant 64 : index
    %swap3A_26 = tpu.vector_load %arg6[%swap3A_25] {strides = array<i32>} : memref<80xf32, #tpu.memory_space<vmem>>, vector<16xf32>,
    %swap3A_27 = vector.shape_cast %swap3A_26 : vector<16xf32> to vector<16xf32>
    %swap3A_28 = vector.shape_cast %broadcast_in_dim3A_24 : vector<16xf32> to vector<16xf32>
    tpu.vector_store %arg6[%swap3A_25], %swap3A_28 {strides = array<i32>} : memref<80xf32, #tpu.memory_space<vmem>>, vector<16xf32>,
    "tpu.region"() ({
      %run_scoped3A = tpu.sem_alloc : memref<!tpu.dma_semaphore, #tpu.memory_space<semaphore_mem>>
      %dma_start3A = arith.constant 0 : i32
      %dma_start3A_43 = arith.constant 0 : i32
      %dma_start3A_44 = tpu.memref_slice %arg2[%add3A, %dma_start3A, %dma_start3A_43] : memref<32x125x80xi32, #tpu.memory_space<hbm>> -> memref<1x125x80xi32, #tpu.memory_space<hbm>>
      %dma_start3A_45 = tpu.memref_squeeze %dma_start3A_44 : memref<1x125x80xi32, #tpu.memory_space<hbm>> -> memref<125x80xi32, #tpu.memory_space<hbm>>
      %dma_start3A_46 = arith.constant 0 : i32
      %dma_start3A_47 = arith.constant 0 : i32
      %dma_start3A_48 = tpu.memref_slice %arg2[%add3A, %dma_start3A_46, %dma_start3A_47] : memref<32x125x80xi32, #tpu.memory_space<hbm>> -> memref<1x125x80xi32, #tpu.memory_space<hbm>>
      %dma_start3A_49 = tpu.memref_squeeze %dma_start3A_48 : memref<1x125x80xi32, #tpu.memory_space<hbm>> -> memref<125x80xi32, #tpu.memory_space<hbm>>
      tpu.enqueue_dma source(%dma_start3A_49 : memref<125x80xi32, #tpu.memory_space<hbm>>) target(%arg5 : memref<125x80xi32, #tpu.memory_space<vmem>>) target_semaphore(%run_scoped3A : memref<!tpu.dma_semaphore, #tpu.memory_space<semaphore_mem>>)
      %dma_wait3A = arith.constant 0 : i32
      %dma_wait3A_50 = arith.constant 0 : i32
      %dma_wait3A_51 = tpu.memref_slice %arg2[%add3A, %dma_wait3A, %dma_wait3A_50] : memref<32x125x80xi32, #tpu.memory_space<hbm>> -> memref<1x125x80xi32, #tpu.memory_space<hbm>>
      %dma_wait3A_52 = tpu.memref_squeeze %dma_wait3A_51 : memref<1x125x80xi32, #tpu.memory_space<hbm>> -> memref<125x80xi32, #tpu.memory_space<hbm>>
      %dma_wait3A_53 = arith.constant 0 : i32
      %dma_wait3A_54 = arith.constant 0 : i32
      %dma_wait3A_55 = tpu.memref_slice %arg2[%add3A, %dma_wait3A_53, %dma_wait3A_54] : memref<32x125x80xi32, #tpu.memory_space<hbm>> -> memref<1x125x80xi32, #tpu.memory_space<hbm>>
      %dma_wait3A_56 = tpu.memref_squeeze %dma_wait3A_55 : memref<1x125x80xi32, #tpu.memory_space<hbm>> -> memref<125x80xi32, #tpu.memory_space<hbm>>
      tpu.wait_dma2 semaphore(%run_scoped3A : memref<!tpu.dma_semaphore, #tpu.memory_space<semaphore_mem>>) src(%dma_wait3A_56 : memref<125x80xi32, #tpu.memory_space<hbm>>) dst(%arg5 : memref<125x80xi32, #tpu.memory_space<vmem>>)
      tpu.yield
    }) : () -> ()
    %mul3A_29 = arith.constant 640 : i32
    %mul3A_30 = arith.muli %arg1, %mul3A_29 : i32
    %mul3A_31 = arith.constant 640 : i32
    %mul3A_32 = arith.muli %arg1, %mul3A_31 : i32
    "tpu.region"() ({
      %run_scoped3A = tpu.sem_alloc : memref<!tpu.dma_semaphore, #tpu.memory_space<semaphore_mem>>
      %dma_start3A = tpu.memref_slice %arg7[%mul3A_32] : memref<10240xf32, #tpu.memory_space<vmem_shared>> -> memref<640xf32, #tpu.memory_space<vmem_shared>>
      %dma_start3A_43 = tpu.memref_slice %arg3[%mul3A_30] : memref<10240xf32, #tpu.memory_space<hbm>> -> memref<640xf32, #tpu.memory_space<hbm>>
      tpu.enqueue_dma source(%dma_start3A_43 : memref<640xf32, #tpu.memory_space<hbm>>) target(%dma_start3A : memref<640xf32, #tpu.memory_space<vmem_shared>>) target_semaphore(%run_scoped3A : memref<!tpu.dma_semaphore, #tpu.memory_space<semaphore_mem>>)
      %dma_wait3A = tpu.memref_slice %arg7[%mul3A_32] : memref<10240xf32, #tpu.memory_space<vmem_shared>> -> memref<640xf32, #tpu.memory_space<vmem_shared>>
      %dma_wait3A_44 = tpu.memref_slice %arg3[%mul3A_30] : memref<10240xf32, #tpu.memory_space<hbm>> -> memref<640xf32, #tpu.memory_space<hbm>>
      tpu.wait_dma2 semaphore(%run_scoped3A : memref<!tpu.dma_semaphore, #tpu.memory_space<semaphore_mem>>) src(%dma_wait3A_44 : memref<640xf32, #tpu.memory_space<hbm>>) dst(%dma_wait3A : memref<640xf32, #tpu.memory_space<vmem_shared>>)
      tpu.yield
    }) : () -> ()
    %barrier3A = arith.constant 0 : index
    tpu.barrier barrier_id(%barrier3A)
    %scan3A = arith.constant 0 : i32
    %scan3A_33 = arith.constant 0 : i32
    %scan3A_34 = arith.constant 125 : i32
    %scan3A_35 = arith.addi %scan3A_33, %scan3A_34 : i32
    %scan3A_36 = arith.constant 1 : i32
    scf.for %scan3A_43 = %scan3A_33 to %scan3A_35 step %scan3A_36  : i32 {
      "tpu.region"() ({
        %run_scoped3A = tpu.sem_alloc : memref<!tpu.dma_semaphore, #tpu.memory_space<semaphore_mem>>
        %dma_start3A = arith.constant 0 : i32
        %dma_start3A_44 = tpu.memref_slice %arg5[%scan3A_43, %dma_start3A] : memref<125x80xi32, #tpu.memory_space<vmem>> -> memref<1x80xi32, #tpu.memory_space<vmem>>
        %dma_start3A_45 = tpu.memref_squeeze %dma_start3A_44 : memref<1x80xi32, #tpu.memory_space<vmem>> -> memref<80xi32, #tpu.memory_space<vmem>>
        %dma_start3A_46 = arith.constant 0 : i32
        %dma_start3A_47 = tpu.memref_slice %arg7[%dma_start3A_46] : memref<10240xf32, #tpu.memory_space<vmem_shared>> -> memref<10240xf32, #tpu.memory_space<vmem_shared>>
        tpu.enqueue_indirect_dma source(%arg6 : memref<80xf32, #tpu.memory_space<vmem>>) target(%dma_start3A_47 : memref<10240xf32, #tpu.memory_space<vmem_shared>>) offsets(%dma_start3A_45 : memref<80xi32, #tpu.memory_space<vmem>>) semaphore(%run_scoped3A : memref<!tpu.dma_semaphore, #tpu.memory_space<semaphore_mem>>) {add = true}
        %dma_wait3A = arith.constant 0 : i32
        %dma_wait3A_48 = tpu.memref_slice %arg5[%scan3A_43, %dma_wait3A] : memref<125x80xi32, #tpu.memory_space<vmem>> -> memref<1x80xi32, #tpu.memory_space<vmem>>
        %dma_wait3A_49 = tpu.memref_squeeze %dma_wait3A_48 : memref<1x80xi32, #tpu.memory_space<vmem>> -> memref<80xi32, #tpu.memory_space<vmem>>
        %dma_wait3A_50 = arith.constant 0 : i32
        %dma_wait3A_51 = tpu.memref_slice %arg7[%dma_wait3A_50] : memref<10240xf32, #tpu.memory_space<vmem_shared>> -> memref<10240xf32, #tpu.memory_space<vmem_shared>>
        tpu.wait_indirect_dma semaphore(%run_scoped3A : memref<!tpu.dma_semaphore, #tpu.memory_space<semaphore_mem>>) src(%arg6 : memref<80xf32, #tpu.memory_space<vmem>>) dst(%dma_wait3A_51 : memref<10240xf32, #tpu.memory_space<vmem_shared>>)
        tpu.yield
      }) : () -> ()
    }
    %scan3A_37 = arith.constant 125 : i32
    %barrier3A_38 = arith.constant 0 : index
    tpu.barrier barrier_id(%barrier3A_38)
    %mul3A_39 = arith.constant 640 : i32
    %mul3A_40 = arith.muli %arg1, %mul3A_39 : i32
    %mul3A_41 = arith.constant 640 : i32
    %mul3A_42 = arith.muli %arg1, %mul3A_41 : i32
    "tpu.region"() ({
      %run_scoped3A = tpu.sem_alloc : memref<!tpu.dma_semaphore, #tpu.memory_space<semaphore_mem>>
      %dma_start3A = arith.constant 0 : i32
      %dma_start3A_43 = tpu.memref_slice %arg4[%arg0, %dma_start3A] : memref<2x10240xf32, #tpu.memory_space<hbm>> -> memref<1x10240xf32, #tpu.memory_space<hbm>>
      %dma_start3A_44 = tpu.memref_squeeze %dma_start3A_43 : memref<1x10240xf32, #tpu.memory_space<hbm>> -> memref<10240xf32, #tpu.memory_space<hbm>>
      %dma_start3A_45 = tpu.memref_slice %dma_start3A_44[%mul3A_42] : memref<10240xf32, #tpu.memory_space<hbm>> -> memref<640xf32, #tpu.memory_space<hbm>>
      %dma_start3A_46 = tpu.memref_slice %arg7[%mul3A_40] : memref<10240xf32, #tpu.memory_space<vmem_shared>> -> memref<640xf32, #tpu.memory_space<vmem_shared>>
      tpu.enqueue_dma source(%dma_start3A_46 : memref<640xf32, #tpu.memory_space<vmem_shared>>) target(%dma_start3A_45 : memref<640xf32, #tpu.memory_space<hbm>>) target_semaphore(%run_scoped3A : memref<!tpu.dma_semaphore, #tpu.memory_space<semaphore_mem>>)
      %dma_wait3A = arith.constant 0 : i32
      %dma_wait3A_47 = tpu.memref_slice %arg4[%arg0, %dma_wait3A] : memref<2x10240xf32, #tpu.memory_space<hbm>> -> memref<1x10240xf32, #tpu.memory_space<hbm>>
      %dma_wait3A_48 = tpu.memref_squeeze %dma_wait3A_47 : memref<1x10240xf32, #tpu.memory_space<hbm>> -> memref<10240xf32, #tpu.memory_space<hbm>>
      %dma_wait3A_49 = tpu.memref_slice %dma_wait3A_48[%mul3A_42] : memref<10240xf32, #tpu.memory_space<hbm>> -> memref<640xf32, #tpu.memory_space<hbm>>
      %dma_wait3A_50 = tpu.memref_slice %arg7[%mul3A_40] : memref<10240xf32, #tpu.memory_space<vmem_shared>> -> memref<640xf32, #tpu.memory_space<vmem_shared>>
      tpu.wait_dma2 semaphore(%run_scoped3A : memref<!tpu.dma_semaphore, #tpu.memory_space<semaphore_mem>>) src(%dma_wait3A_50 : memref<640xf32, #tpu.memory_space<vmem_shared>>) dst(%dma_wait3A_49 : memref<640xf32, #tpu.memory_space<hbm>>)
      tpu.yield
    }) : () -> ()
    return
  }
}

#map = affine_map<(d0, d1) -> (0, 0)>
#map1 = affine_map<(d0, d1) -> (0, 0, 0, 0)>
#map2 = affine_map<(d0, d1) -> (0, 0, 0)>
module attributes {stable_mosaic.version = 14 : i64} {
  func.func @agg(%arg0: i32, %arg1: i32, %arg2: memref<10000x128xf32, #tpu.memory_space<hbm>>, %arg3: memref<32x5x25x80xi32, #tpu.memory_space<hbm>>, %arg4: memref<32x5x25x80xi32, #tpu.memory_space<hbm>>, %arg5: memref<10000x128xf32, #tpu.memory_space<hbm>>, %arg6: memref<2x10000x128xf32, #tpu.memory_space<hbm>>, %arg7: memref<25x80xi32, #tpu.memory_space<vmem>>, %arg8: memref<25x80xi32, #tpu.memory_space<vmem>>, %arg9: memref<2x80x128xf32, #tpu.memory_space<vmem>>, %arg10: memref<10000x128xf32, #tpu.memory_space<vmem_shared>>, %arg11: memref<2x!tpu.dma_semaphore, #tpu.memory_space<semaphore_mem>>) attributes {dimension_semantics = [#tpu.dimension_semantics<core_parallel>, #tpu.dimension_semantics<subcore_parallel>], iteration_bounds = array<i64: 2, 16>, scalar_prefetch = 0 : i64, scratch_operands = 5 : i64, tpu.core_type = #tpu.core_type<sc_vector_subcore>, window_params = [{transform_indices = #map}, {transform_indices = #map1}, {transform_indices = #map1}, {transform_indices = #map}, {transform_indices = #map2}]} {
    %mul3A = arith.constant 16 : i32
    %mul3A_0 = arith.muli %arg0, %mul3A : i32
    %add3A = arith.addi %mul3A_0, %arg1 : i32
    %lt3A = arith.constant 15 : i32
    %lt3A_1 = arith.cmpi slt, %arg1, %lt3A : i32
    %convert_element_type3A = arith.extui %lt3A_1 : i1 to i32
    %cond3A = arith.constant 0 : i32
    %cond3A_2 = arith.cmpi ne, %convert_element_type3A, %cond3A : i32
    scf.if %cond3A_2 {
      %mul3A_22 = arith.constant 624 : i32
      %mul3A_23 = arith.muli %arg1, %mul3A_22 : i32
      %mul3A_24 = arith.constant 624 : i32
      %mul3A_25 = arith.muli %arg1, %mul3A_24 : i32
      "tpu.region"() ({
        %run_scoped3A = tpu.sem_alloc : memref<!tpu.dma_semaphore, #tpu.memory_space<semaphore_mem>>
        %dma_start3A = arith.constant 0 : i32
        %dma_start3A_26 = tpu.memref_slice %arg10[%mul3A_25, %dma_start3A] : memref<10000x128xf32, #tpu.memory_space<vmem_shared>> -> memref<624x128xf32, #tpu.memory_space<vmem_shared>>
        %dma_start3A_27 = arith.constant 0 : i32
        %dma_start3A_28 = tpu.memref_slice %arg5[%mul3A_23, %dma_start3A_27] : memref<10000x128xf32, #tpu.memory_space<hbm>> -> memref<624x128xf32, #tpu.memory_space<hbm>>
        tpu.enqueue_dma source(%dma_start3A_28 : memref<624x128xf32, #tpu.memory_space<hbm>>) target(%dma_start3A_26 : memref<624x128xf32, #tpu.memory_space<vmem_shared>>) target_semaphore(%run_scoped3A : memref<!tpu.dma_semaphore, #tpu.memory_space<semaphore_mem>>)
        %dma_wait3A = arith.constant 0 : i32
        %dma_wait3A_29 = tpu.memref_slice %arg10[%mul3A_25, %dma_wait3A] : memref<10000x128xf32, #tpu.memory_space<vmem_shared>> -> memref<624x128xf32, #tpu.memory_space<vmem_shared>>
        %dma_wait3A_30 = arith.constant 0 : i32
        %dma_wait3A_31 = tpu.memref_slice %arg5[%mul3A_23, %dma_wait3A_30] : memref<10000x128xf32, #tpu.memory_space<hbm>> -> memref<624x128xf32, #tpu.memory_space<hbm>>
        tpu.wait_dma2 semaphore(%run_scoped3A : memref<!tpu.dma_semaphore, #tpu.memory_space<semaphore_mem>>) src(%dma_wait3A_31 : memref<624x128xf32, #tpu.memory_space<hbm>>) dst(%dma_wait3A_29 : memref<624x128xf32, #tpu.memory_space<vmem_shared>>)
        tpu.yield
      }) : () -> ()
    } else {
    }
    %eq3A = arith.constant 15 : i32
    %eq3A_3 = arith.cmpi eq, %arg1, %eq3A : i32
    %convert_element_type3A_4 = arith.extui %eq3A_3 : i1 to i32
    %cond3A_5 = arith.constant 0 : i32
    %cond3A_6 = arith.cmpi ne, %convert_element_type3A_4, %cond3A_5 : i32
    scf.if %cond3A_6 {
      "tpu.region"() ({
        %run_scoped3A = tpu.sem_alloc : memref<!tpu.dma_semaphore, #tpu.memory_space<semaphore_mem>>
        %dma_start3A = arith.constant 9360 : i32
        %dma_start3A_22 = arith.constant 0 : i32
        %dma_start3A_23 = tpu.memref_slice %arg10[%dma_start3A, %dma_start3A_22] : memref<10000x128xf32, #tpu.memory_space<vmem_shared>> -> memref<640x128xf32, #tpu.memory_space<vmem_shared>>
        %dma_start3A_24 = arith.constant 9360 : i32
        %dma_start3A_25 = arith.constant 0 : i32
        %dma_start3A_26 = tpu.memref_slice %arg5[%dma_start3A_24, %dma_start3A_25] : memref<10000x128xf32, #tpu.memory_space<hbm>> -> memref<640x128xf32, #tpu.memory_space<hbm>>
        tpu.enqueue_dma source(%dma_start3A_26 : memref<640x128xf32, #tpu.memory_space<hbm>>) target(%dma_start3A_23 : memref<640x128xf32, #tpu.memory_space<vmem_shared>>) target_semaphore(%run_scoped3A : memref<!tpu.dma_semaphore, #tpu.memory_space<semaphore_mem>>)
        %dma_wait3A = arith.constant 9360 : i32
        %dma_wait3A_27 = arith.constant 0 : i32
        %dma_wait3A_28 = tpu.memref_slice %arg10[%dma_wait3A, %dma_wait3A_27] : memref<10000x128xf32, #tpu.memory_space<vmem_shared>> -> memref<640x128xf32, #tpu.memory_space<vmem_shared>>
        %dma_wait3A_29 = arith.constant 9360 : i32
        %dma_wait3A_30 = arith.constant 0 : i32
        %dma_wait3A_31 = tpu.memref_slice %arg5[%dma_wait3A_29, %dma_wait3A_30] : memref<10000x128xf32, #tpu.memory_space<hbm>> -> memref<640x128xf32, #tpu.memory_space<hbm>>
        tpu.wait_dma2 semaphore(%run_scoped3A : memref<!tpu.dma_semaphore, #tpu.memory_space<semaphore_mem>>) src(%dma_wait3A_31 : memref<640x128xf32, #tpu.memory_space<hbm>>) dst(%dma_wait3A_28 : memref<640x128xf32, #tpu.memory_space<vmem_shared>>)
        tpu.yield
      }) : () -> ()
    } else {
    }
    %barrier3A = arith.constant 0 : index
    tpu.barrier barrier_id(%barrier3A)
    %scan3A = arith.constant 0 : i32
    %scan3A_7 = arith.constant 5 : i32
    %scan3A_8 = arith.addi %scan3A, %scan3A_7 : i32
    %scan3A_9 = arith.constant 1 : i32
    scf.for %scan3A_22 = %scan3A to %scan3A_8 step %scan3A_9  : i32 {
      %mul3A_23 = arith.constant 1 : i32
      %mul3A_24 = arith.muli %scan3A_22, %mul3A_23 : i32
      %add3A_25 = arith.constant 0 : i32
      %add3A_26 = arith.addi %add3A_25, %mul3A_24 : i32
      "tpu.region"() ({
        %run_scoped3A_61 = tpu.sem_alloc : memref<!tpu.dma_semaphore, #tpu.memory_space<semaphore_mem>>
        %dma_start3A_62 = arith.constant 0 : i32
        %dma_start3A_63 = arith.constant 0 : i32
        %dma_start3A_64 = arith.constant 0 : i32
        %dma_start3A_65 = tpu.memref_slice %arg3[%add3A, %dma_start3A_62, %dma_start3A_63, %dma_start3A_64] : memref<32x5x25x80xi32, #tpu.memory_space<hbm>> -> memref<1x5x25x80xi32, #tpu.memory_space<hbm>>
        %dma_start3A_66 = tpu.memref_squeeze %dma_start3A_65 : memref<1x5x25x80xi32, #tpu.memory_space<hbm>> -> memref<5x25x80xi32, #tpu.memory_space<hbm>>
        %dma_start3A_67 = arith.constant 0 : i32
        %dma_start3A_68 = arith.constant 0 : i32
        %dma_start3A_69 = tpu.memref_slice %dma_start3A_66[%add3A_26, %dma_start3A_67, %dma_start3A_68] : memref<5x25x80xi32, #tpu.memory_space<hbm>> -> memref<1x25x80xi32, #tpu.memory_space<hbm>>
        %dma_start3A_70 = tpu.memref_squeeze %dma_start3A_69 : memref<1x25x80xi32, #tpu.memory_space<hbm>> -> memref<25x80xi32, #tpu.memory_space<hbm>>
        %dma_start3A_71 = arith.constant 0 : i32
        %dma_start3A_72 = arith.constant 0 : i32
        %dma_start3A_73 = arith.constant 0 : i32
        %dma_start3A_74 = tpu.memref_slice %arg3[%add3A, %dma_start3A_71, %dma_start3A_72, %dma_start3A_73] : memref<32x5x25x80xi32, #tpu.memory_space<hbm>> -> memref<1x5x25x80xi32, #tpu.memory_space<hbm>>
        %dma_start3A_75 = tpu.memref_squeeze %dma_start3A_74 : memref<1x5x25x80xi32, #tpu.memory_space<hbm>> -> memref<5x25x80xi32, #tpu.memory_space<hbm>>
        %dma_start3A_76 = arith.constant 0 : i32
        %dma_start3A_77 = arith.constant 0 : i32
        %dma_start3A_78 = tpu.memref_slice %dma_start3A_75[%add3A_26, %dma_start3A_76, %dma_start3A_77] : memref<5x25x80xi32, #tpu.memory_space<hbm>> -> memref<1x25x80xi32, #tpu.memory_space<hbm>>
        %dma_start3A_79 = tpu.memref_squeeze %dma_start3A_78 : memref<1x25x80xi32, #tpu.memory_space<hbm>> -> memref<25x80xi32, #tpu.memory_space<hbm>>
        tpu.enqueue_dma source(%dma_start3A_79 : memref<25x80xi32, #tpu.memory_space<hbm>>) target(%arg7 : memref<25x80xi32, #tpu.memory_space<vmem>>) target_semaphore(%run_scoped3A_61 : memref<!tpu.dma_semaphore, #tpu.memory_space<semaphore_mem>>)
        %dma_wait3A_80 = arith.constant 0 : i32
        %dma_wait3A_81 = arith.constant 0 : i32
        %dma_wait3A_82 = arith.constant 0 : i32
        %dma_wait3A_83 = tpu.memref_slice %arg3[%add3A, %dma_wait3A_80, %dma_wait3A_81, %dma_wait3A_82] : memref<32x5x25x80xi32, #tpu.memory_space<hbm>> -> memref<1x5x25x80xi32, #tpu.memory_space<hbm>>
        %dma_wait3A_84 = tpu.memref_squeeze %dma_wait3A_83 : memref<1x5x25x80xi32, #tpu.memory_space<hbm>> -> memref<5x25x80xi32, #tpu.memory_space<hbm>>
        %dma_wait3A_85 = arith.constant 0 : i32
        %dma_wait3A_86 = arith.constant 0 : i32
        %dma_wait3A_87 = tpu.memref_slice %dma_wait3A_84[%add3A_26, %dma_wait3A_85, %dma_wait3A_86] : memref<5x25x80xi32, #tpu.memory_space<hbm>> -> memref<1x25x80xi32, #tpu.memory_space<hbm>>
        %dma_wait3A_88 = tpu.memref_squeeze %dma_wait3A_87 : memref<1x25x80xi32, #tpu.memory_space<hbm>> -> memref<25x80xi32, #tpu.memory_space<hbm>>
        %dma_wait3A_89 = arith.constant 0 : i32
        %dma_wait3A_90 = arith.constant 0 : i32
        %dma_wait3A_91 = arith.constant 0 : i32
        %dma_wait3A_92 = tpu.memref_slice %arg3[%add3A, %dma_wait3A_89, %dma_wait3A_90, %dma_wait3A_91] : memref<32x5x25x80xi32, #tpu.memory_space<hbm>> -> memref<1x5x25x80xi32, #tpu.memory_space<hbm>>
        %dma_wait3A_93 = tpu.memref_squeeze %dma_wait3A_92 : memref<1x5x25x80xi32, #tpu.memory_space<hbm>> -> memref<5x25x80xi32, #tpu.memory_space<hbm>>
        %dma_wait3A_94 = arith.constant 0 : i32
        %dma_wait3A_95 = arith.constant 0 : i32
        %dma_wait3A_96 = tpu.memref_slice %dma_wait3A_93[%add3A_26, %dma_wait3A_94, %dma_wait3A_95] : memref<5x25x80xi32, #tpu.memory_space<hbm>> -> memref<1x25x80xi32, #tpu.memory_space<hbm>>
        %dma_wait3A_97 = tpu.memref_squeeze %dma_wait3A_96 : memref<1x25x80xi32, #tpu.memory_space<hbm>> -> memref<25x80xi32, #tpu.memory_space<hbm>>
        tpu.wait_dma2 semaphore(%run_scoped3A_61 : memref<!tpu.dma_semaphore, #tpu.memory_space<semaphore_mem>>) src(%dma_wait3A_97 : memref<25x80xi32, #tpu.memory_space<hbm>>) dst(%arg7 : memref<25x80xi32, #tpu.memory_space<vmem>>)
        tpu.yield
      }) : () -> ()
      "tpu.region"() ({
        %run_scoped3A_61 = tpu.sem_alloc : memref<!tpu.dma_semaphore, #tpu.memory_space<semaphore_mem>>
        %dma_start3A_62 = arith.constant 0 : i32
        %dma_start3A_63 = arith.constant 0 : i32
        %dma_start3A_64 = arith.constant 0 : i32
        %dma_start3A_65 = tpu.memref_slice %arg4[%add3A, %dma_start3A_62, %dma_start3A_63, %dma_start3A_64] : memref<32x5x25x80xi32, #tpu.memory_space<hbm>> -> memref<1x5x25x80xi32, #tpu.memory_space<hbm>>
        %dma_start3A_66 = tpu.memref_squeeze %dma_start3A_65 : memref<1x5x25x80xi32, #tpu.memory_space<hbm>> -> memref<5x25x80xi32, #tpu.memory_space<hbm>>
        %dma_start3A_67 = arith.constant 0 : i32
        %dma_start3A_68 = arith.constant 0 : i32
        %dma_start3A_69 = tpu.memref_slice %dma_start3A_66[%add3A_26, %dma_start3A_67, %dma_start3A_68] : memref<5x25x80xi32, #tpu.memory_space<hbm>> -> memref<1x25x80xi32, #tpu.memory_space<hbm>>
        %dma_start3A_70 = tpu.memref_squeeze %dma_start3A_69 : memref<1x25x80xi32, #tpu.memory_space<hbm>> -> memref<25x80xi32, #tpu.memory_space<hbm>>
        %dma_start3A_71 = arith.constant 0 : i32
        %dma_start3A_72 = arith.constant 0 : i32
        %dma_start3A_73 = arith.constant 0 : i32
        %dma_start3A_74 = tpu.memref_slice %arg4[%add3A, %dma_start3A_71, %dma_start3A_72, %dma_start3A_73] : memref<32x5x25x80xi32, #tpu.memory_space<hbm>> -> memref<1x5x25x80xi32, #tpu.memory_space<hbm>>
        %dma_start3A_75 = tpu.memref_squeeze %dma_start3A_74 : memref<1x5x25x80xi32, #tpu.memory_space<hbm>> -> memref<5x25x80xi32, #tpu.memory_space<hbm>>
        %dma_start3A_76 = arith.constant 0 : i32
        %dma_start3A_77 = arith.constant 0 : i32
        %dma_start3A_78 = tpu.memref_slice %dma_start3A_75[%add3A_26, %dma_start3A_76, %dma_start3A_77] : memref<5x25x80xi32, #tpu.memory_space<hbm>> -> memref<1x25x80xi32, #tpu.memory_space<hbm>>
        %dma_start3A_79 = tpu.memref_squeeze %dma_start3A_78 : memref<1x25x80xi32, #tpu.memory_space<hbm>> -> memref<25x80xi32, #tpu.memory_space<hbm>>
        tpu.enqueue_dma source(%dma_start3A_79 : memref<25x80xi32, #tpu.memory_space<hbm>>) target(%arg8 : memref<25x80xi32, #tpu.memory_space<vmem>>) target_semaphore(%run_scoped3A_61 : memref<!tpu.dma_semaphore, #tpu.memory_space<semaphore_mem>>)
        %dma_wait3A_80 = arith.constant 0 : i32
        %dma_wait3A_81 = arith.constant 0 : i32
        %dma_wait3A_82 = arith.constant 0 : i32
        %dma_wait3A_83 = tpu.memref_slice %arg4[%add3A, %dma_wait3A_80, %dma_wait3A_81, %dma_wait3A_82] : memref<32x5x25x80xi32, #tpu.memory_space<hbm>> -> memref<1x5x25x80xi32, #tpu.memory_space<hbm>>
        %dma_wait3A_84 = tpu.memref_squeeze %dma_wait3A_83 : memref<1x5x25x80xi32, #tpu.memory_space<hbm>> -> memref<5x25x80xi32, #tpu.memory_space<hbm>>
        %dma_wait3A_85 = arith.constant 0 : i32
        %dma_wait3A_86 = arith.constant 0 : i32
        %dma_wait3A_87 = tpu.memref_slice %dma_wait3A_84[%add3A_26, %dma_wait3A_85, %dma_wait3A_86] : memref<5x25x80xi32, #tpu.memory_space<hbm>> -> memref<1x25x80xi32, #tpu.memory_space<hbm>>
        %dma_wait3A_88 = tpu.memref_squeeze %dma_wait3A_87 : memref<1x25x80xi32, #tpu.memory_space<hbm>> -> memref<25x80xi32, #tpu.memory_space<hbm>>
        %dma_wait3A_89 = arith.constant 0 : i32
        %dma_wait3A_90 = arith.constant 0 : i32
        %dma_wait3A_91 = arith.constant 0 : i32
        %dma_wait3A_92 = tpu.memref_slice %arg4[%add3A, %dma_wait3A_89, %dma_wait3A_90, %dma_wait3A_91] : memref<32x5x25x80xi32, #tpu.memory_space<hbm>> -> memref<1x5x25x80xi32, #tpu.memory_space<hbm>>
        %dma_wait3A_93 = tpu.memref_squeeze %dma_wait3A_92 : memref<1x5x25x80xi32, #tpu.memory_space<hbm>> -> memref<5x25x80xi32, #tpu.memory_space<hbm>>
        %dma_wait3A_94 = arith.constant 0 : i32
        %dma_wait3A_95 = arith.constant 0 : i32
        %dma_wait3A_96 = tpu.memref_slice %dma_wait3A_93[%add3A_26, %dma_wait3A_94, %dma_wait3A_95] : memref<5x25x80xi32, #tpu.memory_space<hbm>> -> memref<1x25x80xi32, #tpu.memory_space<hbm>>
        %dma_wait3A_97 = tpu.memref_squeeze %dma_wait3A_96 : memref<1x25x80xi32, #tpu.memory_space<hbm>> -> memref<25x80xi32, #tpu.memory_space<hbm>>
        tpu.wait_dma2 semaphore(%run_scoped3A_61 : memref<!tpu.dma_semaphore, #tpu.memory_space<semaphore_mem>>) src(%dma_wait3A_97 : memref<25x80xi32, #tpu.memory_space<hbm>>) dst(%arg8 : memref<25x80xi32, #tpu.memory_space<vmem>>)
        tpu.yield
      }) : () -> ()
      %dma_start3A = arith.constant 0 : i32
      %dma_start3A_27 = arith.constant 0 : i32
      %dma_start3A_28 = arith.constant 0 : i32
      %dma_start3A_29 = arith.constant 0 : i32
      %dma_start3A_30 = arith.constant 0 : i32
      %dma_start3A_31 = tpu.memref_slice %arg9[%dma_start3A_27, %dma_start3A_29, %dma_start3A_30] : memref<2x80x128xf32, #tpu.memory_space<vmem>> -> memref<1x80x128xf32, #tpu.memory_space<vmem>>
      %dma_start3A_32 = tpu.memref_squeeze %dma_start3A_31 : memref<1x80x128xf32, #tpu.memory_space<vmem>> -> memref<80x128xf32, #tpu.memory_space<vmem>>
      %dma_start3A_33 = arith.constant 0 : i32
      %dma_start3A_34 = tpu.memref_slice %arg7[%dma_start3A, %dma_start3A_33] : memref<25x80xi32, #tpu.memory_space<vmem>> -> memref<1x80xi32, #tpu.memory_space<vmem>>
      %dma_start3A_35 = tpu.memref_squeeze %dma_start3A_34 : memref<1x80xi32, #tpu.memory_space<vmem>> -> memref<80xi32, #tpu.memory_space<vmem>>
      %dma_start3A_36 = arith.constant 0 : i32
      %dma_start3A_37 = arith.constant 0 : i32
      %dma_start3A_38 = tpu.memref_slice %arg2[%dma_start3A_36, %dma_start3A_37] : memref<10000x128xf32, #tpu.memory_space<hbm>> -> memref<10000x128xf32, #tpu.memory_space<hbm>>
      %dma_start3A_39 = tpu.memref_slice %arg11[%dma_start3A_28] : memref<2x!tpu.dma_semaphore, #tpu.memory_space<semaphore_mem>> -> memref<1x!tpu.dma_semaphore, #tpu.memory_space<semaphore_mem>>
      %dma_start3A_40 = tpu.memref_squeeze %dma_start3A_39 : memref<1x!tpu.dma_semaphore, #tpu.memory_space<semaphore_mem>> -> memref<!tpu.dma_semaphore, #tpu.memory_space<semaphore_mem>>
      tpu.enqueue_indirect_dma source(%dma_start3A_38 : memref<10000x128xf32, #tpu.memory_space<hbm>>) target(%dma_start3A_32 : memref<80x128xf32, #tpu.memory_space<vmem>>) offsets(%dma_start3A_35 : memref<80xi32, #tpu.memory_space<vmem>>) semaphore(%dma_start3A_40 : memref<!tpu.dma_semaphore, #tpu.memory_space<semaphore_mem>>)
      %scan3A_41 = arith.constant 0 : i32
      %scan3A_42 = arith.constant 12 : i32
      %scan3A_43 = arith.addi %scan3A_41, %scan3A_42 : i32
      %scan3A_44 = arith.constant 1 : i32
      scf.for %scan3A_61 = %scan3A_41 to %scan3A_43 step %scan3A_44  : i32 {
        %mul3A_62 = arith.constant 2 : i32
        %mul3A_63 = arith.muli %scan3A_61, %mul3A_62 : i32
        %add3A_64 = arith.constant 1 : i32
        %add3A_65 = arith.addi %add3A_64, %mul3A_63 : i32
        %dma_start3A_66 = arith.constant 1 : i32
        %dma_start3A_67 = arith.constant 1 : i32
        %dma_start3A_68 = arith.constant 0 : i32
        %dma_start3A_69 = arith.constant 0 : i32
        %dma_start3A_70 = tpu.memref_slice %arg9[%dma_start3A_66, %dma_start3A_68, %dma_start3A_69] : memref<2x80x128xf32, #tpu.memory_space<vmem>> -> memref<1x80x128xf32, #tpu.memory_space<vmem>>
        %dma_start3A_71 = tpu.memref_squeeze %dma_start3A_70 : memref<1x80x128xf32, #tpu.memory_space<vmem>> -> memref<80x128xf32, #tpu.memory_space<vmem>>
        %dma_start3A_72 = arith.constant 0 : i32
        %dma_start3A_73 = tpu.memref_slice %arg7[%add3A_65, %dma_start3A_72] : memref<25x80xi32, #tpu.memory_space<vmem>> -> memref<1x80xi32, #tpu.memory_space<vmem>>
        %dma_start3A_74 = tpu.memref_squeeze %dma_start3A_73 : memref<1x80xi32, #tpu.memory_space<vmem>> -> memref<80xi32, #tpu.memory_space<vmem>>
        %dma_start3A_75 = arith.constant 0 : i32
        %dma_start3A_76 = arith.constant 0 : i32
        %dma_start3A_77 = tpu.memref_slice %arg2[%dma_start3A_75, %dma_start3A_76] : memref<10000x128xf32, #tpu.memory_space<hbm>> -> memref<10000x128xf32, #tpu.memory_space<hbm>>
        %dma_start3A_78 = tpu.memref_slice %arg11[%dma_start3A_67] : memref<2x!tpu.dma_semaphore, #tpu.memory_space<semaphore_mem>> -> memref<1x!tpu.dma_semaphore, #tpu.memory_space<semaphore_mem>>
        %dma_start3A_79 = tpu.memref_squeeze %dma_start3A_78 : memref<1x!tpu.dma_semaphore, #tpu.memory_space<semaphore_mem>> -> memref<!tpu.dma_semaphore, #tpu.memory_space<semaphore_mem>>
        tpu.enqueue_indirect_dma source(%dma_start3A_77 : memref<10000x128xf32, #tpu.memory_space<hbm>>) target(%dma_start3A_71 : memref<80x128xf32, #tpu.memory_space<vmem>>) offsets(%dma_start3A_74 : memref<80xi32, #tpu.memory_space<vmem>>) semaphore(%dma_start3A_79 : memref<!tpu.dma_semaphore, #tpu.memory_space<semaphore_mem>>)
        %sub3A = arith.constant 1 : i32
        %sub3A_80 = arith.subi %add3A_65, %sub3A : i32
        %dma_wait3A_81 = arith.constant 0 : i32
        %dma_wait3A_82 = arith.constant 0 : i32
        %dma_wait3A_83 = arith.constant 0 : i32
        %dma_wait3A_84 = arith.constant 0 : i32
        %dma_wait3A_85 = tpu.memref_slice %arg9[%dma_wait3A_81, %dma_wait3A_83, %dma_wait3A_84] : memref<2x80x128xf32, #tpu.memory_space<vmem>> -> memref<1x80x128xf32, #tpu.memory_space<vmem>>
        %dma_wait3A_86 = tpu.memref_squeeze %dma_wait3A_85 : memref<1x80x128xf32, #tpu.memory_space<vmem>> -> memref<80x128xf32, #tpu.memory_space<vmem>>
        %dma_wait3A_87 = arith.constant 0 : i32
        %dma_wait3A_88 = tpu.memref_slice %arg7[%sub3A_80, %dma_wait3A_87] : memref<25x80xi32, #tpu.memory_space<vmem>> -> memref<1x80xi32, #tpu.memory_space<vmem>>
        %dma_wait3A_89 = tpu.memref_squeeze %dma_wait3A_88 : memref<1x80xi32, #tpu.memory_space<vmem>> -> memref<80xi32, #tpu.memory_space<vmem>>
        %dma_wait3A_90 = arith.constant 0 : i32
        %dma_wait3A_91 = arith.constant 0 : i32
        %dma_wait3A_92 = tpu.memref_slice %arg2[%dma_wait3A_90, %dma_wait3A_91] : memref<10000x128xf32, #tpu.memory_space<hbm>> -> memref<10000x128xf32, #tpu.memory_space<hbm>>
        %dma_wait3A_93 = tpu.memref_slice %arg11[%dma_wait3A_82] : memref<2x!tpu.dma_semaphore, #tpu.memory_space<semaphore_mem>> -> memref<1x!tpu.dma_semaphore, #tpu.memory_space<semaphore_mem>>
        %dma_wait3A_94 = tpu.memref_squeeze %dma_wait3A_93 : memref<1x!tpu.dma_semaphore, #tpu.memory_space<semaphore_mem>> -> memref<!tpu.dma_semaphore, #tpu.memory_space<semaphore_mem>>
        tpu.wait_indirect_dma semaphore(%dma_wait3A_94 : memref<!tpu.dma_semaphore, #tpu.memory_space<semaphore_mem>>) src(%dma_wait3A_92 : memref<10000x128xf32, #tpu.memory_space<hbm>>) dst(%dma_wait3A_86 : memref<80x128xf32, #tpu.memory_space<vmem>>)
        %run_scoped3A_95 = arith.constant 0 : i32
        "tpu.region"() ({
          %run_scoped3A_127 = tpu.sem_alloc : memref<!tpu.dma_semaphore, #tpu.memory_space<semaphore_mem>>
          %dma_start3A_128 = arith.constant 0 : i32
          %dma_start3A_129 = arith.constant 0 : i32
          %dma_start3A_130 = tpu.memref_slice %arg9[%run_scoped3A_95, %dma_start3A_128, %dma_start3A_129] : memref<2x80x128xf32, #tpu.memory_space<vmem>> -> memref<1x80x128xf32, #tpu.memory_space<vmem>>
          %dma_start3A_131 = tpu.memref_squeeze %dma_start3A_130 : memref<1x80x128xf32, #tpu.memory_space<vmem>> -> memref<80x128xf32, #tpu.memory_space<vmem>>
          %dma_start3A_132 = arith.constant 0 : i32
          %dma_start3A_133 = tpu.memref_slice %arg8[%sub3A_80, %dma_start3A_132] : memref<25x80xi32, #tpu.memory_space<vmem>> -> memref<1x80xi32, #tpu.memory_space<vmem>>
          %dma_start3A_134 = tpu.memref_squeeze %dma_start3A_133 : memref<1x80xi32, #tpu.memory_space<vmem>> -> memref<80xi32, #tpu.memory_space<vmem>>
          %dma_start3A_135 = arith.constant 0 : i32
          %dma_start3A_136 = arith.constant 0 : i32
          %dma_start3A_137 = tpu.memref_slice %arg10[%dma_start3A_135, %dma_start3A_136] : memref<10000x128xf32, #tpu.memory_space<vmem_shared>> -> memref<10000x128xf32, #tpu.memory_space<vmem_shared>>
          tpu.enqueue_indirect_dma source(%dma_start3A_131 : memref<80x128xf32, #tpu.memory_space<vmem>>) target(%dma_start3A_137 : memref<10000x128xf32, #tpu.memory_space<vmem_shared>>) offsets(%dma_start3A_134 : memref<80xi32, #tpu.memory_space<vmem>>) semaphore(%run_scoped3A_127 : memref<!tpu.dma_semaphore, #tpu.memory_space<semaphore_mem>>) {add = true}
          %dma_wait3A_138 = arith.constant 0 : i32
          %dma_wait3A_139 = arith.constant 0 : i32
          %dma_wait3A_140 = tpu.memref_slice %arg9[%run_scoped3A_95, %dma_wait3A_138, %dma_wait3A_139] : memref<2x80x128xf32, #tpu.memory_space<vmem>> -> memref<1x80x128xf32, #tpu.memory_space<vmem>>
          %dma_wait3A_141 = tpu.memref_squeeze %dma_wait3A_140 : memref<1x80x128xf32, #tpu.memory_space<vmem>> -> memref<80x128xf32, #tpu.memory_space<vmem>>
          %dma_wait3A_142 = arith.constant 0 : i32
          %dma_wait3A_143 = tpu.memref_slice %arg8[%sub3A_80, %dma_wait3A_142] : memref<25x80xi32, #tpu.memory_space<vmem>> -> memref<1x80xi32, #tpu.memory_space<vmem>>
          %dma_wait3A_144 = tpu.memref_squeeze %dma_wait3A_143 : memref<1x80xi32, #tpu.memory_space<vmem>> -> memref<80xi32, #tpu.memory_space<vmem>>
          %dma_wait3A_145 = arith.constant 0 : i32
          %dma_wait3A_146 = arith.constant 0 : i32
          %dma_wait3A_147 = tpu.memref_slice %arg10[%dma_wait3A_145, %dma_wait3A_146] : memref<10000x128xf32, #tpu.memory_space<vmem_shared>> -> memref<10000x128xf32, #tpu.memory_space<vmem_shared>>
          tpu.wait_indirect_dma semaphore(%run_scoped3A_127 : memref<!tpu.dma_semaphore, #tpu.memory_space<semaphore_mem>>) src(%dma_wait3A_141 : memref<80x128xf32, #tpu.memory_space<vmem>>) dst(%dma_wait3A_147 : memref<10000x128xf32, #tpu.memory_space<vmem_shared>>)
          tpu.yield
        }) : () -> ()
        %add3A_96 = arith.constant 1 : i32
        %add3A_97 = arith.addi %add3A_65, %add3A_96 : i32
        %dma_start3A_98 = arith.constant 0 : i32
        %dma_start3A_99 = arith.constant 0 : i32
        %dma_start3A_100 = arith.constant 0 : i32
        %dma_start3A_101 = arith.constant 0 : i32
        %dma_start3A_102 = tpu.memref_slice %arg9[%dma_start3A_98, %dma_start3A_100, %dma_start3A_101] : memref<2x80x128xf32, #tpu.memory_space<vmem>> -> memref<1x80x128xf32, #tpu.memory_space<vmem>>
        %dma_start3A_103 = tpu.memref_squeeze %dma_start3A_102 : memref<1x80x128xf32, #tpu.memory_space<vmem>> -> memref<80x128xf32, #tpu.memory_space<vmem>>
        %dma_start3A_104 = arith.constant 0 : i32
        %dma_start3A_105 = tpu.memref_slice %arg7[%add3A_97, %dma_start3A_104] : memref<25x80xi32, #tpu.memory_space<vmem>> -> memref<1x80xi32, #tpu.memory_space<vmem>>
        %dma_start3A_106 = tpu.memref_squeeze %dma_start3A_105 : memref<1x80xi32, #tpu.memory_space<vmem>> -> memref<80xi32, #tpu.memory_space<vmem>>
        %dma_start3A_107 = arith.constant 0 : i32
        %dma_start3A_108 = arith.constant 0 : i32
        %dma_start3A_109 = tpu.memref_slice %arg2[%dma_start3A_107, %dma_start3A_108] : memref<10000x128xf32, #tpu.memory_space<hbm>> -> memref<10000x128xf32, #tpu.memory_space<hbm>>
        %dma_start3A_110 = tpu.memref_slice %arg11[%dma_start3A_99] : memref<2x!tpu.dma_semaphore, #tpu.memory_space<semaphore_mem>> -> memref<1x!tpu.dma_semaphore, #tpu.memory_space<semaphore_mem>>
        %dma_start3A_111 = tpu.memref_squeeze %dma_start3A_110 : memref<1x!tpu.dma_semaphore, #tpu.memory_space<semaphore_mem>> -> memref<!tpu.dma_semaphore, #tpu.memory_space<semaphore_mem>>
        tpu.enqueue_indirect_dma source(%dma_start3A_109 : memref<10000x128xf32, #tpu.memory_space<hbm>>) target(%dma_start3A_103 : memref<80x128xf32, #tpu.memory_space<vmem>>) offsets(%dma_start3A_106 : memref<80xi32, #tpu.memory_space<vmem>>) semaphore(%dma_start3A_111 : memref<!tpu.dma_semaphore, #tpu.memory_space<semaphore_mem>>)
        %dma_wait3A_112 = arith.constant 1 : i32
        %dma_wait3A_113 = arith.constant 1 : i32
        %dma_wait3A_114 = arith.constant 0 : i32
        %dma_wait3A_115 = arith.constant 0 : i32
        %dma_wait3A_116 = tpu.memref_slice %arg9[%dma_wait3A_112, %dma_wait3A_114, %dma_wait3A_115] : memref<2x80x128xf32, #tpu.memory_space<vmem>> -> memref<1x80x128xf32, #tpu.memory_space<vmem>>
        %dma_wait3A_117 = tpu.memref_squeeze %dma_wait3A_116 : memref<1x80x128xf32, #tpu.memory_space<vmem>> -> memref<80x128xf32, #tpu.memory_space<vmem>>
        %dma_wait3A_118 = arith.constant 0 : i32
        %dma_wait3A_119 = tpu.memref_slice %arg7[%add3A_65, %dma_wait3A_118] : memref<25x80xi32, #tpu.memory_space<vmem>> -> memref<1x80xi32, #tpu.memory_space<vmem>>
        %dma_wait3A_120 = tpu.memref_squeeze %dma_wait3A_119 : memref<1x80xi32, #tpu.memory_space<vmem>> -> memref<80xi32, #tpu.memory_space<vmem>>
        %dma_wait3A_121 = arith.constant 0 : i32
        %dma_wait3A_122 = arith.constant 0 : i32
        %dma_wait3A_123 = tpu.memref_slice %arg2[%dma_wait3A_121, %dma_wait3A_122] : memref<10000x128xf32, #tpu.memory_space<hbm>> -> memref<10000x128xf32, #tpu.memory_space<hbm>>
        %dma_wait3A_124 = tpu.memref_slice %arg11[%dma_wait3A_113] : memref<2x!tpu.dma_semaphore, #tpu.memory_space<semaphore_mem>> -> memref<1x!tpu.dma_semaphore, #tpu.memory_space<semaphore_mem>>
        %dma_wait3A_125 = tpu.memref_squeeze %dma_wait3A_124 : memref<1x!tpu.dma_semaphore, #tpu.memory_space<semaphore_mem>> -> memref<!tpu.dma_semaphore, #tpu.memory_space<semaphore_mem>>
        tpu.wait_indirect_dma semaphore(%dma_wait3A_125 : memref<!tpu.dma_semaphore, #tpu.memory_space<semaphore_mem>>) src(%dma_wait3A_123 : memref<10000x128xf32, #tpu.memory_space<hbm>>) dst(%dma_wait3A_117 : memref<80x128xf32, #tpu.memory_space<vmem>>)
        %run_scoped3A_126 = arith.constant 1 : i32
        "tpu.region"() ({
          %run_scoped3A_127 = tpu.sem_alloc : memref<!tpu.dma_semaphore, #tpu.memory_space<semaphore_mem>>
          %dma_start3A_128 = arith.constant 0 : i32
          %dma_start3A_129 = arith.constant 0 : i32
          %dma_start3A_130 = tpu.memref_slice %arg9[%run_scoped3A_126, %dma_start3A_128, %dma_start3A_129] : memref<2x80x128xf32, #tpu.memory_space<vmem>> -> memref<1x80x128xf32, #tpu.memory_space<vmem>>
          %dma_start3A_131 = tpu.memref_squeeze %dma_start3A_130 : memref<1x80x128xf32, #tpu.memory_space<vmem>> -> memref<80x128xf32, #tpu.memory_space<vmem>>
          %dma_start3A_132 = arith.constant 0 : i32
          %dma_start3A_133 = tpu.memref_slice %arg8[%add3A_65, %dma_start3A_132] : memref<25x80xi32, #tpu.memory_space<vmem>> -> memref<1x80xi32, #tpu.memory_space<vmem>>
          %dma_start3A_134 = tpu.memref_squeeze %dma_start3A_133 : memref<1x80xi32, #tpu.memory_space<vmem>> -> memref<80xi32, #tpu.memory_space<vmem>>
          %dma_start3A_135 = arith.constant 0 : i32
          %dma_start3A_136 = arith.constant 0 : i32
          %dma_start3A_137 = tpu.memref_slice %arg10[%dma_start3A_135, %dma_start3A_136] : memref<10000x128xf32, #tpu.memory_space<vmem_shared>> -> memref<10000x128xf32, #tpu.memory_space<vmem_shared>>
          tpu.enqueue_indirect_dma source(%dma_start3A_131 : memref<80x128xf32, #tpu.memory_space<vmem>>) target(%dma_start3A_137 : memref<10000x128xf32, #tpu.memory_space<vmem_shared>>) offsets(%dma_start3A_134 : memref<80xi32, #tpu.memory_space<vmem>>) semaphore(%run_scoped3A_127 : memref<!tpu.dma_semaphore, #tpu.memory_space<semaphore_mem>>) {add = true}
          %dma_wait3A_138 = arith.constant 0 : i32
          %dma_wait3A_139 = arith.constant 0 : i32
          %dma_wait3A_140 = tpu.memref_slice %arg9[%run_scoped3A_126, %dma_wait3A_138, %dma_wait3A_139] : memref<2x80x128xf32, #tpu.memory_space<vmem>> -> memref<1x80x128xf32, #tpu.memory_space<vmem>>
          %dma_wait3A_141 = tpu.memref_squeeze %dma_wait3A_140 : memref<1x80x128xf32, #tpu.memory_space<vmem>> -> memref<80x128xf32, #tpu.memory_space<vmem>>
          %dma_wait3A_142 = arith.constant 0 : i32
          %dma_wait3A_143 = tpu.memref_slice %arg8[%add3A_65, %dma_wait3A_142] : memref<25x80xi32, #tpu.memory_space<vmem>> -> memref<1x80xi32, #tpu.memory_space<vmem>>
          %dma_wait3A_144 = tpu.memref_squeeze %dma_wait3A_143 : memref<1x80xi32, #tpu.memory_space<vmem>> -> memref<80xi32, #tpu.memory_space<vmem>>
          %dma_wait3A_145 = arith.constant 0 : i32
          %dma_wait3A_146 = arith.constant 0 : i32
          %dma_wait3A_147 = tpu.memref_slice %arg10[%dma_wait3A_145, %dma_wait3A_146] : memref<10000x128xf32, #tpu.memory_space<vmem_shared>> -> memref<10000x128xf32, #tpu.memory_space<vmem_shared>>
          tpu.wait_indirect_dma semaphore(%run_scoped3A_127 : memref<!tpu.dma_semaphore, #tpu.memory_space<semaphore_mem>>) src(%dma_wait3A_141 : memref<80x128xf32, #tpu.memory_space<vmem>>) dst(%dma_wait3A_147 : memref<10000x128xf32, #tpu.memory_space<vmem_shared>>)
          tpu.yield
        }) : () -> ()
      }
      %scan3A_45 = arith.constant 12 : i32
      %dma_wait3A = arith.constant 24 : i32
      %dma_wait3A_46 = arith.constant 0 : i32
      %dma_wait3A_47 = arith.constant 0 : i32
      %dma_wait3A_48 = arith.constant 0 : i32
      %dma_wait3A_49 = arith.constant 0 : i32
      %dma_wait3A_50 = tpu.memref_slice %arg9[%dma_wait3A_46, %dma_wait3A_48, %dma_wait3A_49] : memref<2x80x128xf32, #tpu.memory_space<vmem>> -> memref<1x80x128xf32, #tpu.memory_space<vmem>>
      %dma_wait3A_51 = tpu.memref_squeeze %dma_wait3A_50 : memref<1x80x128xf32, #tpu.memory_space<vmem>> -> memref<80x128xf32, #tpu.memory_space<vmem>>
      %dma_wait3A_52 = arith.constant 0 : i32
      %dma_wait3A_53 = tpu.memref_slice %arg7[%dma_wait3A, %dma_wait3A_52] : memref<25x80xi32, #tpu.memory_space<vmem>> -> memref<1x80xi32, #tpu.memory_space<vmem>>
      %dma_wait3A_54 = tpu.memref_squeeze %dma_wait3A_53 : memref<1x80xi32, #tpu.memory_space<vmem>> -> memref<80xi32, #tpu.memory_space<vmem>>
      %dma_wait3A_55 = arith.constant 0 : i32
      %dma_wait3A_56 = arith.constant 0 : i32
      %dma_wait3A_57 = tpu.memref_slice %arg2[%dma_wait3A_55, %dma_wait3A_56] : memref<10000x128xf32, #tpu.memory_space<hbm>> -> memref<10000x128xf32, #tpu.memory_space<hbm>>
      %dma_wait3A_58 = tpu.memref_slice %arg11[%dma_wait3A_47] : memref<2x!tpu.dma_semaphore, #tpu.memory_space<semaphore_mem>> -> memref<1x!tpu.dma_semaphore, #tpu.memory_space<semaphore_mem>>
      %dma_wait3A_59 = tpu.memref_squeeze %dma_wait3A_58 : memref<1x!tpu.dma_semaphore, #tpu.memory_space<semaphore_mem>> -> memref<!tpu.dma_semaphore, #tpu.memory_space<semaphore_mem>>
      tpu.wait_indirect_dma semaphore(%dma_wait3A_59 : memref<!tpu.dma_semaphore, #tpu.memory_space<semaphore_mem>>) src(%dma_wait3A_57 : memref<10000x128xf32, #tpu.memory_space<hbm>>) dst(%dma_wait3A_51 : memref<80x128xf32, #tpu.memory_space<vmem>>)
      %run_scoped3A = arith.constant 0 : i32
      %run_scoped3A_60 = arith.constant 24 : i32
      "tpu.region"() ({
        %run_scoped3A_61 = tpu.sem_alloc : memref<!tpu.dma_semaphore, #tpu.memory_space<semaphore_mem>>
        %dma_start3A_62 = arith.constant 0 : i32
        %dma_start3A_63 = arith.constant 0 : i32
        %dma_start3A_64 = tpu.memref_slice %arg9[%run_scoped3A, %dma_start3A_62, %dma_start3A_63] : memref<2x80x128xf32, #tpu.memory_space<vmem>> -> memref<1x80x128xf32, #tpu.memory_space<vmem>>
        %dma_start3A_65 = tpu.memref_squeeze %dma_start3A_64 : memref<1x80x128xf32, #tpu.memory_space<vmem>> -> memref<80x128xf32, #tpu.memory_space<vmem>>
        %dma_start3A_66 = arith.constant 0 : i32
        %dma_start3A_67 = tpu.memref_slice %arg8[%run_scoped3A_60, %dma_start3A_66] : memref<25x80xi32, #tpu.memory_space<vmem>> -> memref<1x80xi32, #tpu.memory_space<vmem>>
        %dma_start3A_68 = tpu.memref_squeeze %dma_start3A_67 : memref<1x80xi32, #tpu.memory_space<vmem>> -> memref<80xi32, #tpu.memory_space<vmem>>
        %dma_start3A_69 = arith.constant 0 : i32
        %dma_start3A_70 = arith.constant 0 : i32
        %dma_start3A_71 = tpu.memref_slice %arg10[%dma_start3A_69, %dma_start3A_70] : memref<10000x128xf32, #tpu.memory_space<vmem_shared>> -> memref<10000x128xf32, #tpu.memory_space<vmem_shared>>
        tpu.enqueue_indirect_dma source(%dma_start3A_65 : memref<80x128xf32, #tpu.memory_space<vmem>>) target(%dma_start3A_71 : memref<10000x128xf32, #tpu.memory_space<vmem_shared>>) offsets(%dma_start3A_68 : memref<80xi32, #tpu.memory_space<vmem>>) semaphore(%run_scoped3A_61 : memref<!tpu.dma_semaphore, #tpu.memory_space<semaphore_mem>>) {add = true}
        %dma_wait3A_72 = arith.constant 0 : i32
        %dma_wait3A_73 = arith.constant 0 : i32
        %dma_wait3A_74 = tpu.memref_slice %arg9[%run_scoped3A, %dma_wait3A_72, %dma_wait3A_73] : memref<2x80x128xf32, #tpu.memory_space<vmem>> -> memref<1x80x128xf32, #tpu.memory_space<vmem>>
        %dma_wait3A_75 = tpu.memref_squeeze %dma_wait3A_74 : memref<1x80x128xf32, #tpu.memory_space<vmem>> -> memref<80x128xf32, #tpu.memory_space<vmem>>
        %dma_wait3A_76 = arith.constant 0 : i32
        %dma_wait3A_77 = tpu.memref_slice %arg8[%run_scoped3A_60, %dma_wait3A_76] : memref<25x80xi32, #tpu.memory_space<vmem>> -> memref<1x80xi32, #tpu.memory_space<vmem>>
        %dma_wait3A_78 = tpu.memref_squeeze %dma_wait3A_77 : memref<1x80xi32, #tpu.memory_space<vmem>> -> memref<80xi32, #tpu.memory_space<vmem>>
        %dma_wait3A_79 = arith.constant 0 : i32
        %dma_wait3A_80 = arith.constant 0 : i32
        %dma_wait3A_81 = tpu.memref_slice %arg10[%dma_wait3A_79, %dma_wait3A_80] : memref<10000x128xf32, #tpu.memory_space<vmem_shared>> -> memref<10000x128xf32, #tpu.memory_space<vmem_shared>>
        tpu.wait_indirect_dma semaphore(%run_scoped3A_61 : memref<!tpu.dma_semaphore, #tpu.memory_space<semaphore_mem>>) src(%dma_wait3A_75 : memref<80x128xf32, #tpu.memory_space<vmem>>) dst(%dma_wait3A_81 : memref<10000x128xf32, #tpu.memory_space<vmem_shared>>)
        tpu.yield
      }) : () -> ()
    }
    %scan3A_10 = arith.constant 5 : i32
    %barrier3A_11 = arith.constant 0 : index
    tpu.barrier barrier_id(%barrier3A_11)
    %lt3A_12 = arith.constant 15 : i32
    %lt3A_13 = arith.cmpi slt, %arg1, %lt3A_12 : i32
    %convert_element_type3A_14 = arith.extui %lt3A_13 : i1 to i32
    %cond3A_15 = arith.constant 0 : i32
    %cond3A_16 = arith.cmpi ne, %convert_element_type3A_14, %cond3A_15 : i32
    scf.if %cond3A_16 {
      %mul3A_22 = arith.constant 624 : i32
      %mul3A_23 = arith.muli %arg1, %mul3A_22 : i32
      %mul3A_24 = arith.constant 624 : i32
      %mul3A_25 = arith.muli %arg1, %mul3A_24 : i32
      "tpu.region"() ({
        %run_scoped3A = tpu.sem_alloc : memref<!tpu.dma_semaphore, #tpu.memory_space<semaphore_mem>>
        %dma_start3A = arith.constant 0 : i32
        %dma_start3A_26 = arith.constant 0 : i32
        %dma_start3A_27 = tpu.memref_slice %arg6[%arg0, %dma_start3A, %dma_start3A_26] : memref<2x10000x128xf32, #tpu.memory_space<hbm>> -> memref<1x10000x128xf32, #tpu.memory_space<hbm>>
        %dma_start3A_28 = tpu.memref_squeeze %dma_start3A_27 : memref<1x10000x128xf32, #tpu.memory_space<hbm>> -> memref<10000x128xf32, #tpu.memory_space<hbm>>
        %dma_start3A_29 = arith.constant 0 : i32
        %dma_start3A_30 = tpu.memref_slice %dma_start3A_28[%mul3A_25, %dma_start3A_29] : memref<10000x128xf32, #tpu.memory_space<hbm>> -> memref<624x128xf32, #tpu.memory_space<hbm>>
        %dma_start3A_31 = arith.constant 0 : i32
        %dma_start3A_32 = tpu.memref_slice %arg10[%mul3A_23, %dma_start3A_31] : memref<10000x128xf32, #tpu.memory_space<vmem_shared>> -> memref<624x128xf32, #tpu.memory_space<vmem_shared>>
        tpu.enqueue_dma source(%dma_start3A_32 : memref<624x128xf32, #tpu.memory_space<vmem_shared>>) target(%dma_start3A_30 : memref<624x128xf32, #tpu.memory_space<hbm>>) target_semaphore(%run_scoped3A : memref<!tpu.dma_semaphore, #tpu.memory_space<semaphore_mem>>)
        %dma_wait3A = arith.constant 0 : i32
        %dma_wait3A_33 = arith.constant 0 : i32
        %dma_wait3A_34 = tpu.memref_slice %arg6[%arg0, %dma_wait3A, %dma_wait3A_33] : memref<2x10000x128xf32, #tpu.memory_space<hbm>> -> memref<1x10000x128xf32, #tpu.memory_space<hbm>>
        %dma_wait3A_35 = tpu.memref_squeeze %dma_wait3A_34 : memref<1x10000x128xf32, #tpu.memory_space<hbm>> -> memref<10000x128xf32, #tpu.memory_space<hbm>>
        %dma_wait3A_36 = arith.constant 0 : i32
        %dma_wait3A_37 = tpu.memref_slice %dma_wait3A_35[%mul3A_25, %dma_wait3A_36] : memref<10000x128xf32, #tpu.memory_space<hbm>> -> memref<624x128xf32, #tpu.memory_space<hbm>>
        %dma_wait3A_38 = arith.constant 0 : i32
        %dma_wait3A_39 = tpu.memref_slice %arg10[%mul3A_23, %dma_wait3A_38] : memref<10000x128xf32, #tpu.memory_space<vmem_shared>> -> memref<624x128xf32, #tpu.memory_space<vmem_shared>>
        tpu.wait_dma2 semaphore(%run_scoped3A : memref<!tpu.dma_semaphore, #tpu.memory_space<semaphore_mem>>) src(%dma_wait3A_39 : memref<624x128xf32, #tpu.memory_space<vmem_shared>>) dst(%dma_wait3A_37 : memref<624x128xf32, #tpu.memory_space<hbm>>)
        tpu.yield
      }) : () -> ()
    } else {
    }
    %eq3A_17 = arith.constant 15 : i32
    %eq3A_18 = arith.cmpi eq, %arg1, %eq3A_17 : i32
    %convert_element_type3A_19 = arith.extui %eq3A_18 : i1 to i32
    %cond3A_20 = arith.constant 0 : i32
    %cond3A_21 = arith.cmpi ne, %convert_element_type3A_19, %cond3A_20 : i32
    scf.if %cond3A_21 {
      "tpu.region"() ({
        %run_scoped3A = tpu.sem_alloc : memref<!tpu.dma_semaphore, #tpu.memory_space<semaphore_mem>>
        %dma_start3A = arith.constant 0 : i32
        %dma_start3A_22 = arith.constant 0 : i32
        %dma_start3A_23 = tpu.memref_slice %arg6[%arg0, %dma_start3A, %dma_start3A_22] : memref<2x10000x128xf32, #tpu.memory_space<hbm>> -> memref<1x10000x128xf32, #tpu.memory_space<hbm>>
        %dma_start3A_24 = tpu.memref_squeeze %dma_start3A_23 : memref<1x10000x128xf32, #tpu.memory_space<hbm>> -> memref<10000x128xf32, #tpu.memory_space<hbm>>
        %dma_start3A_25 = arith.constant 9360 : i32
        %dma_start3A_26 = arith.constant 0 : i32
        %dma_start3A_27 = tpu.memref_slice %dma_start3A_24[%dma_start3A_25, %dma_start3A_26] : memref<10000x128xf32, #tpu.memory_space<hbm>> -> memref<640x128xf32, #tpu.memory_space<hbm>>
        %dma_start3A_28 = arith.constant 9360 : i32
        %dma_start3A_29 = arith.constant 0 : i32
        %dma_start3A_30 = tpu.memref_slice %arg10[%dma_start3A_28, %dma_start3A_29] : memref<10000x128xf32, #tpu.memory_space<vmem_shared>> -> memref<640x128xf32, #tpu.memory_space<vmem_shared>>
        tpu.enqueue_dma source(%dma_start3A_30 : memref<640x128xf32, #tpu.memory_space<vmem_shared>>) target(%dma_start3A_27 : memref<640x128xf32, #tpu.memory_space<hbm>>) target_semaphore(%run_scoped3A : memref<!tpu.dma_semaphore, #tpu.memory_space<semaphore_mem>>)
        %dma_wait3A = arith.constant 0 : i32
        %dma_wait3A_31 = arith.constant 0 : i32
        %dma_wait3A_32 = tpu.memref_slice %arg6[%arg0, %dma_wait3A, %dma_wait3A_31] : memref<2x10000x128xf32, #tpu.memory_space<hbm>> -> memref<1x10000x128xf32, #tpu.memory_space<hbm>>
        %dma_wait3A_33 = tpu.memref_squeeze %dma_wait3A_32 : memref<1x10000x128xf32, #tpu.memory_space<hbm>> -> memref<10000x128xf32, #tpu.memory_space<hbm>>
        %dma_wait3A_34 = arith.constant 9360 : i32
        %dma_wait3A_35 = arith.constant 0 : i32
        %dma_wait3A_36 = tpu.memref_slice %dma_wait3A_33[%dma_wait3A_34, %dma_wait3A_35] : memref<10000x128xf32, #tpu.memory_space<hbm>> -> memref<640x128xf32, #tpu.memory_space<hbm>>
        %dma_wait3A_37 = arith.constant 9360 : i32
        %dma_wait3A_38 = arith.constant 0 : i32
        %dma_wait3A_39 = tpu.memref_slice %arg10[%dma_wait3A_37, %dma_wait3A_38] : memref<10000x128xf32, #tpu.memory_space<vmem_shared>> -> memref<640x128xf32, #tpu.memory_space<vmem_shared>>
        tpu.wait_dma2 semaphore(%run_scoped3A : memref<!tpu.dma_semaphore, #tpu.memory_space<semaphore_mem>>) src(%dma_wait3A_39 : memref<640x128xf32, #tpu.memory_space<vmem_shared>>) dst(%dma_wait3A_36 : memref<640x128xf32, #tpu.memory_space<hbm>>)
        tpu.yield
      }) : () -> ()
    } else {
    }
    return
  }
}

#map = affine_map<(d0, d1) -> (0, 0)>
#map1 = affine_map<(d0, d1) -> (0, 0, 0, 0)>
#map2 = affine_map<(d0, d1) -> (0, 0, 0)>
module attributes {stable_mosaic.version = 14 : i64} {
  func.func @agg(%arg0: i32, %arg1: i32, %arg2: memref<10000x128xf32, #tpu.memory_space<hbm>>, %arg3: memref<32x5x25x80xi32, #tpu.memory_space<hbm>>, %arg4: memref<32x5x25x80xi32, #tpu.memory_space<hbm>>, %arg5: memref<10000x128xf32, #tpu.memory_space<hbm>>, %arg6: memref<2x10000x128xf32, #tpu.memory_space<hbm>>, %arg7: memref<25x80xi32, #tpu.memory_space<vmem>>, %arg8: memref<25x80xi32, #tpu.memory_space<vmem>>, %arg9: memref<2x80x128xf32, #tpu.memory_space<vmem>>, %arg10: memref<10000x128xf32, #tpu.memory_space<vmem_shared>>, %arg11: memref<2x!tpu.dma_semaphore, #tpu.memory_space<semaphore_mem>>) attributes {dimension_semantics = [#tpu.dimension_semantics<core_parallel>, #tpu.dimension_semantics<subcore_parallel>], iteration_bounds = array<i64: 2, 16>, scalar_prefetch = 0 : i64, scratch_operands = 5 : i64, tpu.core_type = #tpu.core_type<sc_vector_subcore>, window_params = [{transform_indices = #map}, {transform_indices = #map1}, {transform_indices = #map1}, {transform_indices = #map}, {transform_indices = #map2}]} {
    %mul3A = arith.constant 16 : i32
    %mul3A_0 = arith.muli %arg0, %mul3A : i32
    %add3A = arith.addi %mul3A_0, %arg1 : i32
    %lt3A = arith.constant 15 : i32
    %lt3A_1 = arith.cmpi slt, %arg1, %lt3A : i32
    %convert_element_type3A = arith.extui %lt3A_1 : i1 to i32
    %cond3A = arith.constant 0 : i32
    %cond3A_2 = arith.cmpi ne, %convert_element_type3A, %cond3A : i32
    scf.if %cond3A_2 {
      %mul3A_22 = arith.constant 624 : i32
      %mul3A_23 = arith.muli %arg1, %mul3A_22 : i32
      %mul3A_24 = arith.constant 624 : i32
      %mul3A_25 = arith.muli %arg1, %mul3A_24 : i32
      "tpu.region"() ({
        %run_scoped3A = tpu.sem_alloc : memref<!tpu.dma_semaphore, #tpu.memory_space<semaphore_mem>>
        %dma_start3A = arith.constant 0 : i32
        %dma_start3A_26 = tpu.memref_slice %arg10[%mul3A_25, %dma_start3A] : memref<10000x128xf32, #tpu.memory_space<vmem_shared>> -> memref<624x128xf32, #tpu.memory_space<vmem_shared>>
        %dma_start3A_27 = arith.constant 0 : i32
        %dma_start3A_28 = tpu.memref_slice %arg5[%mul3A_23, %dma_start3A_27] : memref<10000x128xf32, #tpu.memory_space<hbm>> -> memref<624x128xf32, #tpu.memory_space<hbm>>
        tpu.enqueue_dma source(%dma_start3A_28 : memref<624x128xf32, #tpu.memory_space<hbm>>) target(%dma_start3A_26 : memref<624x128xf32, #tpu.memory_space<vmem_shared>>) target_semaphore(%run_scoped3A : memref<!tpu.dma_semaphore, #tpu.memory_space<semaphore_mem>>)
        %dma_wait3A = arith.constant 0 : i32
        %dma_wait3A_29 = tpu.memref_slice %arg10[%mul3A_25, %dma_wait3A] : memref<10000x128xf32, #tpu.memory_space<vmem_shared>> -> memref<624x128xf32, #tpu.memory_space<vmem_shared>>
        %dma_wait3A_30 = arith.constant 0 : i32
        %dma_wait3A_31 = tpu.memref_slice %arg5[%mul3A_23, %dma_wait3A_30] : memref<10000x128xf32, #tpu.memory_space<hbm>> -> memref<624x128xf32, #tpu.memory_space<hbm>>
        tpu.wait_dma2 semaphore(%run_scoped3A : memref<!tpu.dma_semaphore, #tpu.memory_space<semaphore_mem>>) src(%dma_wait3A_31 : memref<624x128xf32, #tpu.memory_space<hbm>>) dst(%dma_wait3A_29 : memref<624x128xf32, #tpu.memory_space<vmem_shared>>)
        tpu.yield
      }) : () -> ()
    } else {
    }
    %eq3A = arith.constant 15 : i32
    %eq3A_3 = arith.cmpi eq, %arg1, %eq3A : i32
    %convert_element_type3A_4 = arith.extui %eq3A_3 : i1 to i32
    %cond3A_5 = arith.constant 0 : i32
    %cond3A_6 = arith.cmpi ne, %convert_element_type3A_4, %cond3A_5 : i32
    scf.if %cond3A_6 {
      "tpu.region"() ({
        %run_scoped3A = tpu.sem_alloc : memref<!tpu.dma_semaphore, #tpu.memory_space<semaphore_mem>>
        %dma_start3A = arith.constant 9360 : i32
        %dma_start3A_22 = arith.constant 0 : i32
        %dma_start3A_23 = tpu.memref_slice %arg10[%dma_start3A, %dma_start3A_22] : memref<10000x128xf32, #tpu.memory_space<vmem_shared>> -> memref<640x128xf32, #tpu.memory_space<vmem_shared>>
        %dma_start3A_24 = arith.constant 9360 : i32
        %dma_start3A_25 = arith.constant 0 : i32
        %dma_start3A_26 = tpu.memref_slice %arg5[%dma_start3A_24, %dma_start3A_25] : memref<10000x128xf32, #tpu.memory_space<hbm>> -> memref<640x128xf32, #tpu.memory_space<hbm>>
        tpu.enqueue_dma source(%dma_start3A_26 : memref<640x128xf32, #tpu.memory_space<hbm>>) target(%dma_start3A_23 : memref<640x128xf32, #tpu.memory_space<vmem_shared>>) target_semaphore(%run_scoped3A : memref<!tpu.dma_semaphore, #tpu.memory_space<semaphore_mem>>)
        %dma_wait3A = arith.constant 9360 : i32
        %dma_wait3A_27 = arith.constant 0 : i32
        %dma_wait3A_28 = tpu.memref_slice %arg10[%dma_wait3A, %dma_wait3A_27] : memref<10000x128xf32, #tpu.memory_space<vmem_shared>> -> memref<640x128xf32, #tpu.memory_space<vmem_shared>>
        %dma_wait3A_29 = arith.constant 9360 : i32
        %dma_wait3A_30 = arith.constant 0 : i32
        %dma_wait3A_31 = tpu.memref_slice %arg5[%dma_wait3A_29, %dma_wait3A_30] : memref<10000x128xf32, #tpu.memory_space<hbm>> -> memref<640x128xf32, #tpu.memory_space<hbm>>
        tpu.wait_dma2 semaphore(%run_scoped3A : memref<!tpu.dma_semaphore, #tpu.memory_space<semaphore_mem>>) src(%dma_wait3A_31 : memref<640x128xf32, #tpu.memory_space<hbm>>) dst(%dma_wait3A_28 : memref<640x128xf32, #tpu.memory_space<vmem_shared>>)
        tpu.yield
      }) : () -> ()
    } else {
    }
    %barrier3A = arith.constant 0 : index
    tpu.barrier barrier_id(%barrier3A)
    %scan3A = arith.constant 0 : i32
    %scan3A_7 = arith.constant 5 : i32
    %scan3A_8 = arith.addi %scan3A, %scan3A_7 : i32
    %scan3A_9 = arith.constant 1 : i32
    scf.for %scan3A_22 = %scan3A to %scan3A_8 step %scan3A_9  : i32 {
      %mul3A_23 = arith.constant 1 : i32
      %mul3A_24 = arith.muli %scan3A_22, %mul3A_23 : i32
      %add3A_25 = arith.constant 0 : i32
      %add3A_26 = arith.addi %add3A_25, %mul3A_24 : i32
      "tpu.region"() ({
        %run_scoped3A_61 = tpu.sem_alloc : memref<!tpu.dma_semaphore, #tpu.memory_space<semaphore_mem>>
        %dma_start3A_62 = arith.constant 0 : i32
        %dma_start3A_63 = arith.constant 0 : i32
        %dma_start3A_64 = arith.constant 0 : i32
        %dma_start3A_65 = tpu.memref_slice %arg3[%add3A, %dma_start3A_62, %dma_start3A_63, %dma_start3A_64] : memref<32x5x25x80xi32, #tpu.memory_space<hbm>> -> memref<1x5x25x80xi32, #tpu.memory_space<hbm>>
        %dma_start3A_66 = tpu.memref_squeeze %dma_start3A_65 : memref<1x5x25x80xi32, #tpu.memory_space<hbm>> -> memref<5x25x80xi32, #tpu.memory_space<hbm>>
        %dma_start3A_67 = arith.constant 0 : i32
        %dma_start3A_68 = arith.constant 0 : i32
        %dma_start3A_69 = tpu.memref_slice %dma_start3A_66[%add3A_26, %dma_start3A_67, %dma_start3A_68] : memref<5x25x80xi32, #tpu.memory_space<hbm>> -> memref<1x25x80xi32, #tpu.memory_space<hbm>>
        %dma_start3A_70 = tpu.memref_squeeze %dma_start3A_69 : memref<1x25x80xi32, #tpu.memory_space<hbm>> -> memref<25x80xi32, #tpu.memory_space<hbm>>
        %dma_start3A_71 = arith.constant 0 : i32
        %dma_start3A_72 = arith.constant 0 : i32
        %dma_start3A_73 = arith.constant 0 : i32
        %dma_start3A_74 = tpu.memref_slice %arg3[%add3A, %dma_start3A_71, %dma_start3A_72, %dma_start3A_73] : memref<32x5x25x80xi32, #tpu.memory_space<hbm>> -> memref<1x5x25x80xi32, #tpu.memory_space<hbm>>
        %dma_start3A_75 = tpu.memref_squeeze %dma_start3A_74 : memref<1x5x25x80xi32, #tpu.memory_space<hbm>> -> memref<5x25x80xi32, #tpu.memory_space<hbm>>
        %dma_start3A_76 = arith.constant 0 : i32
        %dma_start3A_77 = arith.constant 0 : i32
        %dma_start3A_78 = tpu.memref_slice %dma_start3A_75[%add3A_26, %dma_start3A_76, %dma_start3A_77] : memref<5x25x80xi32, #tpu.memory_space<hbm>> -> memref<1x25x80xi32, #tpu.memory_space<hbm>>
        %dma_start3A_79 = tpu.memref_squeeze %dma_start3A_78 : memref<1x25x80xi32, #tpu.memory_space<hbm>> -> memref<25x80xi32, #tpu.memory_space<hbm>>
        tpu.enqueue_dma source(%dma_start3A_79 : memref<25x80xi32, #tpu.memory_space<hbm>>) target(%arg7 : memref<25x80xi32, #tpu.memory_space<vmem>>) target_semaphore(%run_scoped3A_61 : memref<!tpu.dma_semaphore, #tpu.memory_space<semaphore_mem>>)
        %dma_wait3A_80 = arith.constant 0 : i32
        %dma_wait3A_81 = arith.constant 0 : i32
        %dma_wait3A_82 = arith.constant 0 : i32
        %dma_wait3A_83 = tpu.memref_slice %arg3[%add3A, %dma_wait3A_80, %dma_wait3A_81, %dma_wait3A_82] : memref<32x5x25x80xi32, #tpu.memory_space<hbm>> -> memref<1x5x25x80xi32, #tpu.memory_space<hbm>>
        %dma_wait3A_84 = tpu.memref_squeeze %dma_wait3A_83 : memref<1x5x25x80xi32, #tpu.memory_space<hbm>> -> memref<5x25x80xi32, #tpu.memory_space<hbm>>
        %dma_wait3A_85 = arith.constant 0 : i32
        %dma_wait3A_86 = arith.constant 0 : i32
        %dma_wait3A_87 = tpu.memref_slice %dma_wait3A_84[%add3A_26, %dma_wait3A_85, %dma_wait3A_86] : memref<5x25x80xi32, #tpu.memory_space<hbm>> -> memref<1x25x80xi32, #tpu.memory_space<hbm>>
        %dma_wait3A_88 = tpu.memref_squeeze %dma_wait3A_87 : memref<1x25x80xi32, #tpu.memory_space<hbm>> -> memref<25x80xi32, #tpu.memory_space<hbm>>
        %dma_wait3A_89 = arith.constant 0 : i32
        %dma_wait3A_90 = arith.constant 0 : i32
        %dma_wait3A_91 = arith.constant 0 : i32
        %dma_wait3A_92 = tpu.memref_slice %arg3[%add3A, %dma_wait3A_89, %dma_wait3A_90, %dma_wait3A_91] : memref<32x5x25x80xi32, #tpu.memory_space<hbm>> -> memref<1x5x25x80xi32, #tpu.memory_space<hbm>>
        %dma_wait3A_93 = tpu.memref_squeeze %dma_wait3A_92 : memref<1x5x25x80xi32, #tpu.memory_space<hbm>> -> memref<5x25x80xi32, #tpu.memory_space<hbm>>
        %dma_wait3A_94 = arith.constant 0 : i32
        %dma_wait3A_95 = arith.constant 0 : i32
        %dma_wait3A_96 = tpu.memref_slice %dma_wait3A_93[%add3A_26, %dma_wait3A_94, %dma_wait3A_95] : memref<5x25x80xi32, #tpu.memory_space<hbm>> -> memref<1x25x80xi32, #tpu.memory_space<hbm>>
        %dma_wait3A_97 = tpu.memref_squeeze %dma_wait3A_96 : memref<1x25x80xi32, #tpu.memory_space<hbm>> -> memref<25x80xi32, #tpu.memory_space<hbm>>
        tpu.wait_dma2 semaphore(%run_scoped3A_61 : memref<!tpu.dma_semaphore, #tpu.memory_space<semaphore_mem>>) src(%dma_wait3A_97 : memref<25x80xi32, #tpu.memory_space<hbm>>) dst(%arg7 : memref<25x80xi32, #tpu.memory_space<vmem>>)
        tpu.yield
      }) : () -> ()
      "tpu.region"() ({
        %run_scoped3A_61 = tpu.sem_alloc : memref<!tpu.dma_semaphore, #tpu.memory_space<semaphore_mem>>
        %dma_start3A_62 = arith.constant 0 : i32
        %dma_start3A_63 = arith.constant 0 : i32
        %dma_start3A_64 = arith.constant 0 : i32
        %dma_start3A_65 = tpu.memref_slice %arg4[%add3A, %dma_start3A_62, %dma_start3A_63, %dma_start3A_64] : memref<32x5x25x80xi32, #tpu.memory_space<hbm>> -> memref<1x5x25x80xi32, #tpu.memory_space<hbm>>
        %dma_start3A_66 = tpu.memref_squeeze %dma_start3A_65 : memref<1x5x25x80xi32, #tpu.memory_space<hbm>> -> memref<5x25x80xi32, #tpu.memory_space<hbm>>
        %dma_start3A_67 = arith.constant 0 : i32
        %dma_start3A_68 = arith.constant 0 : i32
        %dma_start3A_69 = tpu.memref_slice %dma_start3A_66[%add3A_26, %dma_start3A_67, %dma_start3A_68] : memref<5x25x80xi32, #tpu.memory_space<hbm>> -> memref<1x25x80xi32, #tpu.memory_space<hbm>>
        %dma_start3A_70 = tpu.memref_squeeze %dma_start3A_69 : memref<1x25x80xi32, #tpu.memory_space<hbm>> -> memref<25x80xi32, #tpu.memory_space<hbm>>
        %dma_start3A_71 = arith.constant 0 : i32
        %dma_start3A_72 = arith.constant 0 : i32
        %dma_start3A_73 = arith.constant 0 : i32
        %dma_start3A_74 = tpu.memref_slice %arg4[%add3A, %dma_start3A_71, %dma_start3A_72, %dma_start3A_73] : memref<32x5x25x80xi32, #tpu.memory_space<hbm>> -> memref<1x5x25x80xi32, #tpu.memory_space<hbm>>
        %dma_start3A_75 = tpu.memref_squeeze %dma_start3A_74 : memref<1x5x25x80xi32, #tpu.memory_space<hbm>> -> memref<5x25x80xi32, #tpu.memory_space<hbm>>
        %dma_start3A_76 = arith.constant 0 : i32
        %dma_start3A_77 = arith.constant 0 : i32
        %dma_start3A_78 = tpu.memref_slice %dma_start3A_75[%add3A_26, %dma_start3A_76, %dma_start3A_77] : memref<5x25x80xi32, #tpu.memory_space<hbm>> -> memref<1x25x80xi32, #tpu.memory_space<hbm>>
        %dma_start3A_79 = tpu.memref_squeeze %dma_start3A_78 : memref<1x25x80xi32, #tpu.memory_space<hbm>> -> memref<25x80xi32, #tpu.memory_space<hbm>>
        tpu.enqueue_dma source(%dma_start3A_79 : memref<25x80xi32, #tpu.memory_space<hbm>>) target(%arg8 : memref<25x80xi32, #tpu.memory_space<vmem>>) target_semaphore(%run_scoped3A_61 : memref<!tpu.dma_semaphore, #tpu.memory_space<semaphore_mem>>)
        %dma_wait3A_80 = arith.constant 0 : i32
        %dma_wait3A_81 = arith.constant 0 : i32
        %dma_wait3A_82 = arith.constant 0 : i32
        %dma_wait3A_83 = tpu.memref_slice %arg4[%add3A, %dma_wait3A_80, %dma_wait3A_81, %dma_wait3A_82] : memref<32x5x25x80xi32, #tpu.memory_space<hbm>> -> memref<1x5x25x80xi32, #tpu.memory_space<hbm>>
        %dma_wait3A_84 = tpu.memref_squeeze %dma_wait3A_83 : memref<1x5x25x80xi32, #tpu.memory_space<hbm>> -> memref<5x25x80xi32, #tpu.memory_space<hbm>>
        %dma_wait3A_85 = arith.constant 0 : i32
        %dma_wait3A_86 = arith.constant 0 : i32
        %dma_wait3A_87 = tpu.memref_slice %dma_wait3A_84[%add3A_26, %dma_wait3A_85, %dma_wait3A_86] : memref<5x25x80xi32, #tpu.memory_space<hbm>> -> memref<1x25x80xi32, #tpu.memory_space<hbm>>
        %dma_wait3A_88 = tpu.memref_squeeze %dma_wait3A_87 : memref<1x25x80xi32, #tpu.memory_space<hbm>> -> memref<25x80xi32, #tpu.memory_space<hbm>>
        %dma_wait3A_89 = arith.constant 0 : i32
        %dma_wait3A_90 = arith.constant 0 : i32
        %dma_wait3A_91 = arith.constant 0 : i32
        %dma_wait3A_92 = tpu.memref_slice %arg4[%add3A, %dma_wait3A_89, %dma_wait3A_90, %dma_wait3A_91] : memref<32x5x25x80xi32, #tpu.memory_space<hbm>> -> memref<1x5x25x80xi32, #tpu.memory_space<hbm>>
        %dma_wait3A_93 = tpu.memref_squeeze %dma_wait3A_92 : memref<1x5x25x80xi32, #tpu.memory_space<hbm>> -> memref<5x25x80xi32, #tpu.memory_space<hbm>>
        %dma_wait3A_94 = arith.constant 0 : i32
        %dma_wait3A_95 = arith.constant 0 : i32
        %dma_wait3A_96 = tpu.memref_slice %dma_wait3A_93[%add3A_26, %dma_wait3A_94, %dma_wait3A_95] : memref<5x25x80xi32, #tpu.memory_space<hbm>> -> memref<1x25x80xi32, #tpu.memory_space<hbm>>
        %dma_wait3A_97 = tpu.memref_squeeze %dma_wait3A_96 : memref<1x25x80xi32, #tpu.memory_space<hbm>> -> memref<25x80xi32, #tpu.memory_space<hbm>>
        tpu.wait_dma2 semaphore(%run_scoped3A_61 : memref<!tpu.dma_semaphore, #tpu.memory_space<semaphore_mem>>) src(%dma_wait3A_97 : memref<25x80xi32, #tpu.memory_space<hbm>>) dst(%arg8 : memref<25x80xi32, #tpu.memory_space<vmem>>)
        tpu.yield
      }) : () -> ()
      %dma_start3A = arith.constant 0 : i32
      %dma_start3A_27 = arith.constant 0 : i32
      %dma_start3A_28 = arith.constant 0 : i32
      %dma_start3A_29 = arith.constant 0 : i32
      %dma_start3A_30 = arith.constant 0 : i32
      %dma_start3A_31 = tpu.memref_slice %arg9[%dma_start3A_27, %dma_start3A_29, %dma_start3A_30] : memref<2x80x128xf32, #tpu.memory_space<vmem>> -> memref<1x80x128xf32, #tpu.memory_space<vmem>>
      %dma_start3A_32 = tpu.memref_squeeze %dma_start3A_31 : memref<1x80x128xf32, #tpu.memory_space<vmem>> -> memref<80x128xf32, #tpu.memory_space<vmem>>
      %dma_start3A_33 = arith.constant 0 : i32
      %dma_start3A_34 = tpu.memref_slice %arg7[%dma_start3A, %dma_start3A_33] : memref<25x80xi32, #tpu.memory_space<vmem>> -> memref<1x80xi32, #tpu.memory_space<vmem>>
      %dma_start3A_35 = tpu.memref_squeeze %dma_start3A_34 : memref<1x80xi32, #tpu.memory_space<vmem>> -> memref<80xi32, #tpu.memory_space<vmem>>
      %dma_start3A_36 = arith.constant 0 : i32
      %dma_start3A_37 = arith.constant 0 : i32
      %dma_start3A_38 = tpu.memref_slice %arg2[%dma_start3A_36, %dma_start3A_37] : memref<10000x128xf32, #tpu.memory_space<hbm>> -> memref<10000x128xf32, #tpu.memory_space<hbm>>
      %dma_start3A_39 = tpu.memref_slice %arg11[%dma_start3A_28] : memref<2x!tpu.dma_semaphore, #tpu.memory_space<semaphore_mem>> -> memref<1x!tpu.dma_semaphore, #tpu.memory_space<semaphore_mem>>
      %dma_start3A_40 = tpu.memref_squeeze %dma_start3A_39 : memref<1x!tpu.dma_semaphore, #tpu.memory_space<semaphore_mem>> -> memref<!tpu.dma_semaphore, #tpu.memory_space<semaphore_mem>>
      tpu.enqueue_indirect_dma source(%dma_start3A_38 : memref<10000x128xf32, #tpu.memory_space<hbm>>) target(%dma_start3A_32 : memref<80x128xf32, #tpu.memory_space<vmem>>) offsets(%dma_start3A_35 : memref<80xi32, #tpu.memory_space<vmem>>) semaphore(%dma_start3A_40 : memref<!tpu.dma_semaphore, #tpu.memory_space<semaphore_mem>>)
      %scan3A_41 = arith.constant 0 : i32
      %scan3A_42 = arith.constant 12 : i32
      %scan3A_43 = arith.addi %scan3A_41, %scan3A_42 : i32
      %scan3A_44 = arith.constant 1 : i32
      scf.for %scan3A_61 = %scan3A_41 to %scan3A_43 step %scan3A_44  : i32 {
        %mul3A_62 = arith.constant 2 : i32
        %mul3A_63 = arith.muli %scan3A_61, %mul3A_62 : i32
        %add3A_64 = arith.constant 1 : i32
        %add3A_65 = arith.addi %add3A_64, %mul3A_63 : i32
        %dma_start3A_66 = arith.constant 1 : i32
        %dma_start3A_67 = arith.constant 1 : i32
        %dma_start3A_68 = arith.constant 0 : i32
        %dma_start3A_69 = arith.constant 0 : i32
        %dma_start3A_70 = tpu.memref_slice %arg9[%dma_start3A_66, %dma_start3A_68, %dma_start3A_69] : memref<2x80x128xf32, #tpu.memory_space<vmem>> -> memref<1x80x128xf32, #tpu.memory_space<vmem>>
        %dma_start3A_71 = tpu.memref_squeeze %dma_start3A_70 : memref<1x80x128xf32, #tpu.memory_space<vmem>> -> memref<80x128xf32, #tpu.memory_space<vmem>>
        %dma_start3A_72 = arith.constant 0 : i32
        %dma_start3A_73 = tpu.memref_slice %arg7[%add3A_65, %dma_start3A_72] : memref<25x80xi32, #tpu.memory_space<vmem>> -> memref<1x80xi32, #tpu.memory_space<vmem>>
        %dma_start3A_74 = tpu.memref_squeeze %dma_start3A_73 : memref<1x80xi32, #tpu.memory_space<vmem>> -> memref<80xi32, #tpu.memory_space<vmem>>
        %dma_start3A_75 = arith.constant 0 : i32
        %dma_start3A_76 = arith.constant 0 : i32
        %dma_start3A_77 = tpu.memref_slice %arg2[%dma_start3A_75, %dma_start3A_76] : memref<10000x128xf32, #tpu.memory_space<hbm>> -> memref<10000x128xf32, #tpu.memory_space<hbm>>
        %dma_start3A_78 = tpu.memref_slice %arg11[%dma_start3A_67] : memref<2x!tpu.dma_semaphore, #tpu.memory_space<semaphore_mem>> -> memref<1x!tpu.dma_semaphore, #tpu.memory_space<semaphore_mem>>
        %dma_start3A_79 = tpu.memref_squeeze %dma_start3A_78 : memref<1x!tpu.dma_semaphore, #tpu.memory_space<semaphore_mem>> -> memref<!tpu.dma_semaphore, #tpu.memory_space<semaphore_mem>>
        tpu.enqueue_indirect_dma source(%dma_start3A_77 : memref<10000x128xf32, #tpu.memory_space<hbm>>) target(%dma_start3A_71 : memref<80x128xf32, #tpu.memory_space<vmem>>) offsets(%dma_start3A_74 : memref<80xi32, #tpu.memory_space<vmem>>) semaphore(%dma_start3A_79 : memref<!tpu.dma_semaphore, #tpu.memory_space<semaphore_mem>>)
        %sub3A = arith.constant 1 : i32
        %sub3A_80 = arith.subi %add3A_65, %sub3A : i32
        %dma_wait3A_81 = arith.constant 0 : i32
        %dma_wait3A_82 = arith.constant 0 : i32
        %dma_wait3A_83 = arith.constant 0 : i32
        %dma_wait3A_84 = arith.constant 0 : i32
        %dma_wait3A_85 = tpu.memref_slice %arg9[%dma_wait3A_81, %dma_wait3A_83, %dma_wait3A_84] : memref<2x80x128xf32, #tpu.memory_space<vmem>> -> memref<1x80x128xf32, #tpu.memory_space<vmem>>
        %dma_wait3A_86 = tpu.memref_squeeze %dma_wait3A_85 : memref<1x80x128xf32, #tpu.memory_space<vmem>> -> memref<80x128xf32, #tpu.memory_space<vmem>>
        %dma_wait3A_87 = arith.constant 0 : i32
        %dma_wait3A_88 = tpu.memref_slice %arg7[%sub3A_80, %dma_wait3A_87] : memref<25x80xi32, #tpu.memory_space<vmem>> -> memref<1x80xi32, #tpu.memory_space<vmem>>
        %dma_wait3A_89 = tpu.memref_squeeze %dma_wait3A_88 : memref<1x80xi32, #tpu.memory_space<vmem>> -> memref<80xi32, #tpu.memory_space<vmem>>
        %dma_wait3A_90 = arith.constant 0 : i32
        %dma_wait3A_91 = arith.constant 0 : i32
        %dma_wait3A_92 = tpu.memref_slice %arg2[%dma_wait3A_90, %dma_wait3A_91] : memref<10000x128xf32, #tpu.memory_space<hbm>> -> memref<10000x128xf32, #tpu.memory_space<hbm>>
        %dma_wait3A_93 = tpu.memref_slice %arg11[%dma_wait3A_82] : memref<2x!tpu.dma_semaphore, #tpu.memory_space<semaphore_mem>> -> memref<1x!tpu.dma_semaphore, #tpu.memory_space<semaphore_mem>>
        %dma_wait3A_94 = tpu.memref_squeeze %dma_wait3A_93 : memref<1x!tpu.dma_semaphore, #tpu.memory_space<semaphore_mem>> -> memref<!tpu.dma_semaphore, #tpu.memory_space<semaphore_mem>>
        tpu.wait_indirect_dma semaphore(%dma_wait3A_94 : memref<!tpu.dma_semaphore, #tpu.memory_space<semaphore_mem>>) src(%dma_wait3A_92 : memref<10000x128xf32, #tpu.memory_space<hbm>>) dst(%dma_wait3A_86 : memref<80x128xf32, #tpu.memory_space<vmem>>)
        %run_scoped3A_95 = arith.constant 0 : i32
        "tpu.region"() ({
          %run_scoped3A_127 = tpu.sem_alloc : memref<!tpu.dma_semaphore, #tpu.memory_space<semaphore_mem>>
          %dma_start3A_128 = arith.constant 0 : i32
          %dma_start3A_129 = arith.constant 0 : i32
          %dma_start3A_130 = tpu.memref_slice %arg9[%run_scoped3A_95, %dma_start3A_128, %dma_start3A_129] : memref<2x80x128xf32, #tpu.memory_space<vmem>> -> memref<1x80x128xf32, #tpu.memory_space<vmem>>
          %dma_start3A_131 = tpu.memref_squeeze %dma_start3A_130 : memref<1x80x128xf32, #tpu.memory_space<vmem>> -> memref<80x128xf32, #tpu.memory_space<vmem>>
          %dma_start3A_132 = arith.constant 0 : i32
          %dma_start3A_133 = tpu.memref_slice %arg8[%sub3A_80, %dma_start3A_132] : memref<25x80xi32, #tpu.memory_space<vmem>> -> memref<1x80xi32, #tpu.memory_space<vmem>>
          %dma_start3A_134 = tpu.memref_squeeze %dma_start3A_133 : memref<1x80xi32, #tpu.memory_space<vmem>> -> memref<80xi32, #tpu.memory_space<vmem>>
          %dma_start3A_135 = arith.constant 0 : i32
          %dma_start3A_136 = arith.constant 0 : i32
          %dma_start3A_137 = tpu.memref_slice %arg10[%dma_start3A_135, %dma_start3A_136] : memref<10000x128xf32, #tpu.memory_space<vmem_shared>> -> memref<10000x128xf32, #tpu.memory_space<vmem_shared>>
          tpu.enqueue_indirect_dma source(%dma_start3A_131 : memref<80x128xf32, #tpu.memory_space<vmem>>) target(%dma_start3A_137 : memref<10000x128xf32, #tpu.memory_space<vmem_shared>>) offsets(%dma_start3A_134 : memref<80xi32, #tpu.memory_space<vmem>>) semaphore(%run_scoped3A_127 : memref<!tpu.dma_semaphore, #tpu.memory_space<semaphore_mem>>) {add = true}
          %dma_wait3A_138 = arith.constant 0 : i32
          %dma_wait3A_139 = arith.constant 0 : i32
          %dma_wait3A_140 = tpu.memref_slice %arg9[%run_scoped3A_95, %dma_wait3A_138, %dma_wait3A_139] : memref<2x80x128xf32, #tpu.memory_space<vmem>> -> memref<1x80x128xf32, #tpu.memory_space<vmem>>
          %dma_wait3A_141 = tpu.memref_squeeze %dma_wait3A_140 : memref<1x80x128xf32, #tpu.memory_space<vmem>> -> memref<80x128xf32, #tpu.memory_space<vmem>>
          %dma_wait3A_142 = arith.constant 0 : i32
          %dma_wait3A_143 = tpu.memref_slice %arg8[%sub3A_80, %dma_wait3A_142] : memref<25x80xi32, #tpu.memory_space<vmem>> -> memref<1x80xi32, #tpu.memory_space<vmem>>
          %dma_wait3A_144 = tpu.memref_squeeze %dma_wait3A_143 : memref<1x80xi32, #tpu.memory_space<vmem>> -> memref<80xi32, #tpu.memory_space<vmem>>
          %dma_wait3A_145 = arith.constant 0 : i32
          %dma_wait3A_146 = arith.constant 0 : i32
          %dma_wait3A_147 = tpu.memref_slice %arg10[%dma_wait3A_145, %dma_wait3A_146] : memref<10000x128xf32, #tpu.memory_space<vmem_shared>> -> memref<10000x128xf32, #tpu.memory_space<vmem_shared>>
          tpu.wait_indirect_dma semaphore(%run_scoped3A_127 : memref<!tpu.dma_semaphore, #tpu.memory_space<semaphore_mem>>) src(%dma_wait3A_141 : memref<80x128xf32, #tpu.memory_space<vmem>>) dst(%dma_wait3A_147 : memref<10000x128xf32, #tpu.memory_space<vmem_shared>>)
          tpu.yield
        }) : () -> ()
        %add3A_96 = arith.constant 1 : i32
        %add3A_97 = arith.addi %add3A_65, %add3A_96 : i32
        %dma_start3A_98 = arith.constant 0 : i32
        %dma_start3A_99 = arith.constant 0 : i32
        %dma_start3A_100 = arith.constant 0 : i32
        %dma_start3A_101 = arith.constant 0 : i32
        %dma_start3A_102 = tpu.memref_slice %arg9[%dma_start3A_98, %dma_start3A_100, %dma_start3A_101] : memref<2x80x128xf32, #tpu.memory_space<vmem>> -> memref<1x80x128xf32, #tpu.memory_space<vmem>>
        %dma_start3A_103 = tpu.memref_squeeze %dma_start3A_102 : memref<1x80x128xf32, #tpu.memory_space<vmem>> -> memref<80x128xf32, #tpu.memory_space<vmem>>
        %dma_start3A_104 = arith.constant 0 : i32
        %dma_start3A_105 = tpu.memref_slice %arg7[%add3A_97, %dma_start3A_104] : memref<25x80xi32, #tpu.memory_space<vmem>> -> memref<1x80xi32, #tpu.memory_space<vmem>>
        %dma_start3A_106 = tpu.memref_squeeze %dma_start3A_105 : memref<1x80xi32, #tpu.memory_space<vmem>> -> memref<80xi32, #tpu.memory_space<vmem>>
        %dma_start3A_107 = arith.constant 0 : i32
        %dma_start3A_108 = arith.constant 0 : i32
        %dma_start3A_109 = tpu.memref_slice %arg2[%dma_start3A_107, %dma_start3A_108] : memref<10000x128xf32, #tpu.memory_space<hbm>> -> memref<10000x128xf32, #tpu.memory_space<hbm>>
        %dma_start3A_110 = tpu.memref_slice %arg11[%dma_start3A_99] : memref<2x!tpu.dma_semaphore, #tpu.memory_space<semaphore_mem>> -> memref<1x!tpu.dma_semaphore, #tpu.memory_space<semaphore_mem>>
        %dma_start3A_111 = tpu.memref_squeeze %dma_start3A_110 : memref<1x!tpu.dma_semaphore, #tpu.memory_space<semaphore_mem>> -> memref<!tpu.dma_semaphore, #tpu.memory_space<semaphore_mem>>
        tpu.enqueue_indirect_dma source(%dma_start3A_109 : memref<10000x128xf32, #tpu.memory_space<hbm>>) target(%dma_start3A_103 : memref<80x128xf32, #tpu.memory_space<vmem>>) offsets(%dma_start3A_106 : memref<80xi32, #tpu.memory_space<vmem>>) semaphore(%dma_start3A_111 : memref<!tpu.dma_semaphore, #tpu.memory_space<semaphore_mem>>)
        %dma_wait3A_112 = arith.constant 1 : i32
        %dma_wait3A_113 = arith.constant 1 : i32
        %dma_wait3A_114 = arith.constant 0 : i32
        %dma_wait3A_115 = arith.constant 0 : i32
        %dma_wait3A_116 = tpu.memref_slice %arg9[%dma_wait3A_112, %dma_wait3A_114, %dma_wait3A_115] : memref<2x80x128xf32, #tpu.memory_space<vmem>> -> memref<1x80x128xf32, #tpu.memory_space<vmem>>
        %dma_wait3A_117 = tpu.memref_squeeze %dma_wait3A_116 : memref<1x80x128xf32, #tpu.memory_space<vmem>> -> memref<80x128xf32, #tpu.memory_space<vmem>>
        %dma_wait3A_118 = arith.constant 0 : i32
        %dma_wait3A_119 = tpu.memref_slice %arg7[%add3A_65, %dma_wait3A_118] : memref<25x80xi32, #tpu.memory_space<vmem>> -> memref<1x80xi32, #tpu.memory_space<vmem>>
        %dma_wait3A_120 = tpu.memref_squeeze %dma_wait3A_119 : memref<1x80xi32, #tpu.memory_space<vmem>> -> memref<80xi32, #tpu.memory_space<vmem>>
        %dma_wait3A_121 = arith.constant 0 : i32
        %dma_wait3A_122 = arith.constant 0 : i32
        %dma_wait3A_123 = tpu.memref_slice %arg2[%dma_wait3A_121, %dma_wait3A_122] : memref<10000x128xf32, #tpu.memory_space<hbm>> -> memref<10000x128xf32, #tpu.memory_space<hbm>>
        %dma_wait3A_124 = tpu.memref_slice %arg11[%dma_wait3A_113] : memref<2x!tpu.dma_semaphore, #tpu.memory_space<semaphore_mem>> -> memref<1x!tpu.dma_semaphore, #tpu.memory_space<semaphore_mem>>
        %dma_wait3A_125 = tpu.memref_squeeze %dma_wait3A_124 : memref<1x!tpu.dma_semaphore, #tpu.memory_space<semaphore_mem>> -> memref<!tpu.dma_semaphore, #tpu.memory_space<semaphore_mem>>
        tpu.wait_indirect_dma semaphore(%dma_wait3A_125 : memref<!tpu.dma_semaphore, #tpu.memory_space<semaphore_mem>>) src(%dma_wait3A_123 : memref<10000x128xf32, #tpu.memory_space<hbm>>) dst(%dma_wait3A_117 : memref<80x128xf32, #tpu.memory_space<vmem>>)
        %run_scoped3A_126 = arith.constant 1 : i32
        "tpu.region"() ({
          %run_scoped3A_127 = tpu.sem_alloc : memref<!tpu.dma_semaphore, #tpu.memory_space<semaphore_mem>>
          %dma_start3A_128 = arith.constant 0 : i32
          %dma_start3A_129 = arith.constant 0 : i32
          %dma_start3A_130 = tpu.memref_slice %arg9[%run_scoped3A_126, %dma_start3A_128, %dma_start3A_129] : memref<2x80x128xf32, #tpu.memory_space<vmem>> -> memref<1x80x128xf32, #tpu.memory_space<vmem>>
          %dma_start3A_131 = tpu.memref_squeeze %dma_start3A_130 : memref<1x80x128xf32, #tpu.memory_space<vmem>> -> memref<80x128xf32, #tpu.memory_space<vmem>>
          %dma_start3A_132 = arith.constant 0 : i32
          %dma_start3A_133 = tpu.memref_slice %arg8[%add3A_65, %dma_start3A_132] : memref<25x80xi32, #tpu.memory_space<vmem>> -> memref<1x80xi32, #tpu.memory_space<vmem>>
          %dma_start3A_134 = tpu.memref_squeeze %dma_start3A_133 : memref<1x80xi32, #tpu.memory_space<vmem>> -> memref<80xi32, #tpu.memory_space<vmem>>
          %dma_start3A_135 = arith.constant 0 : i32
          %dma_start3A_136 = arith.constant 0 : i32
          %dma_start3A_137 = tpu.memref_slice %arg10[%dma_start3A_135, %dma_start3A_136] : memref<10000x128xf32, #tpu.memory_space<vmem_shared>> -> memref<10000x128xf32, #tpu.memory_space<vmem_shared>>
          tpu.enqueue_indirect_dma source(%dma_start3A_131 : memref<80x128xf32, #tpu.memory_space<vmem>>) target(%dma_start3A_137 : memref<10000x128xf32, #tpu.memory_space<vmem_shared>>) offsets(%dma_start3A_134 : memref<80xi32, #tpu.memory_space<vmem>>) semaphore(%run_scoped3A_127 : memref<!tpu.dma_semaphore, #tpu.memory_space<semaphore_mem>>) {add = true}
          %dma_wait3A_138 = arith.constant 0 : i32
          %dma_wait3A_139 = arith.constant 0 : i32
          %dma_wait3A_140 = tpu.memref_slice %arg9[%run_scoped3A_126, %dma_wait3A_138, %dma_wait3A_139] : memref<2x80x128xf32, #tpu.memory_space<vmem>> -> memref<1x80x128xf32, #tpu.memory_space<vmem>>
          %dma_wait3A_141 = tpu.memref_squeeze %dma_wait3A_140 : memref<1x80x128xf32, #tpu.memory_space<vmem>> -> memref<80x128xf32, #tpu.memory_space<vmem>>
          %dma_wait3A_142 = arith.constant 0 : i32
          %dma_wait3A_143 = tpu.memref_slice %arg8[%add3A_65, %dma_wait3A_142] : memref<25x80xi32, #tpu.memory_space<vmem>> -> memref<1x80xi32, #tpu.memory_space<vmem>>
          %dma_wait3A_144 = tpu.memref_squeeze %dma_wait3A_143 : memref<1x80xi32, #tpu.memory_space<vmem>> -> memref<80xi32, #tpu.memory_space<vmem>>
          %dma_wait3A_145 = arith.constant 0 : i32
          %dma_wait3A_146 = arith.constant 0 : i32
          %dma_wait3A_147 = tpu.memref_slice %arg10[%dma_wait3A_145, %dma_wait3A_146] : memref<10000x128xf32, #tpu.memory_space<vmem_shared>> -> memref<10000x128xf32, #tpu.memory_space<vmem_shared>>
          tpu.wait_indirect_dma semaphore(%run_scoped3A_127 : memref<!tpu.dma_semaphore, #tpu.memory_space<semaphore_mem>>) src(%dma_wait3A_141 : memref<80x128xf32, #tpu.memory_space<vmem>>) dst(%dma_wait3A_147 : memref<10000x128xf32, #tpu.memory_space<vmem_shared>>)
          tpu.yield
        }) : () -> ()
      }
      %scan3A_45 = arith.constant 12 : i32
      %dma_wait3A = arith.constant 24 : i32
      %dma_wait3A_46 = arith.constant 0 : i32
      %dma_wait3A_47 = arith.constant 0 : i32
      %dma_wait3A_48 = arith.constant 0 : i32
      %dma_wait3A_49 = arith.constant 0 : i32
      %dma_wait3A_50 = tpu.memref_slice %arg9[%dma_wait3A_46, %dma_wait3A_48, %dma_wait3A_49] : memref<2x80x128xf32, #tpu.memory_space<vmem>> -> memref<1x80x128xf32, #tpu.memory_space<vmem>>
      %dma_wait3A_51 = tpu.memref_squeeze %dma_wait3A_50 : memref<1x80x128xf32, #tpu.memory_space<vmem>> -> memref<80x128xf32, #tpu.memory_space<vmem>>
      %dma_wait3A_52 = arith.constant 0 : i32
      %dma_wait3A_53 = tpu.memref_slice %arg7[%dma_wait3A, %dma_wait3A_52] : memref<25x80xi32, #tpu.memory_space<vmem>> -> memref<1x80xi32, #tpu.memory_space<vmem>>
      %dma_wait3A_54 = tpu.memref_squeeze %dma_wait3A_53 : memref<1x80xi32, #tpu.memory_space<vmem>> -> memref<80xi32, #tpu.memory_space<vmem>>
      %dma_wait3A_55 = arith.constant 0 : i32
      %dma_wait3A_56 = arith.constant 0 : i32
      %dma_wait3A_57 = tpu.memref_slice %arg2[%dma_wait3A_55, %dma_wait3A_56] : memref<10000x128xf32, #tpu.memory_space<hbm>> -> memref<10000x128xf32, #tpu.memory_space<hbm>>
      %dma_wait3A_58 = tpu.memref_slice %arg11[%dma_wait3A_47] : memref<2x!tpu.dma_semaphore, #tpu.memory_space<semaphore_mem>> -> memref<1x!tpu.dma_semaphore, #tpu.memory_space<semaphore_mem>>
      %dma_wait3A_59 = tpu.memref_squeeze %dma_wait3A_58 : memref<1x!tpu.dma_semaphore, #tpu.memory_space<semaphore_mem>> -> memref<!tpu.dma_semaphore, #tpu.memory_space<semaphore_mem>>
      tpu.wait_indirect_dma semaphore(%dma_wait3A_59 : memref<!tpu.dma_semaphore, #tpu.memory_space<semaphore_mem>>) src(%dma_wait3A_57 : memref<10000x128xf32, #tpu.memory_space<hbm>>) dst(%dma_wait3A_51 : memref<80x128xf32, #tpu.memory_space<vmem>>)
      %run_scoped3A = arith.constant 0 : i32
      %run_scoped3A_60 = arith.constant 24 : i32
      "tpu.region"() ({
        %run_scoped3A_61 = tpu.sem_alloc : memref<!tpu.dma_semaphore, #tpu.memory_space<semaphore_mem>>
        %dma_start3A_62 = arith.constant 0 : i32
        %dma_start3A_63 = arith.constant 0 : i32
        %dma_start3A_64 = tpu.memref_slice %arg9[%run_scoped3A, %dma_start3A_62, %dma_start3A_63] : memref<2x80x128xf32, #tpu.memory_space<vmem>> -> memref<1x80x128xf32, #tpu.memory_space<vmem>>
        %dma_start3A_65 = tpu.memref_squeeze %dma_start3A_64 : memref<1x80x128xf32, #tpu.memory_space<vmem>> -> memref<80x128xf32, #tpu.memory_space<vmem>>
        %dma_start3A_66 = arith.constant 0 : i32
        %dma_start3A_67 = tpu.memref_slice %arg8[%run_scoped3A_60, %dma_start3A_66] : memref<25x80xi32, #tpu.memory_space<vmem>> -> memref<1x80xi32, #tpu.memory_space<vmem>>
        %dma_start3A_68 = tpu.memref_squeeze %dma_start3A_67 : memref<1x80xi32, #tpu.memory_space<vmem>> -> memref<80xi32, #tpu.memory_space<vmem>>
        %dma_start3A_69 = arith.constant 0 : i32
        %dma_start3A_70 = arith.constant 0 : i32
        %dma_start3A_71 = tpu.memref_slice %arg10[%dma_start3A_69, %dma_start3A_70] : memref<10000x128xf32, #tpu.memory_space<vmem_shared>> -> memref<10000x128xf32, #tpu.memory_space<vmem_shared>>
        tpu.enqueue_indirect_dma source(%dma_start3A_65 : memref<80x128xf32, #tpu.memory_space<vmem>>) target(%dma_start3A_71 : memref<10000x128xf32, #tpu.memory_space<vmem_shared>>) offsets(%dma_start3A_68 : memref<80xi32, #tpu.memory_space<vmem>>) semaphore(%run_scoped3A_61 : memref<!tpu.dma_semaphore, #tpu.memory_space<semaphore_mem>>) {add = true}
        %dma_wait3A_72 = arith.constant 0 : i32
        %dma_wait3A_73 = arith.constant 0 : i32
        %dma_wait3A_74 = tpu.memref_slice %arg9[%run_scoped3A, %dma_wait3A_72, %dma_wait3A_73] : memref<2x80x128xf32, #tpu.memory_space<vmem>> -> memref<1x80x128xf32, #tpu.memory_space<vmem>>
        %dma_wait3A_75 = tpu.memref_squeeze %dma_wait3A_74 : memref<1x80x128xf32, #tpu.memory_space<vmem>> -> memref<80x128xf32, #tpu.memory_space<vmem>>
        %dma_wait3A_76 = arith.constant 0 : i32
        %dma_wait3A_77 = tpu.memref_slice %arg8[%run_scoped3A_60, %dma_wait3A_76] : memref<25x80xi32, #tpu.memory_space<vmem>> -> memref<1x80xi32, #tpu.memory_space<vmem>>
        %dma_wait3A_78 = tpu.memref_squeeze %dma_wait3A_77 : memref<1x80xi32, #tpu.memory_space<vmem>> -> memref<80xi32, #tpu.memory_space<vmem>>
        %dma_wait3A_79 = arith.constant 0 : i32
        %dma_wait3A_80 = arith.constant 0 : i32
        %dma_wait3A_81 = tpu.memref_slice %arg10[%dma_wait3A_79, %dma_wait3A_80] : memref<10000x128xf32, #tpu.memory_space<vmem_shared>> -> memref<10000x128xf32, #tpu.memory_space<vmem_shared>>
        tpu.wait_indirect_dma semaphore(%run_scoped3A_61 : memref<!tpu.dma_semaphore, #tpu.memory_space<semaphore_mem>>) src(%dma_wait3A_75 : memref<80x128xf32, #tpu.memory_space<vmem>>) dst(%dma_wait3A_81 : memref<10000x128xf32, #tpu.memory_space<vmem_shared>>)
        tpu.yield
      }) : () -> ()
    }
    %scan3A_10 = arith.constant 5 : i32
    %barrier3A_11 = arith.constant 0 : index
    tpu.barrier barrier_id(%barrier3A_11)
    %lt3A_12 = arith.constant 15 : i32
    %lt3A_13 = arith.cmpi slt, %arg1, %lt3A_12 : i32
    %convert_element_type3A_14 = arith.extui %lt3A_13 : i1 to i32
    %cond3A_15 = arith.constant 0 : i32
    %cond3A_16 = arith.cmpi ne, %convert_element_type3A_14, %cond3A_15 : i32
    scf.if %cond3A_16 {
      %mul3A_22 = arith.constant 624 : i32
      %mul3A_23 = arith.muli %arg1, %mul3A_22 : i32
      %mul3A_24 = arith.constant 624 : i32
      %mul3A_25 = arith.muli %arg1, %mul3A_24 : i32
      "tpu.region"() ({
        %run_scoped3A = tpu.sem_alloc : memref<!tpu.dma_semaphore, #tpu.memory_space<semaphore_mem>>
        %dma_start3A = arith.constant 0 : i32
        %dma_start3A_26 = arith.constant 0 : i32
        %dma_start3A_27 = tpu.memref_slice %arg6[%arg0, %dma_start3A, %dma_start3A_26] : memref<2x10000x128xf32, #tpu.memory_space<hbm>> -> memref<1x10000x128xf32, #tpu.memory_space<hbm>>
        %dma_start3A_28 = tpu.memref_squeeze %dma_start3A_27 : memref<1x10000x128xf32, #tpu.memory_space<hbm>> -> memref<10000x128xf32, #tpu.memory_space<hbm>>
        %dma_start3A_29 = arith.constant 0 : i32
        %dma_start3A_30 = tpu.memref_slice %dma_start3A_28[%mul3A_25, %dma_start3A_29] : memref<10000x128xf32, #tpu.memory_space<hbm>> -> memref<624x128xf32, #tpu.memory_space<hbm>>
        %dma_start3A_31 = arith.constant 0 : i32
        %dma_start3A_32 = tpu.memref_slice %arg10[%mul3A_23, %dma_start3A_31] : memref<10000x128xf32, #tpu.memory_space<vmem_shared>> -> memref<624x128xf32, #tpu.memory_space<vmem_shared>>
        tpu.enqueue_dma source(%dma_start3A_32 : memref<624x128xf32, #tpu.memory_space<vmem_shared>>) target(%dma_start3A_30 : memref<624x128xf32, #tpu.memory_space<hbm>>) target_semaphore(%run_scoped3A : memref<!tpu.dma_semaphore, #tpu.memory_space<semaphore_mem>>)
        %dma_wait3A = arith.constant 0 : i32
        %dma_wait3A_33 = arith.constant 0 : i32
        %dma_wait3A_34 = tpu.memref_slice %arg6[%arg0, %dma_wait3A, %dma_wait3A_33] : memref<2x10000x128xf32, #tpu.memory_space<hbm>> -> memref<1x10000x128xf32, #tpu.memory_space<hbm>>
        %dma_wait3A_35 = tpu.memref_squeeze %dma_wait3A_34 : memref<1x10000x128xf32, #tpu.memory_space<hbm>> -> memref<10000x128xf32, #tpu.memory_space<hbm>>
        %dma_wait3A_36 = arith.constant 0 : i32
        %dma_wait3A_37 = tpu.memref_slice %dma_wait3A_35[%mul3A_25, %dma_wait3A_36] : memref<10000x128xf32, #tpu.memory_space<hbm>> -> memref<624x128xf32, #tpu.memory_space<hbm>>
        %dma_wait3A_38 = arith.constant 0 : i32
        %dma_wait3A_39 = tpu.memref_slice %arg10[%mul3A_23, %dma_wait3A_38] : memref<10000x128xf32, #tpu.memory_space<vmem_shared>> -> memref<624x128xf32, #tpu.memory_space<vmem_shared>>
        tpu.wait_dma2 semaphore(%run_scoped3A : memref<!tpu.dma_semaphore, #tpu.memory_space<semaphore_mem>>) src(%dma_wait3A_39 : memref<624x128xf32, #tpu.memory_space<vmem_shared>>) dst(%dma_wait3A_37 : memref<624x128xf32, #tpu.memory_space<hbm>>)
        tpu.yield
      }) : () -> ()
    } else {
    }
    %eq3A_17 = arith.constant 15 : i32
    %eq3A_18 = arith.cmpi eq, %arg1, %eq3A_17 : i32
    %convert_element_type3A_19 = arith.extui %eq3A_18 : i1 to i32
    %cond3A_20 = arith.constant 0 : i32
    %cond3A_21 = arith.cmpi ne, %convert_element_type3A_19, %cond3A_20 : i32
    scf.if %cond3A_21 {
      "tpu.region"() ({
        %run_scoped3A = tpu.sem_alloc : memref<!tpu.dma_semaphore, #tpu.memory_space<semaphore_mem>>
        %dma_start3A = arith.constant 0 : i32
        %dma_start3A_22 = arith.constant 0 : i32
        %dma_start3A_23 = tpu.memref_slice %arg6[%arg0, %dma_start3A, %dma_start3A_22] : memref<2x10000x128xf32, #tpu.memory_space<hbm>> -> memref<1x10000x128xf32, #tpu.memory_space<hbm>>
        %dma_start3A_24 = tpu.memref_squeeze %dma_start3A_23 : memref<1x10000x128xf32, #tpu.memory_space<hbm>> -> memref<10000x128xf32, #tpu.memory_space<hbm>>
        %dma_start3A_25 = arith.constant 9360 : i32
        %dma_start3A_26 = arith.constant 0 : i32
        %dma_start3A_27 = tpu.memref_slice %dma_start3A_24[%dma_start3A_25, %dma_start3A_26] : memref<10000x128xf32, #tpu.memory_space<hbm>> -> memref<640x128xf32, #tpu.memory_space<hbm>>
        %dma_start3A_28 = arith.constant 9360 : i32
        %dma_start3A_29 = arith.constant 0 : i32
        %dma_start3A_30 = tpu.memref_slice %arg10[%dma_start3A_28, %dma_start3A_29] : memref<10000x128xf32, #tpu.memory_space<vmem_shared>> -> memref<640x128xf32, #tpu.memory_space<vmem_shared>>
        tpu.enqueue_dma source(%dma_start3A_30 : memref<640x128xf32, #tpu.memory_space<vmem_shared>>) target(%dma_start3A_27 : memref<640x128xf32, #tpu.memory_space<hbm>>) target_semaphore(%run_scoped3A : memref<!tpu.dma_semaphore, #tpu.memory_space<semaphore_mem>>)
        %dma_wait3A = arith.constant 0 : i32
        %dma_wait3A_31 = arith.constant 0 : i32
        %dma_wait3A_32 = tpu.memref_slice %arg6[%arg0, %dma_wait3A, %dma_wait3A_31] : memref<2x10000x128xf32, #tpu.memory_space<hbm>> -> memref<1x10000x128xf32, #tpu.memory_space<hbm>>
        %dma_wait3A_33 = tpu.memref_squeeze %dma_wait3A_32 : memref<1x10000x128xf32, #tpu.memory_space<hbm>> -> memref<10000x128xf32, #tpu.memory_space<hbm>>
        %dma_wait3A_34 = arith.constant 9360 : i32
        %dma_wait3A_35 = arith.constant 0 : i32
        %dma_wait3A_36 = tpu.memref_slice %dma_wait3A_33[%dma_wait3A_34, %dma_wait3A_35] : memref<10000x128xf32, #tpu.memory_space<hbm>> -> memref<640x128xf32, #tpu.memory_space<hbm>>
        %dma_wait3A_37 = arith.constant 9360 : i32
        %dma_wait3A_38 = arith.constant 0 : i32
        %dma_wait3A_39 = tpu.memref_slice %arg10[%dma_wait3A_37, %dma_wait3A_38] : memref<10000x128xf32, #tpu.memory_space<vmem_shared>> -> memref<640x128xf32, #tpu.memory_space<vmem_shared>>
        tpu.wait_dma2 semaphore(%run_scoped3A : memref<!tpu.dma_semaphore, #tpu.memory_space<semaphore_mem>>) src(%dma_wait3A_39 : memref<640x128xf32, #tpu.memory_space<vmem_shared>>) dst(%dma_wait3A_36 : memref<640x128xf32, #tpu.memory_space<hbm>>)
        tpu.yield
      }) : () -> ()
    } else {
    }
    return
  }
}

#map = affine_map<(d0, d1) -> (0, 0)>
#map1 = affine_map<(d0, d1) -> (0, 0, 0, 0)>
#map2 = affine_map<(d0, d1) -> (0, 0, 0)>
module attributes {stable_mosaic.version = 14 : i64} {
  func.func @agg(%arg0: i32, %arg1: i32, %arg2: memref<10000x128xf32, #tpu.memory_space<hbm>>, %arg3: memref<32x5x25x80xi32, #tpu.memory_space<hbm>>, %arg4: memref<32x5x25x80xi32, #tpu.memory_space<hbm>>, %arg5: memref<10000x128xf32, #tpu.memory_space<hbm>>, %arg6: memref<2x10000x128xf32, #tpu.memory_space<hbm>>, %arg7: memref<25x80xi32, #tpu.memory_space<vmem>>, %arg8: memref<25x80xi32, #tpu.memory_space<vmem>>, %arg9: memref<2x80x128xf32, #tpu.memory_space<vmem>>, %arg10: memref<10000x128xf32, #tpu.memory_space<vmem_shared>>, %arg11: memref<2x!tpu.dma_semaphore, #tpu.memory_space<semaphore_mem>>) attributes {dimension_semantics = [#tpu.dimension_semantics<core_parallel>, #tpu.dimension_semantics<subcore_parallel>], iteration_bounds = array<i64: 2, 16>, scalar_prefetch = 0 : i64, scratch_operands = 5 : i64, tpu.core_type = #tpu.core_type<sc_vector_subcore>, window_params = [{transform_indices = #map}, {transform_indices = #map1}, {transform_indices = #map1}, {transform_indices = #map}, {transform_indices = #map2}]} {
    %mul3A = arith.constant 16 : i32
    %mul3A_0 = arith.muli %arg0, %mul3A : i32
    %add3A = arith.addi %mul3A_0, %arg1 : i32
    %lt3A = arith.constant 15 : i32
    %lt3A_1 = arith.cmpi slt, %arg1, %lt3A : i32
    %convert_element_type3A = arith.extui %lt3A_1 : i1 to i32
    %cond3A = arith.constant 0 : i32
    %cond3A_2 = arith.cmpi ne, %convert_element_type3A, %cond3A : i32
    scf.if %cond3A_2 {
      %mul3A_22 = arith.constant 624 : i32
      %mul3A_23 = arith.muli %arg1, %mul3A_22 : i32
      %mul3A_24 = arith.constant 624 : i32
      %mul3A_25 = arith.muli %arg1, %mul3A_24 : i32
      "tpu.region"() ({
        %run_scoped3A = tpu.sem_alloc : memref<!tpu.dma_semaphore, #tpu.memory_space<semaphore_mem>>
        %dma_start3A = arith.constant 0 : i32
        %dma_start3A_26 = tpu.memref_slice %arg10[%mul3A_25, %dma_start3A] : memref<10000x128xf32, #tpu.memory_space<vmem_shared>> -> memref<624x128xf32, #tpu.memory_space<vmem_shared>>
        %dma_start3A_27 = arith.constant 0 : i32
        %dma_start3A_28 = tpu.memref_slice %arg5[%mul3A_23, %dma_start3A_27] : memref<10000x128xf32, #tpu.memory_space<hbm>> -> memref<624x128xf32, #tpu.memory_space<hbm>>
        tpu.enqueue_dma source(%dma_start3A_28 : memref<624x128xf32, #tpu.memory_space<hbm>>) target(%dma_start3A_26 : memref<624x128xf32, #tpu.memory_space<vmem_shared>>) target_semaphore(%run_scoped3A : memref<!tpu.dma_semaphore, #tpu.memory_space<semaphore_mem>>)
        %dma_wait3A = arith.constant 0 : i32
        %dma_wait3A_29 = tpu.memref_slice %arg10[%mul3A_25, %dma_wait3A] : memref<10000x128xf32, #tpu.memory_space<vmem_shared>> -> memref<624x128xf32, #tpu.memory_space<vmem_shared>>
        %dma_wait3A_30 = arith.constant 0 : i32
        %dma_wait3A_31 = tpu.memref_slice %arg5[%mul3A_23, %dma_wait3A_30] : memref<10000x128xf32, #tpu.memory_space<hbm>> -> memref<624x128xf32, #tpu.memory_space<hbm>>
        tpu.wait_dma2 semaphore(%run_scoped3A : memref<!tpu.dma_semaphore, #tpu.memory_space<semaphore_mem>>) src(%dma_wait3A_31 : memref<624x128xf32, #tpu.memory_space<hbm>>) dst(%dma_wait3A_29 : memref<624x128xf32, #tpu.memory_space<vmem_shared>>)
        tpu.yield
      }) : () -> ()
    } else {
    }
    %eq3A = arith.constant 15 : i32
    %eq3A_3 = arith.cmpi eq, %arg1, %eq3A : i32
    %convert_element_type3A_4 = arith.extui %eq3A_3 : i1 to i32
    %cond3A_5 = arith.constant 0 : i32
    %cond3A_6 = arith.cmpi ne, %convert_element_type3A_4, %cond3A_5 : i32
    scf.if %cond3A_6 {
      "tpu.region"() ({
        %run_scoped3A = tpu.sem_alloc : memref<!tpu.dma_semaphore, #tpu.memory_space<semaphore_mem>>
        %dma_start3A = arith.constant 9360 : i32
        %dma_start3A_22 = arith.constant 0 : i32
        %dma_start3A_23 = tpu.memref_slice %arg10[%dma_start3A, %dma_start3A_22] : memref<10000x128xf32, #tpu.memory_space<vmem_shared>> -> memref<640x128xf32, #tpu.memory_space<vmem_shared>>
        %dma_start3A_24 = arith.constant 9360 : i32
        %dma_start3A_25 = arith.constant 0 : i32
        %dma_start3A_26 = tpu.memref_slice %arg5[%dma_start3A_24, %dma_start3A_25] : memref<10000x128xf32, #tpu.memory_space<hbm>> -> memref<640x128xf32, #tpu.memory_space<hbm>>
        tpu.enqueue_dma source(%dma_start3A_26 : memref<640x128xf32, #tpu.memory_space<hbm>>) target(%dma_start3A_23 : memref<640x128xf32, #tpu.memory_space<vmem_shared>>) target_semaphore(%run_scoped3A : memref<!tpu.dma_semaphore, #tpu.memory_space<semaphore_mem>>)
        %dma_wait3A = arith.constant 9360 : i32
        %dma_wait3A_27 = arith.constant 0 : i32
        %dma_wait3A_28 = tpu.memref_slice %arg10[%dma_wait3A, %dma_wait3A_27] : memref<10000x128xf32, #tpu.memory_space<vmem_shared>> -> memref<640x128xf32, #tpu.memory_space<vmem_shared>>
        %dma_wait3A_29 = arith.constant 9360 : i32
        %dma_wait3A_30 = arith.constant 0 : i32
        %dma_wait3A_31 = tpu.memref_slice %arg5[%dma_wait3A_29, %dma_wait3A_30] : memref<10000x128xf32, #tpu.memory_space<hbm>> -> memref<640x128xf32, #tpu.memory_space<hbm>>
        tpu.wait_dma2 semaphore(%run_scoped3A : memref<!tpu.dma_semaphore, #tpu.memory_space<semaphore_mem>>) src(%dma_wait3A_31 : memref<640x128xf32, #tpu.memory_space<hbm>>) dst(%dma_wait3A_28 : memref<640x128xf32, #tpu.memory_space<vmem_shared>>)
        tpu.yield
      }) : () -> ()
    } else {
    }
    %barrier3A = arith.constant 0 : index
    tpu.barrier barrier_id(%barrier3A)
    %scan3A = arith.constant 0 : i32
    %scan3A_7 = arith.constant 5 : i32
    %scan3A_8 = arith.addi %scan3A, %scan3A_7 : i32
    %scan3A_9 = arith.constant 1 : i32
    scf.for %scan3A_22 = %scan3A to %scan3A_8 step %scan3A_9  : i32 {
      %mul3A_23 = arith.constant 1 : i32
      %mul3A_24 = arith.muli %scan3A_22, %mul3A_23 : i32
      %add3A_25 = arith.constant 0 : i32
      %add3A_26 = arith.addi %add3A_25, %mul3A_24 : i32
      "tpu.region"() ({
        %run_scoped3A_61 = tpu.sem_alloc : memref<!tpu.dma_semaphore, #tpu.memory_space<semaphore_mem>>
        %dma_start3A_62 = arith.constant 0 : i32
        %dma_start3A_63 = arith.constant 0 : i32
        %dma_start3A_64 = arith.constant 0 : i32
        %dma_start3A_65 = tpu.memref_slice %arg3[%add3A, %dma_start3A_62, %dma_start3A_63, %dma_start3A_64] : memref<32x5x25x80xi32, #tpu.memory_space<hbm>> -> memref<1x5x25x80xi32, #tpu.memory_space<hbm>>
        %dma_start3A_66 = tpu.memref_squeeze %dma_start3A_65 : memref<1x5x25x80xi32, #tpu.memory_space<hbm>> -> memref<5x25x80xi32, #tpu.memory_space<hbm>>
        %dma_start3A_67 = arith.constant 0 : i32
        %dma_start3A_68 = arith.constant 0 : i32
        %dma_start3A_69 = tpu.memref_slice %dma_start3A_66[%add3A_26, %dma_start3A_67, %dma_start3A_68] : memref<5x25x80xi32, #tpu.memory_space<hbm>> -> memref<1x25x80xi32, #tpu.memory_space<hbm>>
        %dma_start3A_70 = tpu.memref_squeeze %dma_start3A_69 : memref<1x25x80xi32, #tpu.memory_space<hbm>> -> memref<25x80xi32, #tpu.memory_space<hbm>>
        %dma_start3A_71 = arith.constant 0 : i32
        %dma_start3A_72 = arith.constant 0 : i32
        %dma_start3A_73 = arith.constant 0 : i32
        %dma_start3A_74 = tpu.memref_slice %arg3[%add3A, %dma_start3A_71, %dma_start3A_72, %dma_start3A_73] : memref<32x5x25x80xi32, #tpu.memory_space<hbm>> -> memref<1x5x25x80xi32, #tpu.memory_space<hbm>>
        %dma_start3A_75 = tpu.memref_squeeze %dma_start3A_74 : memref<1x5x25x80xi32, #tpu.memory_space<hbm>> -> memref<5x25x80xi32, #tpu.memory_space<hbm>>
        %dma_start3A_76 = arith.constant 0 : i32
        %dma_start3A_77 = arith.constant 0 : i32
        %dma_start3A_78 = tpu.memref_slice %dma_start3A_75[%add3A_26, %dma_start3A_76, %dma_start3A_77] : memref<5x25x80xi32, #tpu.memory_space<hbm>> -> memref<1x25x80xi32, #tpu.memory_space<hbm>>
        %dma_start3A_79 = tpu.memref_squeeze %dma_start3A_78 : memref<1x25x80xi32, #tpu.memory_space<hbm>> -> memref<25x80xi32, #tpu.memory_space<hbm>>
        tpu.enqueue_dma source(%dma_start3A_79 : memref<25x80xi32, #tpu.memory_space<hbm>>) target(%arg7 : memref<25x80xi32, #tpu.memory_space<vmem>>) target_semaphore(%run_scoped3A_61 : memref<!tpu.dma_semaphore, #tpu.memory_space<semaphore_mem>>)
        %dma_wait3A_80 = arith.constant 0 : i32
        %dma_wait3A_81 = arith.constant 0 : i32
        %dma_wait3A_82 = arith.constant 0 : i32
        %dma_wait3A_83 = tpu.memref_slice %arg3[%add3A, %dma_wait3A_80, %dma_wait3A_81, %dma_wait3A_82] : memref<32x5x25x80xi32, #tpu.memory_space<hbm>> -> memref<1x5x25x80xi32, #tpu.memory_space<hbm>>
        %dma_wait3A_84 = tpu.memref_squeeze %dma_wait3A_83 : memref<1x5x25x80xi32, #tpu.memory_space<hbm>> -> memref<5x25x80xi32, #tpu.memory_space<hbm>>
        %dma_wait3A_85 = arith.constant 0 : i32
        %dma_wait3A_86 = arith.constant 0 : i32
        %dma_wait3A_87 = tpu.memref_slice %dma_wait3A_84[%add3A_26, %dma_wait3A_85, %dma_wait3A_86] : memref<5x25x80xi32, #tpu.memory_space<hbm>> -> memref<1x25x80xi32, #tpu.memory_space<hbm>>
        %dma_wait3A_88 = tpu.memref_squeeze %dma_wait3A_87 : memref<1x25x80xi32, #tpu.memory_space<hbm>> -> memref<25x80xi32, #tpu.memory_space<hbm>>
        %dma_wait3A_89 = arith.constant 0 : i32
        %dma_wait3A_90 = arith.constant 0 : i32
        %dma_wait3A_91 = arith.constant 0 : i32
        %dma_wait3A_92 = tpu.memref_slice %arg3[%add3A, %dma_wait3A_89, %dma_wait3A_90, %dma_wait3A_91] : memref<32x5x25x80xi32, #tpu.memory_space<hbm>> -> memref<1x5x25x80xi32, #tpu.memory_space<hbm>>
        %dma_wait3A_93 = tpu.memref_squeeze %dma_wait3A_92 : memref<1x5x25x80xi32, #tpu.memory_space<hbm>> -> memref<5x25x80xi32, #tpu.memory_space<hbm>>
        %dma_wait3A_94 = arith.constant 0 : i32
        %dma_wait3A_95 = arith.constant 0 : i32
        %dma_wait3A_96 = tpu.memref_slice %dma_wait3A_93[%add3A_26, %dma_wait3A_94, %dma_wait3A_95] : memref<5x25x80xi32, #tpu.memory_space<hbm>> -> memref<1x25x80xi32, #tpu.memory_space<hbm>>
        %dma_wait3A_97 = tpu.memref_squeeze %dma_wait3A_96 : memref<1x25x80xi32, #tpu.memory_space<hbm>> -> memref<25x80xi32, #tpu.memory_space<hbm>>
        tpu.wait_dma2 semaphore(%run_scoped3A_61 : memref<!tpu.dma_semaphore, #tpu.memory_space<semaphore_mem>>) src(%dma_wait3A_97 : memref<25x80xi32, #tpu.memory_space<hbm>>) dst(%arg7 : memref<25x80xi32, #tpu.memory_space<vmem>>)
        tpu.yield
      }) : () -> ()
      "tpu.region"() ({
        %run_scoped3A_61 = tpu.sem_alloc : memref<!tpu.dma_semaphore, #tpu.memory_space<semaphore_mem>>
        %dma_start3A_62 = arith.constant 0 : i32
        %dma_start3A_63 = arith.constant 0 : i32
        %dma_start3A_64 = arith.constant 0 : i32
        %dma_start3A_65 = tpu.memref_slice %arg4[%add3A, %dma_start3A_62, %dma_start3A_63, %dma_start3A_64] : memref<32x5x25x80xi32, #tpu.memory_space<hbm>> -> memref<1x5x25x80xi32, #tpu.memory_space<hbm>>
        %dma_start3A_66 = tpu.memref_squeeze %dma_start3A_65 : memref<1x5x25x80xi32, #tpu.memory_space<hbm>> -> memref<5x25x80xi32, #tpu.memory_space<hbm>>
        %dma_start3A_67 = arith.constant 0 : i32
        %dma_start3A_68 = arith.constant 0 : i32
        %dma_start3A_69 = tpu.memref_slice %dma_start3A_66[%add3A_26, %dma_start3A_67, %dma_start3A_68] : memref<5x25x80xi32, #tpu.memory_space<hbm>> -> memref<1x25x80xi32, #tpu.memory_space<hbm>>
        %dma_start3A_70 = tpu.memref_squeeze %dma_start3A_69 : memref<1x25x80xi32, #tpu.memory_space<hbm>> -> memref<25x80xi32, #tpu.memory_space<hbm>>
        %dma_start3A_71 = arith.constant 0 : i32
        %dma_start3A_72 = arith.constant 0 : i32
        %dma_start3A_73 = arith.constant 0 : i32
        %dma_start3A_74 = tpu.memref_slice %arg4[%add3A, %dma_start3A_71, %dma_start3A_72, %dma_start3A_73] : memref<32x5x25x80xi32, #tpu.memory_space<hbm>> -> memref<1x5x25x80xi32, #tpu.memory_space<hbm>>
        %dma_start3A_75 = tpu.memref_squeeze %dma_start3A_74 : memref<1x5x25x80xi32, #tpu.memory_space<hbm>> -> memref<5x25x80xi32, #tpu.memory_space<hbm>>
        %dma_start3A_76 = arith.constant 0 : i32
        %dma_start3A_77 = arith.constant 0 : i32
        %dma_start3A_78 = tpu.memref_slice %dma_start3A_75[%add3A_26, %dma_start3A_76, %dma_start3A_77] : memref<5x25x80xi32, #tpu.memory_space<hbm>> -> memref<1x25x80xi32, #tpu.memory_space<hbm>>
        %dma_start3A_79 = tpu.memref_squeeze %dma_start3A_78 : memref<1x25x80xi32, #tpu.memory_space<hbm>> -> memref<25x80xi32, #tpu.memory_space<hbm>>
        tpu.enqueue_dma source(%dma_start3A_79 : memref<25x80xi32, #tpu.memory_space<hbm>>) target(%arg8 : memref<25x80xi32, #tpu.memory_space<vmem>>) target_semaphore(%run_scoped3A_61 : memref<!tpu.dma_semaphore, #tpu.memory_space<semaphore_mem>>)
        %dma_wait3A_80 = arith.constant 0 : i32
        %dma_wait3A_81 = arith.constant 0 : i32
        %dma_wait3A_82 = arith.constant 0 : i32
        %dma_wait3A_83 = tpu.memref_slice %arg4[%add3A, %dma_wait3A_80, %dma_wait3A_81, %dma_wait3A_82] : memref<32x5x25x80xi32, #tpu.memory_space<hbm>> -> memref<1x5x25x80xi32, #tpu.memory_space<hbm>>
        %dma_wait3A_84 = tpu.memref_squeeze %dma_wait3A_83 : memref<1x5x25x80xi32, #tpu.memory_space<hbm>> -> memref<5x25x80xi32, #tpu.memory_space<hbm>>
        %dma_wait3A_85 = arith.constant 0 : i32
        %dma_wait3A_86 = arith.constant 0 : i32
        %dma_wait3A_87 = tpu.memref_slice %dma_wait3A_84[%add3A_26, %dma_wait3A_85, %dma_wait3A_86] : memref<5x25x80xi32, #tpu.memory_space<hbm>> -> memref<1x25x80xi32, #tpu.memory_space<hbm>>
        %dma_wait3A_88 = tpu.memref_squeeze %dma_wait3A_87 : memref<1x25x80xi32, #tpu.memory_space<hbm>> -> memref<25x80xi32, #tpu.memory_space<hbm>>
        %dma_wait3A_89 = arith.constant 0 : i32
        %dma_wait3A_90 = arith.constant 0 : i32
        %dma_wait3A_91 = arith.constant 0 : i32
        %dma_wait3A_92 = tpu.memref_slice %arg4[%add3A, %dma_wait3A_89, %dma_wait3A_90, %dma_wait3A_91] : memref<32x5x25x80xi32, #tpu.memory_space<hbm>> -> memref<1x5x25x80xi32, #tpu.memory_space<hbm>>
        %dma_wait3A_93 = tpu.memref_squeeze %dma_wait3A_92 : memref<1x5x25x80xi32, #tpu.memory_space<hbm>> -> memref<5x25x80xi32, #tpu.memory_space<hbm>>
        %dma_wait3A_94 = arith.constant 0 : i32
        %dma_wait3A_95 = arith.constant 0 : i32
        %dma_wait3A_96 = tpu.memref_slice %dma_wait3A_93[%add3A_26, %dma_wait3A_94, %dma_wait3A_95] : memref<5x25x80xi32, #tpu.memory_space<hbm>> -> memref<1x25x80xi32, #tpu.memory_space<hbm>>
        %dma_wait3A_97 = tpu.memref_squeeze %dma_wait3A_96 : memref<1x25x80xi32, #tpu.memory_space<hbm>> -> memref<25x80xi32, #tpu.memory_space<hbm>>
        tpu.wait_dma2 semaphore(%run_scoped3A_61 : memref<!tpu.dma_semaphore, #tpu.memory_space<semaphore_mem>>) src(%dma_wait3A_97 : memref<25x80xi32, #tpu.memory_space<hbm>>) dst(%arg8 : memref<25x80xi32, #tpu.memory_space<vmem>>)
        tpu.yield
      }) : () -> ()
      %dma_start3A = arith.constant 0 : i32
      %dma_start3A_27 = arith.constant 0 : i32
      %dma_start3A_28 = arith.constant 0 : i32
      %dma_start3A_29 = arith.constant 0 : i32
      %dma_start3A_30 = arith.constant 0 : i32
      %dma_start3A_31 = tpu.memref_slice %arg9[%dma_start3A_27, %dma_start3A_29, %dma_start3A_30] : memref<2x80x128xf32, #tpu.memory_space<vmem>> -> memref<1x80x128xf32, #tpu.memory_space<vmem>>
      %dma_start3A_32 = tpu.memref_squeeze %dma_start3A_31 : memref<1x80x128xf32, #tpu.memory_space<vmem>> -> memref<80x128xf32, #tpu.memory_space<vmem>>
      %dma_start3A_33 = arith.constant 0 : i32
      %dma_start3A_34 = tpu.memref_slice %arg7[%dma_start3A, %dma_start3A_33] : memref<25x80xi32, #tpu.memory_space<vmem>> -> memref<1x80xi32, #tpu.memory_space<vmem>>
      %dma_start3A_35 = tpu.memref_squeeze %dma_start3A_34 : memref<1x80xi32, #tpu.memory_space<vmem>> -> memref<80xi32, #tpu.memory_space<vmem>>
      %dma_start3A_36 = arith.constant 0 : i32
      %dma_start3A_37 = arith.constant 0 : i32
      %dma_start3A_38 = tpu.memref_slice %arg2[%dma_start3A_36, %dma_start3A_37] : memref<10000x128xf32, #tpu.memory_space<hbm>> -> memref<10000x128xf32, #tpu.memory_space<hbm>>
      %dma_start3A_39 = tpu.memref_slice %arg11[%dma_start3A_28] : memref<2x!tpu.dma_semaphore, #tpu.memory_space<semaphore_mem>> -> memref<1x!tpu.dma_semaphore, #tpu.memory_space<semaphore_mem>>
      %dma_start3A_40 = tpu.memref_squeeze %dma_start3A_39 : memref<1x!tpu.dma_semaphore, #tpu.memory_space<semaphore_mem>> -> memref<!tpu.dma_semaphore, #tpu.memory_space<semaphore_mem>>
      tpu.enqueue_indirect_dma source(%dma_start3A_38 : memref<10000x128xf32, #tpu.memory_space<hbm>>) target(%dma_start3A_32 : memref<80x128xf32, #tpu.memory_space<vmem>>) offsets(%dma_start3A_35 : memref<80xi32, #tpu.memory_space<vmem>>) semaphore(%dma_start3A_40 : memref<!tpu.dma_semaphore, #tpu.memory_space<semaphore_mem>>)
      %scan3A_41 = arith.constant 0 : i32
      %scan3A_42 = arith.constant 12 : i32
      %scan3A_43 = arith.addi %scan3A_41, %scan3A_42 : i32
      %scan3A_44 = arith.constant 1 : i32
      scf.for %scan3A_61 = %scan3A_41 to %scan3A_43 step %scan3A_44  : i32 {
        %mul3A_62 = arith.constant 2 : i32
        %mul3A_63 = arith.muli %scan3A_61, %mul3A_62 : i32
        %add3A_64 = arith.constant 1 : i32
        %add3A_65 = arith.addi %add3A_64, %mul3A_63 : i32
        %dma_start3A_66 = arith.constant 1 : i32
        %dma_start3A_67 = arith.constant 1 : i32
        %dma_start3A_68 = arith.constant 0 : i32
        %dma_start3A_69 = arith.constant 0 : i32
        %dma_start3A_70 = tpu.memref_slice %arg9[%dma_start3A_66, %dma_start3A_68, %dma_start3A_69] : memref<2x80x128xf32, #tpu.memory_space<vmem>> -> memref<1x80x128xf32, #tpu.memory_space<vmem>>
        %dma_start3A_71 = tpu.memref_squeeze %dma_start3A_70 : memref<1x80x128xf32, #tpu.memory_space<vmem>> -> memref<80x128xf32, #tpu.memory_space<vmem>>
        %dma_start3A_72 = arith.constant 0 : i32
        %dma_start3A_73 = tpu.memref_slice %arg7[%add3A_65, %dma_start3A_72] : memref<25x80xi32, #tpu.memory_space<vmem>> -> memref<1x80xi32, #tpu.memory_space<vmem>>
        %dma_start3A_74 = tpu.memref_squeeze %dma_start3A_73 : memref<1x80xi32, #tpu.memory_space<vmem>> -> memref<80xi32, #tpu.memory_space<vmem>>
        %dma_start3A_75 = arith.constant 0 : i32
        %dma_start3A_76 = arith.constant 0 : i32
        %dma_start3A_77 = tpu.memref_slice %arg2[%dma_start3A_75, %dma_start3A_76] : memref<10000x128xf32, #tpu.memory_space<hbm>> -> memref<10000x128xf32, #tpu.memory_space<hbm>>
        %dma_start3A_78 = tpu.memref_slice %arg11[%dma_start3A_67] : memref<2x!tpu.dma_semaphore, #tpu.memory_space<semaphore_mem>> -> memref<1x!tpu.dma_semaphore, #tpu.memory_space<semaphore_mem>>
        %dma_start3A_79 = tpu.memref_squeeze %dma_start3A_78 : memref<1x!tpu.dma_semaphore, #tpu.memory_space<semaphore_mem>> -> memref<!tpu.dma_semaphore, #tpu.memory_space<semaphore_mem>>
        tpu.enqueue_indirect_dma source(%dma_start3A_77 : memref<10000x128xf32, #tpu.memory_space<hbm>>) target(%dma_start3A_71 : memref<80x128xf32, #tpu.memory_space<vmem>>) offsets(%dma_start3A_74 : memref<80xi32, #tpu.memory_space<vmem>>) semaphore(%dma_start3A_79 : memref<!tpu.dma_semaphore, #tpu.memory_space<semaphore_mem>>)
        %sub3A = arith.constant 1 : i32
        %sub3A_80 = arith.subi %add3A_65, %sub3A : i32
        %dma_wait3A_81 = arith.constant 0 : i32
        %dma_wait3A_82 = arith.constant 0 : i32
        %dma_wait3A_83 = arith.constant 0 : i32
        %dma_wait3A_84 = arith.constant 0 : i32
        %dma_wait3A_85 = tpu.memref_slice %arg9[%dma_wait3A_81, %dma_wait3A_83, %dma_wait3A_84] : memref<2x80x128xf32, #tpu.memory_space<vmem>> -> memref<1x80x128xf32, #tpu.memory_space<vmem>>
        %dma_wait3A_86 = tpu.memref_squeeze %dma_wait3A_85 : memref<1x80x128xf32, #tpu.memory_space<vmem>> -> memref<80x128xf32, #tpu.memory_space<vmem>>
        %dma_wait3A_87 = arith.constant 0 : i32
        %dma_wait3A_88 = tpu.memref_slice %arg7[%sub3A_80, %dma_wait3A_87] : memref<25x80xi32, #tpu.memory_space<vmem>> -> memref<1x80xi32, #tpu.memory_space<vmem>>
        %dma_wait3A_89 = tpu.memref_squeeze %dma_wait3A_88 : memref<1x80xi32, #tpu.memory_space<vmem>> -> memref<80xi32, #tpu.memory_space<vmem>>
        %dma_wait3A_90 = arith.constant 0 : i32
        %dma_wait3A_91 = arith.constant 0 : i32
        %dma_wait3A_92 = tpu.memref_slice %arg2[%dma_wait3A_90, %dma_wait3A_91] : memref<10000x128xf32, #tpu.memory_space<hbm>> -> memref<10000x128xf32, #tpu.memory_space<hbm>>
        %dma_wait3A_93 = tpu.memref_slice %arg11[%dma_wait3A_82] : memref<2x!tpu.dma_semaphore, #tpu.memory_space<semaphore_mem>> -> memref<1x!tpu.dma_semaphore, #tpu.memory_space<semaphore_mem>>
        %dma_wait3A_94 = tpu.memref_squeeze %dma_wait3A_93 : memref<1x!tpu.dma_semaphore, #tpu.memory_space<semaphore_mem>> -> memref<!tpu.dma_semaphore, #tpu.memory_space<semaphore_mem>>
        tpu.wait_indirect_dma semaphore(%dma_wait3A_94 : memref<!tpu.dma_semaphore, #tpu.memory_space<semaphore_mem>>) src(%dma_wait3A_92 : memref<10000x128xf32, #tpu.memory_space<hbm>>) dst(%dma_wait3A_86 : memref<80x128xf32, #tpu.memory_space<vmem>>)
        %run_scoped3A_95 = arith.constant 0 : i32
        "tpu.region"() ({
          %run_scoped3A_127 = tpu.sem_alloc : memref<!tpu.dma_semaphore, #tpu.memory_space<semaphore_mem>>
          %dma_start3A_128 = arith.constant 0 : i32
          %dma_start3A_129 = arith.constant 0 : i32
          %dma_start3A_130 = tpu.memref_slice %arg9[%run_scoped3A_95, %dma_start3A_128, %dma_start3A_129] : memref<2x80x128xf32, #tpu.memory_space<vmem>> -> memref<1x80x128xf32, #tpu.memory_space<vmem>>
          %dma_start3A_131 = tpu.memref_squeeze %dma_start3A_130 : memref<1x80x128xf32, #tpu.memory_space<vmem>> -> memref<80x128xf32, #tpu.memory_space<vmem>>
          %dma_start3A_132 = arith.constant 0 : i32
          %dma_start3A_133 = tpu.memref_slice %arg8[%sub3A_80, %dma_start3A_132] : memref<25x80xi32, #tpu.memory_space<vmem>> -> memref<1x80xi32, #tpu.memory_space<vmem>>
          %dma_start3A_134 = tpu.memref_squeeze %dma_start3A_133 : memref<1x80xi32, #tpu.memory_space<vmem>> -> memref<80xi32, #tpu.memory_space<vmem>>
          %dma_start3A_135 = arith.constant 0 : i32
          %dma_start3A_136 = arith.constant 0 : i32
          %dma_start3A_137 = tpu.memref_slice %arg10[%dma_start3A_135, %dma_start3A_136] : memref<10000x128xf32, #tpu.memory_space<vmem_shared>> -> memref<10000x128xf32, #tpu.memory_space<vmem_shared>>
          tpu.enqueue_indirect_dma source(%dma_start3A_131 : memref<80x128xf32, #tpu.memory_space<vmem>>) target(%dma_start3A_137 : memref<10000x128xf32, #tpu.memory_space<vmem_shared>>) offsets(%dma_start3A_134 : memref<80xi32, #tpu.memory_space<vmem>>) semaphore(%run_scoped3A_127 : memref<!tpu.dma_semaphore, #tpu.memory_space<semaphore_mem>>) {add = true}
          %dma_wait3A_138 = arith.constant 0 : i32
          %dma_wait3A_139 = arith.constant 0 : i32
          %dma_wait3A_140 = tpu.memref_slice %arg9[%run_scoped3A_95, %dma_wait3A_138, %dma_wait3A_139] : memref<2x80x128xf32, #tpu.memory_space<vmem>> -> memref<1x80x128xf32, #tpu.memory_space<vmem>>
          %dma_wait3A_141 = tpu.memref_squeeze %dma_wait3A_140 : memref<1x80x128xf32, #tpu.memory_space<vmem>> -> memref<80x128xf32, #tpu.memory_space<vmem>>
          %dma_wait3A_142 = arith.constant 0 : i32
          %dma_wait3A_143 = tpu.memref_slice %arg8[%sub3A_80, %dma_wait3A_142] : memref<25x80xi32, #tpu.memory_space<vmem>> -> memref<1x80xi32, #tpu.memory_space<vmem>>
          %dma_wait3A_144 = tpu.memref_squeeze %dma_wait3A_143 : memref<1x80xi32, #tpu.memory_space<vmem>> -> memref<80xi32, #tpu.memory_space<vmem>>
          %dma_wait3A_145 = arith.constant 0 : i32
          %dma_wait3A_146 = arith.constant 0 : i32
          %dma_wait3A_147 = tpu.memref_slice %arg10[%dma_wait3A_145, %dma_wait3A_146] : memref<10000x128xf32, #tpu.memory_space<vmem_shared>> -> memref<10000x128xf32, #tpu.memory_space<vmem_shared>>
          tpu.wait_indirect_dma semaphore(%run_scoped3A_127 : memref<!tpu.dma_semaphore, #tpu.memory_space<semaphore_mem>>) src(%dma_wait3A_141 : memref<80x128xf32, #tpu.memory_space<vmem>>) dst(%dma_wait3A_147 : memref<10000x128xf32, #tpu.memory_space<vmem_shared>>)
          tpu.yield
        }) : () -> ()
        %add3A_96 = arith.constant 1 : i32
        %add3A_97 = arith.addi %add3A_65, %add3A_96 : i32
        %dma_start3A_98 = arith.constant 0 : i32
        %dma_start3A_99 = arith.constant 0 : i32
        %dma_start3A_100 = arith.constant 0 : i32
        %dma_start3A_101 = arith.constant 0 : i32
        %dma_start3A_102 = tpu.memref_slice %arg9[%dma_start3A_98, %dma_start3A_100, %dma_start3A_101] : memref<2x80x128xf32, #tpu.memory_space<vmem>> -> memref<1x80x128xf32, #tpu.memory_space<vmem>>
        %dma_start3A_103 = tpu.memref_squeeze %dma_start3A_102 : memref<1x80x128xf32, #tpu.memory_space<vmem>> -> memref<80x128xf32, #tpu.memory_space<vmem>>
        %dma_start3A_104 = arith.constant 0 : i32
        %dma_start3A_105 = tpu.memref_slice %arg7[%add3A_97, %dma_start3A_104] : memref<25x80xi32, #tpu.memory_space<vmem>> -> memref<1x80xi32, #tpu.memory_space<vmem>>
        %dma_start3A_106 = tpu.memref_squeeze %dma_start3A_105 : memref<1x80xi32, #tpu.memory_space<vmem>> -> memref<80xi32, #tpu.memory_space<vmem>>
        %dma_start3A_107 = arith.constant 0 : i32
        %dma_start3A_108 = arith.constant 0 : i32
        %dma_start3A_109 = tpu.memref_slice %arg2[%dma_start3A_107, %dma_start3A_108] : memref<10000x128xf32, #tpu.memory_space<hbm>> -> memref<10000x128xf32, #tpu.memory_space<hbm>>
        %dma_start3A_110 = tpu.memref_slice %arg11[%dma_start3A_99] : memref<2x!tpu.dma_semaphore, #tpu.memory_space<semaphore_mem>> -> memref<1x!tpu.dma_semaphore, #tpu.memory_space<semaphore_mem>>
        %dma_start3A_111 = tpu.memref_squeeze %dma_start3A_110 : memref<1x!tpu.dma_semaphore, #tpu.memory_space<semaphore_mem>> -> memref<!tpu.dma_semaphore, #tpu.memory_space<semaphore_mem>>
        tpu.enqueue_indirect_dma source(%dma_start3A_109 : memref<10000x128xf32, #tpu.memory_space<hbm>>) target(%dma_start3A_103 : memref<80x128xf32, #tpu.memory_space<vmem>>) offsets(%dma_start3A_106 : memref<80xi32, #tpu.memory_space<vmem>>) semaphore(%dma_start3A_111 : memref<!tpu.dma_semaphore, #tpu.memory_space<semaphore_mem>>)
        %dma_wait3A_112 = arith.constant 1 : i32
        %dma_wait3A_113 = arith.constant 1 : i32
        %dma_wait3A_114 = arith.constant 0 : i32
        %dma_wait3A_115 = arith.constant 0 : i32
        %dma_wait3A_116 = tpu.memref_slice %arg9[%dma_wait3A_112, %dma_wait3A_114, %dma_wait3A_115] : memref<2x80x128xf32, #tpu.memory_space<vmem>> -> memref<1x80x128xf32, #tpu.memory_space<vmem>>
        %dma_wait3A_117 = tpu.memref_squeeze %dma_wait3A_116 : memref<1x80x128xf32, #tpu.memory_space<vmem>> -> memref<80x128xf32, #tpu.memory_space<vmem>>
        %dma_wait3A_118 = arith.constant 0 : i32
        %dma_wait3A_119 = tpu.memref_slice %arg7[%add3A_65, %dma_wait3A_118] : memref<25x80xi32, #tpu.memory_space<vmem>> -> memref<1x80xi32, #tpu.memory_space<vmem>>
        %dma_wait3A_120 = tpu.memref_squeeze %dma_wait3A_119 : memref<1x80xi32, #tpu.memory_space<vmem>> -> memref<80xi32, #tpu.memory_space<vmem>>
        %dma_wait3A_121 = arith.constant 0 : i32
        %dma_wait3A_122 = arith.constant 0 : i32
        %dma_wait3A_123 = tpu.memref_slice %arg2[%dma_wait3A_121, %dma_wait3A_122] : memref<10000x128xf32, #tpu.memory_space<hbm>> -> memref<10000x128xf32, #tpu.memory_space<hbm>>
        %dma_wait3A_124 = tpu.memref_slice %arg11[%dma_wait3A_113] : memref<2x!tpu.dma_semaphore, #tpu.memory_space<semaphore_mem>> -> memref<1x!tpu.dma_semaphore, #tpu.memory_space<semaphore_mem>>
        %dma_wait3A_125 = tpu.memref_squeeze %dma_wait3A_124 : memref<1x!tpu.dma_semaphore, #tpu.memory_space<semaphore_mem>> -> memref<!tpu.dma_semaphore, #tpu.memory_space<semaphore_mem>>
        tpu.wait_indirect_dma semaphore(%dma_wait3A_125 : memref<!tpu.dma_semaphore, #tpu.memory_space<semaphore_mem>>) src(%dma_wait3A_123 : memref<10000x128xf32, #tpu.memory_space<hbm>>) dst(%dma_wait3A_117 : memref<80x128xf32, #tpu.memory_space<vmem>>)
        %run_scoped3A_126 = arith.constant 1 : i32
        "tpu.region"() ({
          %run_scoped3A_127 = tpu.sem_alloc : memref<!tpu.dma_semaphore, #tpu.memory_space<semaphore_mem>>
          %dma_start3A_128 = arith.constant 0 : i32
          %dma_start3A_129 = arith.constant 0 : i32
          %dma_start3A_130 = tpu.memref_slice %arg9[%run_scoped3A_126, %dma_start3A_128, %dma_start3A_129] : memref<2x80x128xf32, #tpu.memory_space<vmem>> -> memref<1x80x128xf32, #tpu.memory_space<vmem>>
          %dma_start3A_131 = tpu.memref_squeeze %dma_start3A_130 : memref<1x80x128xf32, #tpu.memory_space<vmem>> -> memref<80x128xf32, #tpu.memory_space<vmem>>
          %dma_start3A_132 = arith.constant 0 : i32
          %dma_start3A_133 = tpu.memref_slice %arg8[%add3A_65, %dma_start3A_132] : memref<25x80xi32, #tpu.memory_space<vmem>> -> memref<1x80xi32, #tpu.memory_space<vmem>>
          %dma_start3A_134 = tpu.memref_squeeze %dma_start3A_133 : memref<1x80xi32, #tpu.memory_space<vmem>> -> memref<80xi32, #tpu.memory_space<vmem>>
          %dma_start3A_135 = arith.constant 0 : i32
          %dma_start3A_136 = arith.constant 0 : i32
          %dma_start3A_137 = tpu.memref_slice %arg10[%dma_start3A_135, %dma_start3A_136] : memref<10000x128xf32, #tpu.memory_space<vmem_shared>> -> memref<10000x128xf32, #tpu.memory_space<vmem_shared>>
          tpu.enqueue_indirect_dma source(%dma_start3A_131 : memref<80x128xf32, #tpu.memory_space<vmem>>) target(%dma_start3A_137 : memref<10000x128xf32, #tpu.memory_space<vmem_shared>>) offsets(%dma_start3A_134 : memref<80xi32, #tpu.memory_space<vmem>>) semaphore(%run_scoped3A_127 : memref<!tpu.dma_semaphore, #tpu.memory_space<semaphore_mem>>) {add = true}
          %dma_wait3A_138 = arith.constant 0 : i32
          %dma_wait3A_139 = arith.constant 0 : i32
          %dma_wait3A_140 = tpu.memref_slice %arg9[%run_scoped3A_126, %dma_wait3A_138, %dma_wait3A_139] : memref<2x80x128xf32, #tpu.memory_space<vmem>> -> memref<1x80x128xf32, #tpu.memory_space<vmem>>
          %dma_wait3A_141 = tpu.memref_squeeze %dma_wait3A_140 : memref<1x80x128xf32, #tpu.memory_space<vmem>> -> memref<80x128xf32, #tpu.memory_space<vmem>>
          %dma_wait3A_142 = arith.constant 0 : i32
          %dma_wait3A_143 = tpu.memref_slice %arg8[%add3A_65, %dma_wait3A_142] : memref<25x80xi32, #tpu.memory_space<vmem>> -> memref<1x80xi32, #tpu.memory_space<vmem>>
          %dma_wait3A_144 = tpu.memref_squeeze %dma_wait3A_143 : memref<1x80xi32, #tpu.memory_space<vmem>> -> memref<80xi32, #tpu.memory_space<vmem>>
          %dma_wait3A_145 = arith.constant 0 : i32
          %dma_wait3A_146 = arith.constant 0 : i32
          %dma_wait3A_147 = tpu.memref_slice %arg10[%dma_wait3A_145, %dma_wait3A_146] : memref<10000x128xf32, #tpu.memory_space<vmem_shared>> -> memref<10000x128xf32, #tpu.memory_space<vmem_shared>>
          tpu.wait_indirect_dma semaphore(%run_scoped3A_127 : memref<!tpu.dma_semaphore, #tpu.memory_space<semaphore_mem>>) src(%dma_wait3A_141 : memref<80x128xf32, #tpu.memory_space<vmem>>) dst(%dma_wait3A_147 : memref<10000x128xf32, #tpu.memory_space<vmem_shared>>)
          tpu.yield
        }) : () -> ()
      }
      %scan3A_45 = arith.constant 12 : i32
      %dma_wait3A = arith.constant 24 : i32
      %dma_wait3A_46 = arith.constant 0 : i32
      %dma_wait3A_47 = arith.constant 0 : i32
      %dma_wait3A_48 = arith.constant 0 : i32
      %dma_wait3A_49 = arith.constant 0 : i32
      %dma_wait3A_50 = tpu.memref_slice %arg9[%dma_wait3A_46, %dma_wait3A_48, %dma_wait3A_49] : memref<2x80x128xf32, #tpu.memory_space<vmem>> -> memref<1x80x128xf32, #tpu.memory_space<vmem>>
      %dma_wait3A_51 = tpu.memref_squeeze %dma_wait3A_50 : memref<1x80x128xf32, #tpu.memory_space<vmem>> -> memref<80x128xf32, #tpu.memory_space<vmem>>
      %dma_wait3A_52 = arith.constant 0 : i32
      %dma_wait3A_53 = tpu.memref_slice %arg7[%dma_wait3A, %dma_wait3A_52] : memref<25x80xi32, #tpu.memory_space<vmem>> -> memref<1x80xi32, #tpu.memory_space<vmem>>
      %dma_wait3A_54 = tpu.memref_squeeze %dma_wait3A_53 : memref<1x80xi32, #tpu.memory_space<vmem>> -> memref<80xi32, #tpu.memory_space<vmem>>
      %dma_wait3A_55 = arith.constant 0 : i32
      %dma_wait3A_56 = arith.constant 0 : i32
      %dma_wait3A_57 = tpu.memref_slice %arg2[%dma_wait3A_55, %dma_wait3A_56] : memref<10000x128xf32, #tpu.memory_space<hbm>> -> memref<10000x128xf32, #tpu.memory_space<hbm>>
      %dma_wait3A_58 = tpu.memref_slice %arg11[%dma_wait3A_47] : memref<2x!tpu.dma_semaphore, #tpu.memory_space<semaphore_mem>> -> memref<1x!tpu.dma_semaphore, #tpu.memory_space<semaphore_mem>>
      %dma_wait3A_59 = tpu.memref_squeeze %dma_wait3A_58 : memref<1x!tpu.dma_semaphore, #tpu.memory_space<semaphore_mem>> -> memref<!tpu.dma_semaphore, #tpu.memory_space<semaphore_mem>>
      tpu.wait_indirect_dma semaphore(%dma_wait3A_59 : memref<!tpu.dma_semaphore, #tpu.memory_space<semaphore_mem>>) src(%dma_wait3A_57 : memref<10000x128xf32, #tpu.memory_space<hbm>>) dst(%dma_wait3A_51 : memref<80x128xf32, #tpu.memory_space<vmem>>)
      %run_scoped3A = arith.constant 0 : i32
      %run_scoped3A_60 = arith.constant 24 : i32
      "tpu.region"() ({
        %run_scoped3A_61 = tpu.sem_alloc : memref<!tpu.dma_semaphore, #tpu.memory_space<semaphore_mem>>
        %dma_start3A_62 = arith.constant 0 : i32
        %dma_start3A_63 = arith.constant 0 : i32
        %dma_start3A_64 = tpu.memref_slice %arg9[%run_scoped3A, %dma_start3A_62, %dma_start3A_63] : memref<2x80x128xf32, #tpu.memory_space<vmem>> -> memref<1x80x128xf32, #tpu.memory_space<vmem>>
        %dma_start3A_65 = tpu.memref_squeeze %dma_start3A_64 : memref<1x80x128xf32, #tpu.memory_space<vmem>> -> memref<80x128xf32, #tpu.memory_space<vmem>>
        %dma_start3A_66 = arith.constant 0 : i32
        %dma_start3A_67 = tpu.memref_slice %arg8[%run_scoped3A_60, %dma_start3A_66] : memref<25x80xi32, #tpu.memory_space<vmem>> -> memref<1x80xi32, #tpu.memory_space<vmem>>
        %dma_start3A_68 = tpu.memref_squeeze %dma_start3A_67 : memref<1x80xi32, #tpu.memory_space<vmem>> -> memref<80xi32, #tpu.memory_space<vmem>>
        %dma_start3A_69 = arith.constant 0 : i32
        %dma_start3A_70 = arith.constant 0 : i32
        %dma_start3A_71 = tpu.memref_slice %arg10[%dma_start3A_69, %dma_start3A_70] : memref<10000x128xf32, #tpu.memory_space<vmem_shared>> -> memref<10000x128xf32, #tpu.memory_space<vmem_shared>>
        tpu.enqueue_indirect_dma source(%dma_start3A_65 : memref<80x128xf32, #tpu.memory_space<vmem>>) target(%dma_start3A_71 : memref<10000x128xf32, #tpu.memory_space<vmem_shared>>) offsets(%dma_start3A_68 : memref<80xi32, #tpu.memory_space<vmem>>) semaphore(%run_scoped3A_61 : memref<!tpu.dma_semaphore, #tpu.memory_space<semaphore_mem>>) {add = true}
        %dma_wait3A_72 = arith.constant 0 : i32
        %dma_wait3A_73 = arith.constant 0 : i32
        %dma_wait3A_74 = tpu.memref_slice %arg9[%run_scoped3A, %dma_wait3A_72, %dma_wait3A_73] : memref<2x80x128xf32, #tpu.memory_space<vmem>> -> memref<1x80x128xf32, #tpu.memory_space<vmem>>
        %dma_wait3A_75 = tpu.memref_squeeze %dma_wait3A_74 : memref<1x80x128xf32, #tpu.memory_space<vmem>> -> memref<80x128xf32, #tpu.memory_space<vmem>>
        %dma_wait3A_76 = arith.constant 0 : i32
        %dma_wait3A_77 = tpu.memref_slice %arg8[%run_scoped3A_60, %dma_wait3A_76] : memref<25x80xi32, #tpu.memory_space<vmem>> -> memref<1x80xi32, #tpu.memory_space<vmem>>
        %dma_wait3A_78 = tpu.memref_squeeze %dma_wait3A_77 : memref<1x80xi32, #tpu.memory_space<vmem>> -> memref<80xi32, #tpu.memory_space<vmem>>
        %dma_wait3A_79 = arith.constant 0 : i32
        %dma_wait3A_80 = arith.constant 0 : i32
        %dma_wait3A_81 = tpu.memref_slice %arg10[%dma_wait3A_79, %dma_wait3A_80] : memref<10000x128xf32, #tpu.memory_space<vmem_shared>> -> memref<10000x128xf32, #tpu.memory_space<vmem_shared>>
        tpu.wait_indirect_dma semaphore(%run_scoped3A_61 : memref<!tpu.dma_semaphore, #tpu.memory_space<semaphore_mem>>) src(%dma_wait3A_75 : memref<80x128xf32, #tpu.memory_space<vmem>>) dst(%dma_wait3A_81 : memref<10000x128xf32, #tpu.memory_space<vmem_shared>>)
        tpu.yield
      }) : () -> ()
    }
    %scan3A_10 = arith.constant 5 : i32
    %barrier3A_11 = arith.constant 0 : index
    tpu.barrier barrier_id(%barrier3A_11)
    %lt3A_12 = arith.constant 15 : i32
    %lt3A_13 = arith.cmpi slt, %arg1, %lt3A_12 : i32
    %convert_element_type3A_14 = arith.extui %lt3A_13 : i1 to i32
    %cond3A_15 = arith.constant 0 : i32
    %cond3A_16 = arith.cmpi ne, %convert_element_type3A_14, %cond3A_15 : i32
    scf.if %cond3A_16 {
      %mul3A_22 = arith.constant 624 : i32
      %mul3A_23 = arith.muli %arg1, %mul3A_22 : i32
      %mul3A_24 = arith.constant 624 : i32
      %mul3A_25 = arith.muli %arg1, %mul3A_24 : i32
      "tpu.region"() ({
        %run_scoped3A = tpu.sem_alloc : memref<!tpu.dma_semaphore, #tpu.memory_space<semaphore_mem>>
        %dma_start3A = arith.constant 0 : i32
        %dma_start3A_26 = arith.constant 0 : i32
        %dma_start3A_27 = tpu.memref_slice %arg6[%arg0, %dma_start3A, %dma_start3A_26] : memref<2x10000x128xf32, #tpu.memory_space<hbm>> -> memref<1x10000x128xf32, #tpu.memory_space<hbm>>
        %dma_start3A_28 = tpu.memref_squeeze %dma_start3A_27 : memref<1x10000x128xf32, #tpu.memory_space<hbm>> -> memref<10000x128xf32, #tpu.memory_space<hbm>>
        %dma_start3A_29 = arith.constant 0 : i32
        %dma_start3A_30 = tpu.memref_slice %dma_start3A_28[%mul3A_25, %dma_start3A_29] : memref<10000x128xf32, #tpu.memory_space<hbm>> -> memref<624x128xf32, #tpu.memory_space<hbm>>
        %dma_start3A_31 = arith.constant 0 : i32
        %dma_start3A_32 = tpu.memref_slice %arg10[%mul3A_23, %dma_start3A_31] : memref<10000x128xf32, #tpu.memory_space<vmem_shared>> -> memref<624x128xf32, #tpu.memory_space<vmem_shared>>
        tpu.enqueue_dma source(%dma_start3A_32 : memref<624x128xf32, #tpu.memory_space<vmem_shared>>) target(%dma_start3A_30 : memref<624x128xf32, #tpu.memory_space<hbm>>) target_semaphore(%run_scoped3A : memref<!tpu.dma_semaphore, #tpu.memory_space<semaphore_mem>>)
        %dma_wait3A = arith.constant 0 : i32
        %dma_wait3A_33 = arith.constant 0 : i32
        %dma_wait3A_34 = tpu.memref_slice %arg6[%arg0, %dma_wait3A, %dma_wait3A_33] : memref<2x10000x128xf32, #tpu.memory_space<hbm>> -> memref<1x10000x128xf32, #tpu.memory_space<hbm>>
        %dma_wait3A_35 = tpu.memref_squeeze %dma_wait3A_34 : memref<1x10000x128xf32, #tpu.memory_space<hbm>> -> memref<10000x128xf32, #tpu.memory_space<hbm>>
        %dma_wait3A_36 = arith.constant 0 : i32
        %dma_wait3A_37 = tpu.memref_slice %dma_wait3A_35[%mul3A_25, %dma_wait3A_36] : memref<10000x128xf32, #tpu.memory_space<hbm>> -> memref<624x128xf32, #tpu.memory_space<hbm>>
        %dma_wait3A_38 = arith.constant 0 : i32
        %dma_wait3A_39 = tpu.memref_slice %arg10[%mul3A_23, %dma_wait3A_38] : memref<10000x128xf32, #tpu.memory_space<vmem_shared>> -> memref<624x128xf32, #tpu.memory_space<vmem_shared>>
        tpu.wait_dma2 semaphore(%run_scoped3A : memref<!tpu.dma_semaphore, #tpu.memory_space<semaphore_mem>>) src(%dma_wait3A_39 : memref<624x128xf32, #tpu.memory_space<vmem_shared>>) dst(%dma_wait3A_37 : memref<624x128xf32, #tpu.memory_space<hbm>>)
        tpu.yield
      }) : () -> ()
    } else {
    }
    %eq3A_17 = arith.constant 15 : i32
    %eq3A_18 = arith.cmpi eq, %arg1, %eq3A_17 : i32
    %convert_element_type3A_19 = arith.extui %eq3A_18 : i1 to i32
    %cond3A_20 = arith.constant 0 : i32
    %cond3A_21 = arith.cmpi ne, %convert_element_type3A_19, %cond3A_20 : i32
    scf.if %cond3A_21 {
      "tpu.region"() ({
        %run_scoped3A = tpu.sem_alloc : memref<!tpu.dma_semaphore, #tpu.memory_space<semaphore_mem>>
        %dma_start3A = arith.constant 0 : i32
        %dma_start3A_22 = arith.constant 0 : i32
        %dma_start3A_23 = tpu.memref_slice %arg6[%arg0, %dma_start3A, %dma_start3A_22] : memref<2x10000x128xf32, #tpu.memory_space<hbm>> -> memref<1x10000x128xf32, #tpu.memory_space<hbm>>
        %dma_start3A_24 = tpu.memref_squeeze %dma_start3A_23 : memref<1x10000x128xf32, #tpu.memory_space<hbm>> -> memref<10000x128xf32, #tpu.memory_space<hbm>>
        %dma_start3A_25 = arith.constant 9360 : i32
        %dma_start3A_26 = arith.constant 0 : i32
        %dma_start3A_27 = tpu.memref_slice %dma_start3A_24[%dma_start3A_25, %dma_start3A_26] : memref<10000x128xf32, #tpu.memory_space<hbm>> -> memref<640x128xf32, #tpu.memory_space<hbm>>
        %dma_start3A_28 = arith.constant 9360 : i32
        %dma_start3A_29 = arith.constant 0 : i32
        %dma_start3A_30 = tpu.memref_slice %arg10[%dma_start3A_28, %dma_start3A_29] : memref<10000x128xf32, #tpu.memory_space<vmem_shared>> -> memref<640x128xf32, #tpu.memory_space<vmem_shared>>
        tpu.enqueue_dma source(%dma_start3A_30 : memref<640x128xf32, #tpu.memory_space<vmem_shared>>) target(%dma_start3A_27 : memref<640x128xf32, #tpu.memory_space<hbm>>) target_semaphore(%run_scoped3A : memref<!tpu.dma_semaphore, #tpu.memory_space<semaphore_mem>>)
        %dma_wait3A = arith.constant 0 : i32
        %dma_wait3A_31 = arith.constant 0 : i32
        %dma_wait3A_32 = tpu.memref_slice %arg6[%arg0, %dma_wait3A, %dma_wait3A_31] : memref<2x10000x128xf32, #tpu.memory_space<hbm>> -> memref<1x10000x128xf32, #tpu.memory_space<hbm>>
        %dma_wait3A_33 = tpu.memref_squeeze %dma_wait3A_32 : memref<1x10000x128xf32, #tpu.memory_space<hbm>> -> memref<10000x128xf32, #tpu.memory_space<hbm>>
        %dma_wait3A_34 = arith.constant 9360 : i32
        %dma_wait3A_35 = arith.constant 0 : i32
        %dma_wait3A_36 = tpu.memref_slice %dma_wait3A_33[%dma_wait3A_34, %dma_wait3A_35] : memref<10000x128xf32, #tpu.memory_space<hbm>> -> memref<640x128xf32, #tpu.memory_space<hbm>>
        %dma_wait3A_37 = arith.constant 9360 : i32
        %dma_wait3A_38 = arith.constant 0 : i32
        %dma_wait3A_39 = tpu.memref_slice %arg10[%dma_wait3A_37, %dma_wait3A_38] : memref<10000x128xf32, #tpu.memory_space<vmem_shared>> -> memref<640x128xf32, #tpu.memory_space<vmem_shared>>
        tpu.wait_dma2 semaphore(%run_scoped3A : memref<!tpu.dma_semaphore, #tpu.memory_space<semaphore_mem>>) src(%dma_wait3A_39 : memref<640x128xf32, #tpu.memory_space<vmem_shared>>) dst(%dma_wait3A_36 : memref<640x128xf32, #tpu.memory_space<hbm>>)
        tpu.yield
      }) : () -> ()
    } else {
    }
    return
  }
}

module attributes {stable_mosaic.version = 14 : i64} {
  func.func @_tc1_body(%arg0: i32, %arg1: memref<2000x1xf32, #tpu.memory_space<vmem>>, %arg2: memref<2000x1xf32, #tpu.memory_space<vmem>>, %arg3: memref<2000x128xf32, #tpu.memory_space<vmem>>, %arg4: memref<128x128xf32, #tpu.memory_space<vmem>>, %arg5: memref<2000x1xf32, #tpu.memory_space<vmem>>, %arg6: memref<2000x128xf32, #tpu.memory_space<vmem>>) attributes {dimension_semantics = [#tpu.dimension_semantics<arbitrary>], iteration_bounds = array<i64: 5>, scalar_prefetch = 0 : i64, scratch_operands = 0 : i64, tpu.core_type = #tpu.core_type<tc>, window_params = [{transform_indices = @transform_0, window_bounds = array<i64: 2000, 1>}, {transform_indices = @transform_1, window_bounds = array<i64: 2000, 1>}, {transform_indices = @transform_2, window_bounds = array<i64: 2000, 128>}, {pipeline_mode = #tpu.pipeline_mode<synchronous>, transform_indices = @transform_3, window_bounds = array<i64: 128, 128>}, {transform_indices = @transform_4, window_bounds = array<i64: 2000, 1>}, {transform_indices = @transform_5, window_bounds = array<i64: 2000, 128>}]} {
    %get3A = arith.constant 0 : index
    %get3A_0 = arith.constant 0 : index
    %get3A_1 = vector.load %arg1[%get3A, %get3A_0] : memref<2000x1xf32, #tpu.memory_space<vmem>>, vector<2000x1xf32>
    %get3A_2 = arith.constant 0 : index
    %get3A_3 = arith.constant 0 : index
    %get3A_4 = vector.load %arg2[%get3A_2, %get3A_3] : memref<2000x1xf32, #tpu.memory_space<vmem>>, vector<2000x1xf32>
    %add3A = arith.addf %get3A_1, %get3A_4 : vector<2000x1xf32>
    %add3A_5 = arith.constant 1.000000e+00 : f32
    %add3A_6 = vector.broadcast %add3A_5 : f32 to vector<2000x1xf32>
    %add3A_7 = arith.addf %add3A, %add3A_6 : vector<2000x1xf32>
    %rsqrt3A = math.rsqrt %add3A_7 : vector<2000x1xf32>
    %swap3A = arith.constant 0 : index
    %swap3A_8 = arith.constant 0 : index
    %swap3A_9 = vector.load %arg5[%swap3A, %swap3A_8] : memref<2000x1xf32, #tpu.memory_space<vmem>>, vector<2000x1xf32>
    tpu.vector_store %arg5[%swap3A, %swap3A_8], %rsqrt3A {strides = array<i32>} : memref<2000x1xf32, #tpu.memory_space<vmem>>, vector<2000x1xf32>,
    %get3A_10 = arith.constant 0 : index
    %get3A_11 = arith.constant 0 : index
    %get3A_12 = vector.load %arg3[%get3A_10, %get3A_11] : memref<2000x128xf32, #tpu.memory_space<vmem>>, vector<2000x128xf32>
    %get3A_13 = arith.constant 0 : index
    %get3A_14 = arith.constant 0 : index
    %get3A_15 = vector.load %arg4[%get3A_13, %get3A_14] : memref<128x128xf32, #tpu.memory_space<vmem>>, vector<128x128xf32>
    %dot_general3A = arith.constant dense<0.000000e+00> : vector<2000x128xf32>
    %dot_general3A_16 = tpu.matmul %get3A_12, %get3A_15, %dot_general3A {dimension_numbers = #tpu.dot_dimension_numbers<[1], [0], [0], [1], [0, 0, 1, 1], [], []>, transpose_lhs_hint = false} : vector<2000x128xf32>, vector<128x128xf32>, vector<2000x128xf32> -> vector<2000x128xf32>
    %mul3A = vector.broadcast %rsqrt3A : vector<2000x1xf32> to vector<2000x128xf32>
    %mul3A_17 = arith.mulf %dot_general3A_16, %mul3A : vector<2000x128xf32>
    %swap3A_18 = arith.constant 0 : index
    %swap3A_19 = arith.constant 0 : index
    %swap3A_20 = vector.load %arg6[%swap3A_18, %swap3A_19] : memref<2000x128xf32, #tpu.memory_space<vmem>>, vector<2000x128xf32>
    tpu.vector_store %arg6[%swap3A_18, %swap3A_19], %mul3A_17 {strides = array<i32>} : memref<2000x128xf32, #tpu.memory_space<vmem>>, vector<2000x128xf32>,
    return
  }
  func.func @transform_0(%arg0: i32) -> (i32, i32) {
    %c0_i32 = arith.constant 0 : i32
    %c0_i32_0 = arith.constant 0 : i32
    return %arg0, %c0_i32 : i32, i32
  }
  func.func @transform_1(%arg0: i32) -> (i32, i32) {
    %c0_i32 = arith.constant 0 : i32
    %c0_i32_0 = arith.constant 0 : i32
    return %arg0, %c0_i32 : i32, i32
  }
  func.func @transform_2(%arg0: i32) -> (i32, i32) {
    %c0_i32 = arith.constant 0 : i32
    %c0_i32_0 = arith.constant 0 : i32
    return %arg0, %c0_i32 : i32, i32
  }
  func.func @transform_3(%arg0: i32) -> (i32, i32) {
    %c0_i32 = arith.constant 0 : i32
    %c0_i32_0 = arith.constant 0 : i32
    %c0_i32_1 = arith.constant 0 : i32
    return %c0_i32, %c0_i32_0 : i32, i32
  }
  func.func @transform_4(%arg0: i32) -> (i32, i32) {
    %c0_i32 = arith.constant 0 : i32
    %c0_i32_0 = arith.constant 0 : i32
    return %arg0, %c0_i32 : i32, i32
  }
  func.func @transform_5(%arg0: i32) -> (i32, i32) {
    %c0_i32 = arith.constant 0 : i32
    %c0_i32_0 = arith.constant 0 : i32
    return %arg0, %c0_i32 : i32, i32
  }
}

module attributes {stable_mosaic.version = 14 : i64} {
  func.func @_tc2_body(%arg0: i32, %arg1: memref<2000x128xf32, #tpu.memory_space<vmem>>, %arg2: memref<2000x128xf32, #tpu.memory_space<vmem>>, %arg3: memref<2000x128xf32, #tpu.memory_space<vmem>>, %arg4: memref<2000x1xf32, #tpu.memory_space<vmem>>, %arg5: memref<128xf32, #tpu.memory_space<vmem>>, %arg6: memref<128x128xf32, #tpu.memory_space<vmem>>, %arg7: memref<2000x128xf32, #tpu.memory_space<vmem>>) attributes {dimension_semantics = [#tpu.dimension_semantics<arbitrary>], iteration_bounds = array<i64: 5>, scalar_prefetch = 0 : i64, scratch_operands = 0 : i64, tpu.core_type = #tpu.core_type<tc>, window_params = [{transform_indices = @transform_0, window_bounds = array<i64: 2000, 128>}, {transform_indices = @transform_1, window_bounds = array<i64: 2000, 128>}, {transform_indices = @transform_2, window_bounds = array<i64: 2000, 128>}, {transform_indices = @transform_3, window_bounds = array<i64: 2000, 1>}, {pipeline_mode = #tpu.pipeline_mode<synchronous>, transform_indices = @transform_4, window_bounds = array<i64: 128>}, {pipeline_mode = #tpu.pipeline_mode<synchronous>, transform_indices = @transform_5, window_bounds = array<i64: 128, 128>}, {transform_indices = @transform_6, window_bounds = array<i64: 2000, 128>}]} {
    %get3A = arith.constant 0 : index
    %get3A_0 = arith.constant 0 : index
    %get3A_1 = vector.load %arg4[%get3A, %get3A_0] : memref<2000x1xf32, #tpu.memory_space<vmem>>, vector<2000x1xf32>
    %get3A_2 = arith.constant 0 : index
    %get3A_3 = arith.constant 0 : index
    %get3A_4 = vector.load %arg1[%get3A_2, %get3A_3] : memref<2000x128xf32, #tpu.memory_space<vmem>>, vector<2000x128xf32>
    %get3A_5 = arith.constant 0 : index
    %get3A_6 = arith.constant 0 : index
    %get3A_7 = vector.load %arg2[%get3A_5, %get3A_6] : memref<2000x128xf32, #tpu.memory_space<vmem>>, vector<2000x128xf32>
    %add3A = arith.addf %get3A_4, %get3A_7 : vector<2000x128xf32>
    %get3A_8 = arith.constant 0 : index
    %get3A_9 = arith.constant 0 : index
    %get3A_10 = vector.load %arg3[%get3A_8, %get3A_9] : memref<2000x128xf32, #tpu.memory_space<vmem>>, vector<2000x128xf32>
    %add3A_11 = arith.addf %add3A, %get3A_10 : vector<2000x128xf32>
    %mul3A = vector.broadcast %get3A_1 : vector<2000x1xf32> to vector<2000x128xf32>
    %mul3A_12 = arith.mulf %add3A_11, %mul3A : vector<2000x128xf32>
    %get3A_13 = arith.constant 0 : index
    %get3A_14 = vector.load %arg5[%get3A_13] : memref<128xf32, #tpu.memory_space<vmem>>, vector<128xf32>
    %broadcast_in_dim3A = vector.shape_cast %get3A_14 : vector<128xf32> to vector<1x128xf32>
    %add3A_15 = vector.broadcast %broadcast_in_dim3A : vector<1x128xf32> to vector<2000x128xf32>
    %add3A_16 = arith.addf %mul3A_12, %add3A_15 : vector<2000x128xf32>
    %max3A = arith.constant 0.000000e+00 : f32
    %max3A_17 = vector.broadcast %max3A : f32 to vector<2000x128xf32>
    %max3A_18 = arith.maximumf %add3A_16, %max3A_17 : vector<2000x128xf32>
    %get3A_19 = arith.constant 0 : index
    %get3A_20 = arith.constant 0 : index
    %get3A_21 = vector.load %arg6[%get3A_19, %get3A_20] : memref<128x128xf32, #tpu.memory_space<vmem>>, vector<128x128xf32>
    %dot_general3A = arith.constant dense<0.000000e+00> : vector<2000x128xf32>
    %dot_general3A_22 = tpu.matmul %max3A_18, %get3A_21, %dot_general3A {dimension_numbers = #tpu.dot_dimension_numbers<[1], [0], [0], [1], [0, 0, 1, 1], [], []>, transpose_lhs_hint = false} : vector<2000x128xf32>, vector<128x128xf32>, vector<2000x128xf32> -> vector<2000x128xf32>
    %mul3A_23 = vector.broadcast %get3A_1 : vector<2000x1xf32> to vector<2000x128xf32>
    %mul3A_24 = arith.mulf %dot_general3A_22, %mul3A_23 : vector<2000x128xf32>
    %swap3A = arith.constant 0 : index
    %swap3A_25 = arith.constant 0 : index
    %swap3A_26 = vector.load %arg7[%swap3A, %swap3A_25] : memref<2000x128xf32, #tpu.memory_space<vmem>>, vector<2000x128xf32>
    tpu.vector_store %arg7[%swap3A, %swap3A_25], %mul3A_24 {strides = array<i32>} : memref<2000x128xf32, #tpu.memory_space<vmem>>, vector<2000x128xf32>,
    return
  }
  func.func @transform_0(%arg0: i32) -> (i32, i32) {
    %c0_i32 = arith.constant 0 : i32
    %c0_i32_0 = arith.constant 0 : i32
    return %arg0, %c0_i32 : i32, i32
  }
  func.func @transform_1(%arg0: i32) -> (i32, i32) {
    %c0_i32 = arith.constant 0 : i32
    %c0_i32_0 = arith.constant 0 : i32
    return %arg0, %c0_i32 : i32, i32
  }
  func.func @transform_2(%arg0: i32) -> (i32, i32) {
    %c0_i32 = arith.constant 0 : i32
    %c0_i32_0 = arith.constant 0 : i32
    return %arg0, %c0_i32 : i32, i32
  }
  func.func @transform_3(%arg0: i32) -> (i32, i32) {
    %c0_i32 = arith.constant 0 : i32
    %c0_i32_0 = arith.constant 0 : i32
    return %arg0, %c0_i32 : i32, i32
  }
  func.func @transform_4(%arg0: i32) -> i32 {
    %c0_i32 = arith.constant 0 : i32
    %c0_i32_0 = arith.constant 0 : i32
    return %c0_i32 : i32
  }
  func.func @transform_5(%arg0: i32) -> (i32, i32) {
    %c0_i32 = arith.constant 0 : i32
    %c0_i32_0 = arith.constant 0 : i32
    %c0_i32_1 = arith.constant 0 : i32
    return %c0_i32, %c0_i32_0 : i32, i32
  }
  func.func @transform_6(%arg0: i32) -> (i32, i32) {
    %c0_i32 = arith.constant 0 : i32
    %c0_i32_0 = arith.constant 0 : i32
    return %arg0, %c0_i32 : i32, i32
  }
}

module attributes {stable_mosaic.version = 14 : i64} {
  func.func @_tcf_body(%arg0: memref<10000x128xf32, #tpu.memory_space<vmem>>, %arg1: memref<10000x128xf32, #tpu.memory_space<vmem>>, %arg2: memref<10000x128xf32, #tpu.memory_space<vmem>>, %arg3: memref<10000x1xf32, #tpu.memory_space<vmem>>, %arg4: memref<10000xi32, #tpu.memory_space<vmem>>, %arg5: memref<128xf32, #tpu.memory_space<vmem>>, %arg6: memref<128x16xf32, #tpu.memory_space<vmem>>, %arg7: memref<16xf32, #tpu.memory_space<vmem>>, %arg8: memref<64x16xf32, #tpu.memory_space<vmem>>) attributes {dimension_semantics = [], scalar_prefetch = 0 : i64, scratch_operands = 0 : i64, tpu.core_type = #tpu.core_type<tc>} {
    %get3A = arith.constant 0 : index
    %get3A_0 = arith.constant 0 : index
    %get3A_1 = vector.load %arg3[%get3A, %get3A_0] : memref<10000x1xf32, #tpu.memory_space<vmem>>, vector<10000x1xf32>
    %get3A_2 = arith.constant 0 : index
    %get3A_3 = arith.constant 0 : index
    %get3A_4 = vector.load %arg0[%get3A_2, %get3A_3] : memref<10000x128xf32, #tpu.memory_space<vmem>>, vector<10000x128xf32>
    %get3A_5 = arith.constant 0 : index
    %get3A_6 = arith.constant 0 : index
    %get3A_7 = vector.load %arg1[%get3A_5, %get3A_6] : memref<10000x128xf32, #tpu.memory_space<vmem>>, vector<10000x128xf32>
    %add3A = arith.addf %get3A_4, %get3A_7 : vector<10000x128xf32>
    %get3A_8 = arith.constant 0 : index
    %get3A_9 = arith.constant 0 : index
    %get3A_10 = vector.load %arg2[%get3A_8, %get3A_9] : memref<10000x128xf32, #tpu.memory_space<vmem>>, vector<10000x128xf32>
    %add3A_11 = arith.addf %add3A, %get3A_10 : vector<10000x128xf32>
    %mul3A = vector.broadcast %get3A_1 : vector<10000x1xf32> to vector<10000x128xf32>
    %mul3A_12 = arith.mulf %add3A_11, %mul3A : vector<10000x128xf32>
    %get3A_13 = arith.constant 0 : index
    %get3A_14 = vector.load %arg5[%get3A_13] : memref<128xf32, #tpu.memory_space<vmem>>, vector<128xf32>
    %broadcast_in_dim3A = vector.shape_cast %get3A_14 : vector<128xf32> to vector<1x128xf32>
    %add3A_15 = vector.broadcast %broadcast_in_dim3A : vector<1x128xf32> to vector<10000x128xf32>
    %add3A_16 = arith.addf %mul3A_12, %add3A_15 : vector<10000x128xf32>
    %get3A_17 = arith.constant 0 : index
    %get3A_18 = vector.load %arg4[%get3A_17] : memref<10000xi32, #tpu.memory_space<vmem>>, vector<10000xi32>
    %iota3A = tpu.iota {dimensions = array<i32: 0>} : vector<64x10000xi32>
    %broadcast_in_dim3A_19 = vector.shape_cast %get3A_18 : vector<10000xi32> to vector<1x10000xi32>
    %eq3A = vector.broadcast %broadcast_in_dim3A_19 : vector<1x10000xi32> to vector<64x10000xi32>
    %eq3A_20 = arith.cmpi eq, %eq3A, %iota3A : vector<64x10000xi32>
    %jit3A = arith.constant 1.000000e+00 : f32
    %jit3A_21 = arith.constant 0.000000e+00 : f32
    %broadcast_in_dim3A_22 = vector.broadcast %jit3A : f32 to vector<64x10000xf32>
    %broadcast_in_dim3A_23 = vector.broadcast %jit3A_21 : f32 to vector<64x10000xf32>
    %select_n3A = arith.select %eq3A_20, %broadcast_in_dim3A_22, %broadcast_in_dim3A_23 : vector<64x10000xi1>, vector<64x10000xf32>
    %reduce_sum3A = arith.constant dense<0.000000e+00> : vector<64xf32>
    %reduce_sum3A_24 = vector.multi_reduction <add>, %select_n3A, %reduce_sum3A [1] : vector<64x10000xf32> to vector<64xf32>
    %dot_general3A = arith.constant dense<0.000000e+00> : vector<64x128xf32>
    %dot_general3A_25 = tpu.matmul %select_n3A, %add3A_16, %dot_general3A {dimension_numbers = #tpu.dot_dimension_numbers<[1], [0], [0], [1], [0, 0, 1, 1], [], []>, precision = #tpu.contract_precision<fp32>, transpose_lhs_hint = false} : vector<64x10000xf32>, vector<10000x128xf32>, vector<64x128xf32> -> vector<64x128xf32>
    %max3A = arith.constant 1.000000e+00 : f32
    %max3A_26 = vector.broadcast %max3A : f32 to vector<64xf32>
    %max3A_27 = arith.maximumf %reduce_sum3A_24, %max3A_26 : vector<64xf32>
    %broadcast_in_dim3A_28 = vector.shape_cast %max3A_27 : vector<64xf32> to vector<64x1xf32>
    %div3A = vector.broadcast %broadcast_in_dim3A_28 : vector<64x1xf32> to vector<64x128xf32>
    %div3A_29 = arith.divf %dot_general3A_25, %div3A : vector<64x128xf32>
    %get3A_30 = arith.constant 0 : index
    %get3A_31 = arith.constant 0 : index
    %get3A_32 = vector.load %arg6[%get3A_30, %get3A_31] : memref<128x16xf32, #tpu.memory_space<vmem>>, vector<128x16xf32>
    %dot_general3A_33 = arith.constant dense<0.000000e+00> : vector<64x16xf32>
    %dot_general3A_34 = tpu.matmul %div3A_29, %get3A_32, %dot_general3A_33 {dimension_numbers = #tpu.dot_dimension_numbers<[1], [0], [0], [1], [0, 0, 1, 1], [], []>, transpose_lhs_hint = false} : vector<64x128xf32>, vector<128x16xf32>, vector<64x16xf32> -> vector<64x16xf32>
    %get3A_35 = arith.constant 0 : index
    %get3A_36 = vector.load %arg7[%get3A_35] : memref<16xf32, #tpu.memory_space<vmem>>, vector<16xf32>
    %broadcast_in_dim3A_37 = vector.shape_cast %get3A_36 : vector<16xf32> to vector<1x16xf32>
    %add3A_38 = vector.broadcast %broadcast_in_dim3A_37 : vector<1x16xf32> to vector<64x16xf32>
    %add3A_39 = arith.addf %dot_general3A_34, %add3A_38 : vector<64x16xf32>
    %swap3A = arith.constant 0 : index
    %swap3A_40 = arith.constant 0 : index
    %swap3A_41 = vector.load %arg8[%swap3A, %swap3A_40] : memref<64x16xf32, #tpu.memory_space<vmem>>, vector<64x16xf32>
    tpu.vector_store %arg8[%swap3A, %swap3A_40], %add3A_39 {strides = array<i32>} : memref<64x16xf32, #tpu.memory_space<vmem>>, vector<64x16xf32>,
    return
  }
}

</mosaic_0001>

<sc_bundles>
// kernel: kernel.10.cloned.1.call-start
scs
__scs_entry_jumppad:
0x0: {  	(pc) =	sbr.rel $0x88, $3  }
0x1: {  	(tag) =	ssettag $0x0;
	lr =	simm.s32 $0x1  }
0x2: {  	[smem:$0x3F96] =	sst lr;
	_ =	strace $0xD0000000  }
0x3: {  	_ = 	snop  }
0x4: {  	_ = 	snop  }
0x5: {  	_ = 	snop  }
0x6: {  	_ = 	snop  }
0x7: {  	_ = 	snop  }
__scs_overlays_trampoline_lowered:
0x8: {  	[smem:$0x3FA5] =	sst s0  }
0x9: {  	[smem:$0x3FA6] =	sst s1  }
0xa: {  	[smem:$0x3FA7] =	sst s2  }
0xb: {  	[smem:$0x3FA8] =	sst s3  }
0xc: {  	[smem:$0x3FA9] =	sst s4  }
0xd: {  	[smem:$0x3FAA] =	sst s5  }
0xe: {  	[smem:$0x3FAB] =	sst s6  }
0xf: {  	[smem:$0x3FAC] =	sst s7  }
0x10: {  	[smem:$0x3FAD] =	sst s8  }
0x11: {  	[smem:$0x3FAE] =	sst s9;
	s0 =	simm.s32 @!p0 $0x0  }
0x12: {  	s1 =	sld [smem:$0x3F94];
	s0 =	simm.s32 @p0 $0x1  }
0x13: {  	[smem:$0x3FAF] =	sst s0;
	s0 =	simm.s32 @!p1 $0x0  }
0x14: {  	s2 =	sld [smem:$0x3F93];
	s0 =	simm.s32 @p1 $0x1  }
0x15: {  	[smem:$0x3FB0] =	sst s0;
	s0 =	simm.s32 @!p2 $0x0  }
0x16: {  	s3 =	sld [smem:$0x3FDB];
	s0 =	simm.s32 @p2 $0x1  }
0x17: {  	s4 =	simm.s32 $0x1BF5;
	[smem:$0x3FB2] =	sst s0  }
0x18: {  	s0 =	sld [smem:$0x3F95];
	_ =	swait.ge [sflag:s4], $0x0  }
0x19: {  	s7 =	sld [smem:$0x3F96]  }
0x1a: {  	s8 =	sadd.s32 $0xFFFFE003, lr  }
0x1b: {  	s9 =	sadd.s32 $0xFFFFFEF7, lr;
	s5 =	simm.s32 $0xFFFFFFFF;
	p2 =	slt.u32 s8, $0xFFFFF086  }
0x1c: {  	p1 =	slt.u32 s9, $0xF7A;
	s5 =	simm.s32 @!p2 $0x0  }
0x1d: {  	s5 =	simm.s32 @p1 $0x1;
	p0 =	seq.s32 s7, s2  }
0x1e: {  	s7 =	smul.u32 @!p0 $0xF7A, s2;
	p2 =	seq.s32 @!p0 s5, $0x0  }
0x1f: {  	s9 =	smul.u32 $0xF7A, s1;
	s8 =	simm.s32 @!p0 $0x1BF5;
	p2 =	por !p2, p0  }
0x20: {  	[sflag:s8] =	ssyncset.s32 @!p0 $0xFFFFF086;
	s6 =	sadd.s32 @!p0 s3, s7;
	s7 =	simm.s32 @!p0 $0x108  }
0x21: {  	s3 =	sadd.s32 s3, s9;
	s6 =	sadd.s32 @!p0 $0x88, s6;
	s7 =	simm.s32 @p2 $0x1082  }
0x22: {  	[simem:s7], [sflag:s8] =	dma.local @!p0 [hbm:s6], $0xF7A  }
0x23: {  	s9 =	sor.u32 $0xD0000000, s2;
	s6 =	simm.s32 $0x108;
	_ =	swait.ge @!p0 [sflag:s8], $0x0  }
0x24: {  	s3 =	sadd.s32 $0x88, s3;
	s6 =	simm.s32 @!p1 $0x1082;
	[sflag:s4] =	ssyncset.s32 $0xFFFFF086  }
0x25: {  	[simem:s6], [sflag:s4] =	dma.local [hbm:s3], $0xF7A  }
0x26: {  	[smem:$0x3F96] =	sst s1;
	(tag) =	ssettag s2;
	_ =	strace s9  }
0x27: {  	s1 =	sld [smem:$0x3FA6]  }
0x28: {  	s2 =	sld [smem:$0x3FA7]  }
0x29: {  	s4 =	sld [smem:$0x3FA9]  }
0x2a: {  	p0 =	seq.s32 s5, $0x0;
	s5 =	sld [smem:$0x3FAA]  }
0x2b: {  	s6 =	sld [smem:$0x3FAB]  }
0x2c: {  	s7 =	sld [smem:$0x3FAC]  }
0x2d: {  	s3 =	simm.s32 $0x108;
	s8 =	sld [smem:$0x3FAD]  }
0x2e: {  	s3 =	simm.s32 @!p0 $0x1082;
	s9 =	sld [smem:$0x3FAE]  }
0x2f: {  	lr =	sadd.s32 s0, s3;
	s0 =	sld [smem:$0x3FA5]  }
0x30: {  	s3 =	sld [smem:$0x3FA8]  }
0x31: {  	[smem:$0x3FB1] =	sst s10  }
0x32: {  	s10 =	sld [smem:$0x3FAF];
	_ =	sdelay $0x3  }
0x33: {  	p0 =	seq.s32 s10, $0x1;
	s10 =	sld [smem:$0x3FB1];
	_ =	sdelay $0x3  }
0x34: {  	[smem:$0x3FB1] =	sst s10  }
0x35: {  	s10 =	sld [smem:$0x3FB0];
	_ =	sdelay $0x3  }
0x36: {  	p1 =	seq.s32 s10, $0x1;
	s10 =	sld [smem:$0x3FB1];
	_ =	sdelay $0x3  }
0x37: {  	[smem:$0x3FB1] =	sst s10  }
0x38: {  	s10 =	sld [smem:$0x3FB2]  }
0x39: {  	_ = 	snop;
	(pc) =	sbr.ind lr, $3  }
0x3a: {  	_ = 	snop  }
0x3b: {  	_ = 	snop  }
0x3c: {  	p2 =	seq.s32 s10, $0x1;
	s10 =	sld [smem:$0x3FB1]  }
0x3d: {  	_ =	shalt  }
0x3e: {  	_ =	shalt  }
0x3f: {  	_ =	shalt  }
0x40: {  	_ =	shalt  }
0x41: {  	_ =	shalt  }
0x42: {  	_ =	shalt  }
0x43: {  	_ =	shalt  }
0x44: {  	_ =	shalt  }
0x45: {  	_ =	shalt  }
0x46: {  	_ =	shalt  }
0x47: {  	_ =	shalt  }
0x48: {  	_ =	shalt  }
0x49: {  	_ =	shalt  }
0x4a: {  	_ =	shalt  }
0x4b: {  	_ =	shalt  }
0x4c: {  	_ =	shalt  }
0x4d: {  	_ =	shalt  }
0x4e: {  	_ =	shalt  }
0x4f: {  	_ =	shalt  }
0x50: {  	_ =	shalt  }
0x51: {  	_ =	shalt  }
0x52: {  	_ =	shalt  }
0x53: {  	_ =	shalt  }
0x54: {  	_ =	shalt  }
0x55: {  	_ =	shalt  }
0x56: {  	_ =	shalt  }
0x57: {  	_ =	shalt  }
0x58: {  	_ =	shalt  }
0x59: {  	_ =	shalt  }
0x5a: {  	_ =	shalt  }
0x5b: {  	_ =	shalt  }
0x5c: {  	_ =	shalt  }
0x5d: {  	_ =	shalt  }
0x5e: {  	_ =	shalt  }
0x5f: {  	_ =	shalt  }
0x60: {  	_ =	shalt  }
0x61: {  	_ =	shalt  }
0x62: {  	_ =	shalt  }
0x63: {  	_ =	shalt  }
0x64: {  	_ =	shalt  }
0x65: {  	_ =	shalt  }
0x66: {  	_ =	shalt  }
0x67: {  	_ =	shalt  }
0x68: {  	_ =	shalt  }
0x69: {  	_ =	shalt  }
0x6a: {  	_ =	shalt  }
0x6b: {  	_ =	shalt  }
0x6c: {  	_ =	shalt  }
0x6d: {  	_ =	shalt  }
0x6e: {  	_ =	shalt  }
0x6f: {  	_ =	shalt  }
0x70: {  	_ =	shalt  }
0x71: {  	_ =	shalt  }
0x72: {  	_ =	shalt  }
0x73: {  	_ =	shalt  }
0x74: {  	_ =	shalt  }
0x75: {  	_ =	shalt  }
0x76: {  	_ =	shalt  }
0x77: {  	_ =	shalt  }
0x78: {  	_ =	shalt  }
0x79: {  	_ =	shalt  }
0x7a: {  	_ =	shalt  }
0x7b: {  	_ =	shalt  }
0x7c: {  	_ =	shalt  }
0x7d: {  	_ =	shalt  }
0x7e: {  	_ =	shalt  }
0x7f: {  	_ =	shalt  }
0x80: {  	_ =	shalt  }
0x81: {  	_ =	shalt  }
0x82: {  	_ =	shalt  }
0x83: {  	_ =	shalt  }
0x84: {  	_ =	shalt  }
0x85: {  	_ =	shalt  }
0x86: {  	_ =	shalt  }
0x87: {  	_ =	shalt  }
.Lfunc_end0:
.L_simem_size_0:
called_computation_lowered:
.L_overlay_start_0:
0x88: {  	s2 =	sld [smem:$0x3FD9]  }
0x89: {  	s3 =	sld [smem:$0x3FFE];
	_ =	sdelay $0x1  }
0x8a: {  	s1 =	srdreg.scid  }
0x8b: {  	s0 =	sand.u32 $0x1, s1  }
0x8c: {  	s16 =	sshll.u32 s0, $0xA;
	s2 =	sadd.s32 s3, s2  }
0x8d: {  	s2 =	sadd.s32 s2, s16  }
0x8e: {  	[smem:$0x3FBD] =	sst s2  }
0x8f: {  	_ = 	snop  }
0x90: {  	(tm) =	ssettm $0x1  }
0x91: {  	s17 =	sld [smem:$0x3FFB];
	_ =	sdelay $0x3  }
0x92: {  	_ =	strace s17  }
0x93: {  	s2 =	sld [smem:$0x3FFC];
	_ =	sdelay $0x3  }
0x94: {  	_ =	strace s2  }
0x95: {  	s2 =	sld [smem:$0x3FFD];
	_ =	sdelay $0x3  }
0x96: {  	_ =	strace s2  }
0x97: {  	_ =	strace $0x8FFFFFFF  }
0x98: {  	s18 =	sld [smem:$0x3FDB];
	_ =	sdelay $0x1  }
0x99: {  	s19 =	simm.s32 $_scs_section_size  }
0x9a: {  	s4 =	simm.s32 $_size__tile_overlayer_lowered;
	s5 =	simm.s32 $_tile_overlayer_lowered  }
0x9b: {  	s22 =	simm.s32 $0x1BFF;
	s21 =	sshll.u32 s5, $0x1;
	s2 =	sadd.s32 s19, s18  }
0x9c: {  	s6 =	simm.s32 $0x0;
	s20 =	sshll.u32 s4, $0x1;
	s4 =	sadd.s32 s21, s2  }
0x9d: {  	[timem:s6], [sflag:s22] =	dma.local [hbm:s4], s20  }
0x9e: {  	_ =	swait.ge [sflag:s22], s20  }
0x9f: {  	s3 =	ssub.s32 $0x0, s20;
	[sflag:s22] =	ssyncset.done $0x0  }
0xa0: {  	[sflag:s22] =	ssyncadd.s32 s3;
	_ =	sdelay $0x1  }
0xa1: {  	s23 =	simm.s32 $0x1B8B  }
0xa2: {  	_ =	swait.ge [sflag:s23], $0x1  }
0xa3: {  	[sflag:s23] =	ssyncset.done $0x0  }
0xa4: {  	s25 =	simm.s32 $0x1B8E;
	s24 =	sld [smem:$0x3FFE];
	[sflag:s23] =	ssyncadd.s32 $0xFFFFFFFF  }
0xa5: {  	s26 =	simm.s32 $execute0_lowered;
	[smem:$0x3FD2] =	sst s25  }
0xa6: {  	s4 =	sshll.u32 s26, $0x1;
	_ =	strace $0x80000046;
	[dreg:$0x1] =	wrdreg $0xFFFFFFFF  }
0xa7: {  	s28 =	simm.s32 $_size_execute0_lowered;
	s2 =	sadd.s32 s2, s4;
	[dreg:$0x0] =	wrdreg $0x0  }
0xa8: {  	s4 =	sshll.u32 s28, $0x1;
	[dreg:$0x2] =	wrdreg s2  }
0xa9: {  	[dreg:$0x3] =	wrdreg s4  }
0xaa: {  	[dreg:$0x4] =	wrdreg $0xC0  }
0xab: {  	_ =	task [dreg:s6], $0x5FFFF  }
0xac: {  	[dreg:$0x1] =	wrdreg $0xFFFFFFFF  }
0xad: {  	[dreg:$0x0] =	wrdreg $0x60  }
0xae: {  	[dreg:$0x2] =	wrdreg s24  }
0xaf: {  	[dreg:$0x3] =	wrdreg $0x40800  }
0xb0: {  	[dreg:$0x4] =	wrdreg $0x9  }
0xb1: {  	_ =	task.clear_ibuf [dreg:s6], $0x5FFFF;
	_ =	strace $0x90000046  }
0xb2: {  	s29 =	simm.s32 $0x9;
	_ =	strace $0x80000048  }
0xb3: {  	_ =	swait.ge [sflag:s29], $0x1  }
0xb4: {  	[sflag:s29] =	ssyncadd.s32 $0xFFFFFFFF  }
0xb5: {  	_ =	strace $0x90000048  }
0xb6: {  	_ =	sfence  }
0xb7: {  	s30 =	sld [smem:$0x0];
	_ =	sdelay $0x2  }
0xb8: {  	s31 =	sshll.u32 s1, $0xD;
	s1 =	sshrl.u32 s1, $0x2  }
0xb9: {  	s3 =	sand.u32 $0x4000, s31;
	s1 =	sadd.s32 s1, s30  }
0xba: {  	s0 =	sor.u32 s3, s0;
	s1 =	sshll.u32 s1, $0x11  }
0xbb: {  	s0 =	sor.u32 s1, s0  }
0xbc: {  	s0 =	sadd.s32 $0x8F2B, s0  }
0xbd: {  	[sflag:s0] =	ssyncadd.remote.s32 $0x1  }
0xbe: {  	_ =	sfence.sel $0xFFFF  }
0xbf: {  	[dreg:$0x0] =	wrdreg $0xFFFFFFFF;
	(pc) =	sbr.abs _section_cstart, $3  }
0xc0: {  	[dreg:$0x1] =	wrdreg $0xFFFFFFFF  }
0xc1: {  	_ =	task.clear_ibuf [dreg:s6], $0x2FFFF;
	_ =	strace $0x9FFFFFFF  }
0xc2: {  	(tm) =	ssettm $0x7FFFFFFF  }
0xc3: {  	_ =	shalt  }
tec
execute0_lowered:
.L_overlay_start_1:
0x0: {  	(tag) =	ssettag $0x1  }
0x1: {  	s4 =	rddreg [dreg:$0x0]  }
0x2: {  	s2 =	rddreg [dreg:$0x1]  }
0x3: {  	s0 =	rddreg [dreg:$0x2];
	s3 =	simm.s32 $0x0  }
0x4: {  	s1 =	stileid.u32;
	s7 =	srdreg.scid;
	s14 =	simm.s32 $0x10  }
0x5: {  	s15 =	simm.s32 $0x0;
	[smem:$0x7FF] =	sst s3;
	s5 =	smul.u32 $0x280, s1  }
0x6: {  	s6 =	sshll.u32 s1, $0xB;
	s7 =	sand.u32 $0x1, s7;
	s13 =	smul.u32 $0xA0, s1  }
0x7: {  	s31 =	sshll.u32 s1, $0x6;
	_ =	strace $0x80000047;
	s6 =	sadd.s32 s6, s4  }
0x8: {  	s9 =	ssub.s32 $0x2, s7;
	s10 =	sshll.u32 s7, $0xF;
	s7 =	sshll.u32 s7, $0x4  }
0x9: {  	s8 =	sshrl.u32 s5, $0x3;
	s11 =	sshrl.u32 s9, $0x1;
	s6 =	sadd.s32 s10, s6  }
0xa: {  	s7 =	sadd.s32 s7, s4;
	s30 =	sadd.s32 s5, s2;
	s10 =	simm.s32 $0x50  }
0xb: {  	s8 =	sadd.s32 s8, s4;
	s9 =	ssub.s32 s9, s11;
	s4 =	sadd.s32 $0x4C00, s6  }
0xc: {  	s12 =	sadd.s32 $0x15200, s7;
	s7 =	simm.s32 $0x1;
	s11 =	simm.s32 $0x4000  }
0xd: {  	s5 =	sadd.s32 $0x14C00, s8;
	s6 =	smax.u32 s9, $0x1;
	s8 =	sor.u32 $0x1C01, s31  }
0xe: {  	v0 =	vimm.f32 $1.000000000e+00;
	s9 =	sshrl.u32 s30, $0x3;
	s12 =	sadd.s32 s13, s12;
	s13 =	simm.s32 $0x20  }
.LBB2_1:
0xf: {  	[tilespmem:$0x4000] =	vst v0  }
0x10: {  	[tilespmem:$0x4010] =	vst v0  }
0x11: {  	[tilespmem:$0x4020] =	vst v0  }
0x12: {  	[tilespmem:$0x4030] =	vst v0  }
0x13: {  	[tilespmem:$0x4040] =	vst v0  }
0x14: {  	[tilespmem:s3], [sflag:$0x1] =	stream.linear.gather [hbm4b:s4+s3], $0x3E80, $0x38;
	[tilespmem:$0x4300] =	vst v63  }
0x15: {  	_ =	swait.ge [sflag:s7], $0x3E80  }
0x16: {  	[sflag:s7] =	ssyncset.done $0x0  }
0x17: {  	[sflag:s7] =	ssyncadd.s32 $0xFFFFC180  }
0x18: {  	[spmem:s9], [sflag:s8] =	dma.local [hbm:s5], $0x50  }
0x19: {  	_ =	swait.ge [sflag:s7], $0x50  }
0x1a: {  	[sflag:s7] =	ssyncset.done $0x0  }
0x1b: {  	[sflag:s7] =	ssyncadd.s32 $0xFFFFFFB0  }
0x1c: {  	s16 =	simm.s32 $0x0;
	[bflag:$0x0] =	sbarrier.arrive $0xFFFF  }
0x1d: {  	[spmem:s2] =	stream.indirect.scatter.add.f32 [tilespmem:s11], [sflag:$0x1], $0x1, s16, s10, $0xb8;
	[tilespmem:$0x4300] =	vst v63  }
0x1e: {  	_ =	swait.ge [sflag:s7], $0x50  }
0x1f: {  	s16 =	simm.s32 $0x200;
	[sflag:s7] =	ssyncset.done $0x0  }
.LBB2_2:
0x20: {  	s17 =	sshra.s32 s16, $0x2;
	[sflag:s7] =	ssyncadd.s32 $0xFFFFFFB0;
	p0 =	sne.s32 s16, $0xF800  }
0x21: {  	[spmem:s2] =	stream.indirect.scatter.add.f32 [tilespmem:s11], [sflag:$0x1], $0x1, s17, s10, $0xb8;
	[tilespmem:$0x4300] =	vst v63  }
.Ltmp0:
0x22: {  	_ = 	snop;
	(pc) =	sbr.rel @p0 .LBB2_2-.Ltmp0, $4  }
0x23: {  	_ = 	snop  }
0x24: {  	s16 =	sadd.s32 $0x200, s16  }
0x25: {  	_ =	swait.ge [sflag:s7], $0x50  }
0x26: {  	[sflag:s7] =	ssyncset.done $0x0  }
0x27: {  	s15 =	sadd.s32 $0x1, s15  }
0x28: {  	[sflag:s7] =	ssyncadd.s32 $0xFFFFFFB0;
	p0 =	sne.s32 s15, s6  }
.Ltmp1:
0x29: {  	[bflag:$0x0] =	sbarrier.arrive $0xFFFF;
	(pc) =	sbr.rel @p0 .LBB2_1-.Ltmp1, $4  }
0x2a: {  	[hbm:s12@s13], [sflag:s8] =	dma.strided [spmem:s9@s14], $0x50, s7, $0x10   }
0x2b: {  	_ =	swait.ge [sflag:s7], $0x50  }
0x2c: {  	[sflag:s7] =	ssyncset.done $0x0  }
0x2d: {  	[sflag:s7] =	ssyncadd.s32 $0xFFFFFFB0  }
0x2e: {  	_ =	sfence.sel $0x180000  }
0x2f: {  	[bflag:$0x0] =	sbarrier.arrive $0xFFFF  }
0x30: {  	p0 =	sne.s32 s1, $0x0;
	_ =	strace $0x90000047  }
0x31: {  	s0 =	sadd.s32 @!p0 $0x100000, s0;
	[bflag:$0x2] =	sbarrier.arrive $0xFFFF  }
0x32: {  	[sflag:s0] =	ssyncadd.tile.s32 @!p0 $0x1;
	_ =	shalt  }
.Lfunc_end2:
_tile_overlayer_lowered:
.L_overlay_start_2:
0x33: {  	(tag) =	ssettag $0x2  }
0x34: {  	s0 =	rddreg [dreg:$0x0];
	s2 =	stileid.u32  }
0x35: {  	s1 =	rddreg [dreg:$0x1];
	p0 =	sne.s32 s2, $0x0  }
0x36: {  	s3 =	rddreg [dreg:$0x2];
	[bflag:$0x3] =	sbarrier.arrive $0xFFFF;
	s2 =	simm.s32 @!p0 $0x1C01  }
0x37: {  	[timem:s3], [sflag:s2] =	dma.local @!p0 [hbm:s0], s1  }
0x38: {  	s0 =	simm.s32 @!p0 $0x1  }
0x39: {  	_ =	swait.ge @!p0 [sflag:s0], s1  }
0x3a: {  	s1 =	ssub.s32 @!p0 $0x0, s1;
	[sflag:s0] =	ssyncset.done @!p0 $0x0  }
0x3b: {  	[sflag:s0] =	ssyncadd.s32 @!p0 s1  }
0x3c: {  	[bflag:$0x3] =	sbarrier.arrive $0xFFFF  }
0x3d: {  	_ =	shalt  }

// kernel: kernel.13.cloned.1.call-start
scs
__scs_entry_jumppad:
0x0: {  	(pc) =	sbr.rel $0x88, $3  }
0x1: {  	(tag) =	ssettag $0x0;
	lr =	simm.s32 $0x1  }
0x2: {  	[smem:$0x3F96] =	sst lr;
	_ =	strace $0xD0000000  }
0x3: {  	_ = 	snop  }
0x4: {  	_ = 	snop  }
0x5: {  	_ = 	snop  }
0x6: {  	_ = 	snop  }
0x7: {  	_ = 	snop  }
__scs_overlays_trampoline_lowered:
0x8: {  	[smem:$0x3FA5] =	sst s0  }
0x9: {  	[smem:$0x3FA6] =	sst s1  }
0xa: {  	[smem:$0x3FA7] =	sst s2  }
0xb: {  	[smem:$0x3FA8] =	sst s3  }
0xc: {  	[smem:$0x3FA9] =	sst s4  }
0xd: {  	[smem:$0x3FAA] =	sst s5  }
0xe: {  	[smem:$0x3FAB] =	sst s6  }
0xf: {  	[smem:$0x3FAC] =	sst s7  }
0x10: {  	[smem:$0x3FAD] =	sst s8  }
0x11: {  	[smem:$0x3FAE] =	sst s9;
	s0 =	simm.s32 @!p0 $0x0  }
0x12: {  	s1 =	sld [smem:$0x3F94];
	s0 =	simm.s32 @p0 $0x1  }
0x13: {  	[smem:$0x3FAF] =	sst s0;
	s0 =	simm.s32 @!p1 $0x0  }
0x14: {  	s2 =	sld [smem:$0x3F93];
	s0 =	simm.s32 @p1 $0x1  }
0x15: {  	[smem:$0x3FB0] =	sst s0;
	s0 =	simm.s32 @!p2 $0x0  }
0x16: {  	s3 =	sld [smem:$0x3FDB];
	s0 =	simm.s32 @p2 $0x1  }
0x17: {  	s4 =	simm.s32 $0x1BF5;
	[smem:$0x3FB2] =	sst s0  }
0x18: {  	s0 =	sld [smem:$0x3F95];
	_ =	swait.ge [sflag:s4], $0x0  }
0x19: {  	s7 =	sld [smem:$0x3F96]  }
0x1a: {  	s8 =	sadd.s32 $0xFFFFE003, lr  }
0x1b: {  	s9 =	sadd.s32 $0xFFFFFEF7, lr;
	s5 =	simm.s32 $0xFFFFFFFF;
	p2 =	slt.u32 s8, $0xFFFFF086  }
0x1c: {  	p1 =	slt.u32 s9, $0xF7A;
	s5 =	simm.s32 @!p2 $0x0  }
0x1d: {  	s5 =	simm.s32 @p1 $0x1;
	p0 =	seq.s32 s7, s2  }
0x1e: {  	s7 =	smul.u32 @!p0 $0xF7A, s2;
	p2 =	seq.s32 @!p0 s5, $0x0  }
0x1f: {  	s9 =	smul.u32 $0xF7A, s1;
	s8 =	simm.s32 @!p0 $0x1BF5;
	p2 =	por !p2, p0  }
0x20: {  	[sflag:s8] =	ssyncset.s32 @!p0 $0xFFFFF086;
	s6 =	sadd.s32 @!p0 s3, s7;
	s7 =	simm.s32 @!p0 $0x108  }
0x21: {  	s3 =	sadd.s32 s3, s9;
	s6 =	sadd.s32 @!p0 $0x88, s6;
	s7 =	simm.s32 @p2 $0x1082  }
0x22: {  	[simem:s7], [sflag:s8] =	dma.local @!p0 [hbm:s6], $0xF7A  }
0x23: {  	s9 =	sor.u32 $0xD0000000, s2;
	s6 =	simm.s32 $0x108;
	_ =	swait.ge @!p0 [sflag:s8], $0x0  }
0x24: {  	s3 =	sadd.s32 $0x88, s3;
	s6 =	simm.s32 @!p1 $0x1082;
	[sflag:s4] =	ssyncset.s32 $0xFFFFF086  }
0x25: {  	[simem:s6], [sflag:s4] =	dma.local [hbm:s3], $0xF7A  }
0x26: {  	[smem:$0x3F96] =	sst s1;
	(tag) =	ssettag s2;
	_ =	strace s9  }
0x27: {  	s1 =	sld [smem:$0x3FA6]  }
0x28: {  	s2 =	sld [smem:$0x3FA7]  }
0x29: {  	s4 =	sld [smem:$0x3FA9]  }
0x2a: {  	p0 =	seq.s32 s5, $0x0;
	s5 =	sld [smem:$0x3FAA]  }
0x2b: {  	s6 =	sld [smem:$0x3FAB]  }
0x2c: {  	s7 =	sld [smem:$0x3FAC]  }
0x2d: {  	s3 =	simm.s32 $0x108;
	s8 =	sld [smem:$0x3FAD]  }
0x2e: {  	s3 =	simm.s32 @!p0 $0x1082;
	s9 =	sld [smem:$0x3FAE]  }
0x2f: {  	lr =	sadd.s32 s0, s3;
	s0 =	sld [smem:$0x3FA5]  }
0x30: {  	s3 =	sld [smem:$0x3FA8]  }
0x31: {  	[smem:$0x3FB1] =	sst s10  }
0x32: {  	s10 =	sld [smem:$0x3FAF];
	_ =	sdelay $0x3  }
0x33: {  	p0 =	seq.s32 s10, $0x1;
	s10 =	sld [smem:$0x3FB1];
	_ =	sdelay $0x3  }
0x34: {  	[smem:$0x3FB1] =	sst s10  }
0x35: {  	s10 =	sld [smem:$0x3FB0];
	_ =	sdelay $0x3  }
0x36: {  	p1 =	seq.s32 s10, $0x1;
	s10 =	sld [smem:$0x3FB1];
	_ =	sdelay $0x3  }
0x37: {  	[smem:$0x3FB1] =	sst s10  }
0x38: {  	s10 =	sld [smem:$0x3FB2]  }
0x39: {  	_ = 	snop;
	(pc) =	sbr.ind lr, $3  }
0x3a: {  	_ = 	snop  }
0x3b: {  	_ = 	snop  }
0x3c: {  	p2 =	seq.s32 s10, $0x1;
	s10 =	sld [smem:$0x3FB1]  }
0x3d: {  	_ =	shalt  }
0x3e: {  	_ =	shalt  }
0x3f: {  	_ =	shalt  }
0x40: {  	_ =	shalt  }
0x41: {  	_ =	shalt  }
0x42: {  	_ =	shalt  }
0x43: {  	_ =	shalt  }
0x44: {  	_ =	shalt  }
0x45: {  	_ =	shalt  }
0x46: {  	_ =	shalt  }
0x47: {  	_ =	shalt  }
0x48: {  	_ =	shalt  }
0x49: {  	_ =	shalt  }
0x4a: {  	_ =	shalt  }
0x4b: {  	_ =	shalt  }
0x4c: {  	_ =	shalt  }
0x4d: {  	_ =	shalt  }
0x4e: {  	_ =	shalt  }
0x4f: {  	_ =	shalt  }
0x50: {  	_ =	shalt  }
0x51: {  	_ =	shalt  }
0x52: {  	_ =	shalt  }
0x53: {  	_ =	shalt  }
0x54: {  	_ =	shalt  }
0x55: {  	_ =	shalt  }
0x56: {  	_ =	shalt  }
0x57: {  	_ =	shalt  }
0x58: {  	_ =	shalt  }
0x59: {  	_ =	shalt  }
0x5a: {  	_ =	shalt  }
0x5b: {  	_ =	shalt  }
0x5c: {  	_ =	shalt  }
0x5d: {  	_ =	shalt  }
0x5e: {  	_ =	shalt  }
0x5f: {  	_ =	shalt  }
0x60: {  	_ =	shalt  }
0x61: {  	_ =	shalt  }
0x62: {  	_ =	shalt  }
0x63: {  	_ =	shalt  }
0x64: {  	_ =	shalt  }
0x65: {  	_ =	shalt  }
0x66: {  	_ =	shalt  }
0x67: {  	_ =	shalt  }
0x68: {  	_ =	shalt  }
0x69: {  	_ =	shalt  }
0x6a: {  	_ =	shalt  }
0x6b: {  	_ =	shalt  }
0x6c: {  	_ =	shalt  }
0x6d: {  	_ =	shalt  }
0x6e: {  	_ =	shalt  }
0x6f: {  	_ =	shalt  }
0x70: {  	_ =	shalt  }
0x71: {  	_ =	shalt  }
0x72: {  	_ =	shalt  }
0x73: {  	_ =	shalt  }
0x74: {  	_ =	shalt  }
0x75: {  	_ =	shalt  }
0x76: {  	_ =	shalt  }
0x77: {  	_ =	shalt  }
0x78: {  	_ =	shalt  }
0x79: {  	_ =	shalt  }
0x7a: {  	_ =	shalt  }
0x7b: {  	_ =	shalt  }
0x7c: {  	_ =	shalt  }
0x7d: {  	_ =	shalt  }
0x7e: {  	_ =	shalt  }
0x7f: {  	_ =	shalt  }
0x80: {  	_ =	shalt  }
0x81: {  	_ =	shalt  }
0x82: {  	_ =	shalt  }
0x83: {  	_ =	shalt  }
0x84: {  	_ =	shalt  }
0x85: {  	_ =	shalt  }
0x86: {  	_ =	shalt  }
0x87: {  	_ =	shalt  }
.Lfunc_end0:
.L_simem_size_0:
called_computation.1_lowered:
.L_overlay_start_0:
0x88: {  	s2 =	sld [smem:$0x3FD9]  }
0x89: {  	s3 =	sld [smem:$0x3FFE];
	_ =	sdelay $0x1  }
0x8a: {  	s1 =	srdreg.scid  }
0x8b: {  	s0 =	sand.u32 $0x1, s1  }
0x8c: {  	s16 =	sshll.u32 s0, $0xA;
	s2 =	sadd.s32 s3, s2  }
0x8d: {  	s2 =	sadd.s32 s2, s16  }
0x8e: {  	[smem:$0x3FBD] =	sst s2  }
0x8f: {  	_ = 	snop  }
0x90: {  	(tm) =	ssettm $0x1  }
0x91: {  	s17 =	sld [smem:$0x3FFB];
	_ =	sdelay $0x3  }
0x92: {  	_ =	strace s17  }
0x93: {  	s2 =	sld [smem:$0x3FFC];
	_ =	sdelay $0x3  }
0x94: {  	_ =	strace s2  }
0x95: {  	s2 =	sld [smem:$0x3FFD];
	_ =	sdelay $0x3  }
0x96: {  	_ =	strace s2  }
0x97: {  	_ =	strace $0x8FFFFFFF  }
0x98: {  	s18 =	sld [smem:$0x3FDB];
	_ =	sdelay $0x1  }
0x99: {  	s19 =	simm.s32 $_scs_section_size  }
0x9a: {  	s4 =	simm.s32 $_size__tile_overlayer_lowered;
	s5 =	simm.s32 $_tile_overlayer_lowered  }
0x9b: {  	s22 =	simm.s32 $0x1BFF;
	s21 =	sshll.u32 s5, $0x1;
	s2 =	sadd.s32 s19, s18  }
0x9c: {  	s6 =	simm.s32 $0x0;
	s20 =	sshll.u32 s4, $0x1;
	s4 =	sadd.s32 s21, s2  }
0x9d: {  	[timem:s6], [sflag:s22] =	dma.local [hbm:s4], s20  }
0x9e: {  	_ =	swait.ge [sflag:s22], s20  }
0x9f: {  	s3 =	ssub.s32 $0x0, s20;
	[sflag:s22] =	ssyncset.done $0x0  }
0xa0: {  	[sflag:s22] =	ssyncadd.s32 s3;
	_ =	sdelay $0x1  }
0xa1: {  	s23 =	simm.s32 $0x1B8B  }
0xa2: {  	_ =	swait.ge [sflag:s23], $0x1  }
0xa3: {  	[sflag:s23] =	ssyncset.done $0x0  }
0xa4: {  	s25 =	simm.s32 $0x1B8E;
	s24 =	sld [smem:$0x3FFE];
	[sflag:s23] =	ssyncadd.s32 $0xFFFFFFFF  }
0xa5: {  	s26 =	simm.s32 $execute0_lowered;
	[smem:$0x3FD2] =	sst s25  }
0xa6: {  	s4 =	sshll.u32 s26, $0x1;
	_ =	strace $0x80000049;
	[dreg:$0x1] =	wrdreg $0xFFFFFFFF  }
0xa7: {  	s28 =	simm.s32 $_size_execute0_lowered;
	s2 =	sadd.s32 s2, s4;
	[dreg:$0x0] =	wrdreg $0x0  }
0xa8: {  	s4 =	sshll.u32 s28, $0x1;
	[dreg:$0x2] =	wrdreg s2  }
0xa9: {  	[dreg:$0x3] =	wrdreg s4  }
0xaa: {  	[dreg:$0x4] =	wrdreg $0xC0  }
0xab: {  	_ =	task [dreg:s6], $0x5FFFF  }
0xac: {  	[dreg:$0x1] =	wrdreg $0xFFFFFFFF  }
0xad: {  	[dreg:$0x0] =	wrdreg $0x60  }
0xae: {  	[dreg:$0x2] =	wrdreg s24  }
0xaf: {  	[dreg:$0x3] =	wrdreg $0x70000  }
0xb0: {  	[dreg:$0x4] =	wrdreg $0x9  }
0xb1: {  	_ =	task.clear_ibuf [dreg:s6], $0x5FFFF;
	_ =	strace $0x90000049  }
0xb2: {  	s29 =	simm.s32 $0x9;
	_ =	strace $0x8000004B  }
0xb3: {  	_ =	swait.ge [sflag:s29], $0x1  }
0xb4: {  	[sflag:s29] =	ssyncadd.s32 $0xFFFFFFFF  }
0xb5: {  	_ =	strace $0x9000004B  }
0xb6: {  	_ =	sfence  }
0xb7: {  	s30 =	sld [smem:$0x0];
	_ =	sdelay $0x2  }
0xb8: {  	s31 =	sshll.u32 s1, $0xD;
	s1 =	sshrl.u32 s1, $0x2  }
0xb9: {  	s3 =	sand.u32 $0x4000, s31;
	s1 =	sadd.s32 s1, s30  }
0xba: {  	s0 =	sor.u32 s3, s0;
	s1 =	sshll.u32 s1, $0x11  }
0xbb: {  	s0 =	sor.u32 s1, s0  }
0xbc: {  	s0 =	sadd.s32 $0x8F2B, s0  }
0xbd: {  	[sflag:s0] =	ssyncadd.remote.s32 $0x1  }
0xbe: {  	_ =	sfence.sel $0xFFFF  }
0xbf: {  	[dreg:$0x0] =	wrdreg $0xFFFFFFFF;
	(pc) =	sbr.abs _section_cstart, $3  }
0xc0: {  	[dreg:$0x1] =	wrdreg $0xFFFFFFFF  }
0xc1: {  	_ =	task.clear_ibuf [dreg:s6], $0x2FFFF;
	_ =	strace $0x9FFFFFFF  }
0xc2: {  	(tm) =	ssettm $0x7FFFFFFF  }
0xc3: {  	_ =	shalt  }
tec
execute0_lowered:
.L_overlay_start_1:
0x0: {  	(tag) =	ssettag $0x1  }
0x1: {  	s6 =	rddreg [dreg:$0x0]  }
0x2: {  	s0 =	srdreg.scid;
	s2 =	rddreg [dreg:$0x1];
	s3 =	simm.s32 $0x0  }
0x3: {  	s15 =	simm.s32 $0x50;
	s16 =	simm.s32 $0x2000;
	s17 =	simm.s32 $0x4800  }
0x4: {  	s18 =	simm.s32 $0x1;
	s5 =	sand.u32 $0x1, s0;
	s0 =	stileid.u32  }
0x5: {  	s19 =	simm.s32 $0x2;
	s20 =	simm.s32 $0x1C00;
	s22 =	smul.u32 $0x2700, s0  }
0x6: {  	[smem:$0x7FF] =	sst s3;
	s4 =	sadd.s32 $0x3DC00, s6;
	s8 =	smul.u32 $0x27100, s5  }
0x7: {  	s14 =	sadd.s32 $0x124800, s2;
	s1 =	sshll.u32 s5, $0x4;
	s9 =	smul.u32 $0x4E000, s0  }
0x8: {  	s5 =	ssub.s32 $0x2, s5;
	p0 =	seq.s32 s0, $0xF;
	s1 =	sor.u32 s0, s1  }
0x9: {  	s31 =	sshrl.u32 s5, $0x1;
	s7 =	smul.u32 $0xA00, s1;
	s1 =	rddreg [dreg:$0x2]  }
0xa: {  	_ =	strace $0x8000004A;
	s30 =	sadd.s32 s22, s6;
	s9 =	sshrl.u32 s9, $0x2  }
0xb: {  	s11 =	sadd.s32 s8, s6;
	s12 =	ssub.s32 s5, s31;
	s13 =	sadd.s32 s9, s2  }
0xc: {  	s5 =	sadd.s32 $0x8C000, s30;
	s23 =	sadd.s32 $0xB3200, s11;
	s9 =	smax.u32 s12, $0x1  }
0xd: {  	s11 =	sshll.u32 @!p0 s0, $0x6;
	s10 =	sadd.s32 s7, s6;
	s6 =	sadd.s32 $0xB0900, s6  }
0xe: {  	s11 =	sor.u32 @!p0 $0x1C03, s11;
	s12 =	sshrl.u32 @!p0 s13, $0x3;
	s13 =	simm.s32 $0x3  }
0xf: {  	s21 =	sadd.s32 @p0 $0x24900, s23;
	s22 =	sadd.s32 @!p0 s22, s23;
	s7 =	sadd.s32 $0x29C00, s10  }
0x10: {  	s8 =	sadd.s32 $0x15C00, s10;
	s10 =	sshrl.u32 @p0 s14, $0x3;
	s14 =	simm.s32 $0x1000  }
.LBB2_1:
0x11: {  	s23 =	simm.s32 @p0 $0x1FC3  }
0x12: {  	[spmem:s10], [sflag:s23] =	dma.local @p0 [hbm:s6], $0x2800  }
0x13: {  	s23 =	simm.s32 @p0 $0x3  }
0x14: {  	_ =	swait.ge @p0 [sflag:s23], $0x2800  }
0x15: {  	[sflag:s23] =	ssyncset.done @p0 $0x0  }
0x16: {  	[sflag:s23] =	ssyncadd.s32 @p0 $0xFFFFD800;
	s23 =	simm.s32 @!p0 $0x3  }
0x17: {  	[spmem:s12], [sflag:s11] =	dma.local @!p0 [hbm:s5], $0x2700  }
0x18: {  	_ =	swait.ge @!p0 [sflag:s23], $0x2700  }
0x19: {  	[sflag:s23] =	ssyncset.done @!p0 $0x0  }
0x1a: {  	[sflag:s23] =	ssyncadd.s32 @!p0 $0xFFFFD900  }
0x1b: {  	s23 =	simm.s32 $0x0;
	[bflag:$0x0] =	sbarrier.arrive $0xFFFF  }
.LBB2_2:
0x1c: {  	s24 =	sshll.u32 s23, $0x9  }
0x1d: {  	s26 =	simm.s32 $0x0;
	s25 =	sadd.s32 s24, s7  }
0x1e: {  	[tilespmem:s26], [sflag:$0x3] =	stream.linear.gather [hbm4b:s25+s26], $0xC80, $0x38;
	[tilespmem:$0x1A880] =	vst v63  }
0x1f: {  	_ =	swait.ge [sflag:s13], $0xC80  }
0x20: {  	[sflag:s13] =	ssyncset.done $0x0  }
0x21: {  	s24 =	sadd.s32 s24, s8;
	[sflag:s13] =	ssyncadd.s32 $0xFFFFF380  }
0x22: {  	[tilespmem:s14], [sflag:$0x3] =	stream.linear.gather [hbm4b:s24+s26], $0xC80, $0x38;
	[tilespmem:$0x1A880] =	vst v63  }
0x23: {  	_ =	swait.ge [sflag:s13], $0xC80  }
0x24: {  	[sflag:s13] =	ssyncset.done $0x0  }
0x25: {  	[sflag:s13] =	ssyncadd.s32 $0xFFFFF380  }
0x26: {  	[tilespmem:s16], [sflag:$0x1] =	stream.indirect.gather [hbm4b:s4+s15], $0x80, s26, s15, $0xb8;
	[tilespmem:$0x1A880] =	vst v63  }
0x27: {  	s28 =	simm.s32 $0x80  }
0x28: {  	[tilespmem:s17], [sflag:$0x2] =	stream.indirect.gather [hbm4b:s4+s15], $0x80, s28, s15, $0xb8;
	[tilespmem:$0x1A880] =	vst v63  }
0x29: {  	_ =	swait.ge [sflag:s18], $0x2800  }
0x2a: {  	[sflag:s18] =	ssyncset.done $0x0  }
0x2b: {  	s29 =	simm.s32 $0x1000;
	[sflag:s18] =	ssyncadd.s32 $0xFFFFD800  }
0x2c: {  	[spmem:s2] =	stream.indirect.scatter.add.f32 [tilespmem:s16], [sflag:$0x3], $0x80, s29, s15, $0xb8;
	[tilespmem:$0x1A880] =	vst v63  }
0x2d: {  	_ =	swait.ge [sflag:s13], $0x2800  }
0x2e: {  	[sflag:s13] =	ssyncset.done $0x0  }
0x2f: {  	s30 =	simm.s32 $0x100;
	[sflag:s13] =	ssyncadd.s32 $0xFFFFD800  }
0x30: {  	[tilespmem:s16], [sflag:$0x1] =	stream.indirect.gather [hbm4b:s4+s15], $0x80, s30, s15, $0xb8;
	[tilespmem:$0x1A880] =	vst v63  }
0x31: {  	_ =	swait.ge [sflag:s19], $0x2800  }
0x32: {  	[sflag:s19] =	ssyncset.done $0x0  }
0x33: {  	s31 =	simm.s32 $0x1080;
	[sflag:s19] =	ssyncadd.s32 $0xFFFFD800  }
0x34: {  	[spmem:s2] =	stream.indirect.scatter.add.f32 [tilespmem:s17], [sflag:$0x3], $0x80, s31, s15, $0xb8;
	[tilespmem:$0x1A880] =	vst v63  }
0x35: {  	_ =	swait.ge [sflag:s13], $0x2800  }
0x36: {  	s25 =	simm.s32 $0x800;
	s24 =	simm.s32 $0x100;
	[sflag:s13] =	ssyncset.done $0x0  }
.LBB2_3:
0x37: {  	s26 =	sadd.s32 $0x80, s24  }
0x38: {  	[sflag:s13] =	ssyncadd.s32 $0xFFFFD800;
	s28 =	smov.u32 s25;
	s29 =	sadd.s32 $0x400, s25  }
0x39: {  	[tilespmem:s17], [sflag:$0x2] =	stream.indirect.gather [hbm4b:s4+s15], $0x80, s26, s15, $0xb8;
	[tilespmem:$0x1A880] =	vst v63  }
0x3a: {  	p1 =	sne.s32 s25, $0x2C00;
	_ =	swait.ge [sflag:s18], $0x2800  }
0x3b: {  	[sflag:s18] =	ssyncset.done $0x0  }
0x3c: {  	s25 =	sadd.s32 $0x1000, s24;
	[sflag:s18] =	ssyncadd.s32 $0xFFFFD800  }
0x3d: {  	[spmem:s2] =	stream.indirect.scatter.add.f32 [tilespmem:s16], [sflag:$0x3], $0x80, s25, s15, $0xb8;
	[tilespmem:$0x1A880] =	vst v63  }
0x3e: {  	_ =	swait.ge [sflag:s13], $0x2800  }
0x3f: {  	[sflag:s13] =	ssyncset.done $0x0  }
0x40: {  	s25 =	sadd.s32 $0x100, s24;
	[sflag:s13] =	ssyncadd.s32 $0xFFFFD800  }
0x41: {  	[tilespmem:s16], [sflag:$0x1] =	stream.indirect.gather [hbm4b:s4+s15], $0x80, s25, s15, $0xb8;
	[tilespmem:$0x1A880] =	vst v63  }
0x42: {  	_ =	swait.ge [sflag:s19], $0x2800  }
.Ltmp0:
0x43: {  	[sflag:s19] =	ssyncset.done $0x0;
	(pc) =	sbr.rel @p1 .LBB2_3-.Ltmp0, $4  }
0x44: {  	s24 =	sadd.s32 $0x1080, s24;
	[sflag:s19] =	ssyncadd.s32 $0xFFFFD800  }
0x45: {  	[spmem:s2] =	stream.indirect.scatter.add.f32 [tilespmem:s17], [sflag:$0x3], $0x80, s24, s15, $0xb8;
	[tilespmem:$0x1A880] =	vst v63  }
0x46: {  	_ =	swait.ge [sflag:s13], $0x2800  }
0x47: {  	s25 =	smov.u32 s29;
	s24 =	sshra.s32 s28, $0x2;
	[sflag:s13] =	ssyncset.done $0x0  }
0x48: {  	s25 =	sadd.s32 $0x80, s24;
	[sflag:s13] =	ssyncadd.s32 $0xFFFFD800  }
0x49: {  	[tilespmem:s17], [sflag:$0x2] =	stream.indirect.gather [hbm4b:s4+s15], $0x80, s25, s15, $0xb8;
	[tilespmem:$0x1A880] =	vst v63  }
0x4a: {  	_ =	swait.ge [sflag:s18], $0x2800  }
0x4b: {  	[sflag:s18] =	ssyncset.done $0x0  }
0x4c: {  	s29 =	sadd.s32 $0x1000, s24;
	[sflag:s18] =	ssyncadd.s32 $0xFFFFD800  }
0x4d: {  	[spmem:s2] =	stream.indirect.scatter.add.f32 [tilespmem:s16], [sflag:$0x3], $0x80, s29, s15, $0xb8;
	[tilespmem:$0x1A880] =	vst v63  }
0x4e: {  	_ =	swait.ge [sflag:s13], $0x2800  }
0x4f: {  	[sflag:s13] =	ssyncset.done $0x0  }
0x50: {  	s30 =	sadd.s32 $0x100, s24;
	[sflag:s13] =	ssyncadd.s32 $0xFFFFD800  }
0x51: {  	[tilespmem:s16], [sflag:$0x1] =	stream.indirect.gather [hbm4b:s4+s15], $0x80, s30, s15, $0xb8;
	[tilespmem:$0x1A880] =	vst v63  }
0x52: {  	_ =	swait.ge [sflag:s19], $0x2800  }
0x53: {  	[sflag:s19] =	ssyncset.done $0x0  }
0x54: {  	s31 =	sadd.s32 $0x1080, s24;
	[sflag:s19] =	ssyncadd.s32 $0xFFFFD800  }
0x55: {  	[spmem:s2] =	stream.indirect.scatter.add.f32 [tilespmem:s17], [sflag:$0x3], $0x80, s31, s15, $0xb8;
	[tilespmem:$0x1A880] =	vst v63  }
0x56: {  	_ =	swait.ge [sflag:s13], $0x2800  }
0x57: {  	[sflag:s13] =	ssyncset.done $0x0  }
0x58: {  	[sflag:s13] =	ssyncadd.s32 $0xFFFFD800  }
0x59: {  	s23 =	sadd.s32 $0x1, s23;
	_ =	swait.ge [sflag:s18], $0x2800  }
0x5a: {  	p1 =	sne.s32 s23, $0x5;
	[sflag:s18] =	ssyncset.done $0x0  }
.Ltmp1:
0x5b: {  	[sflag:s18] =	ssyncadd.s32 $0xFFFFD800;
	(pc) =	sbr.rel @p1 .LBB2_2-.Ltmp1, $4  }
0x5c: {  	[spmem:s2] =	stream.indirect.scatter.add.f32 [tilespmem:s16], [sflag:$0x3], $0x80, s20, s15, $0xb8;
	[tilespmem:$0x1A880] =	vst v63  }
0x5d: {  	_ =	swait.ge [sflag:s13], $0x2800  }
0x5e: {  	[sflag:s13] =	ssyncset.done $0x0  }
0x5f: {  	[sflag:s13] =	ssyncadd.s32 $0xFFFFD800  }
0x60: {  	[bflag:$0x0] =	sbarrier.arrive $0xFFFF;
	s23 =	simm.s32 @p0 $0x1FC3  }
0x61: {  	[hbm:s21], [sflag:s23] =	dma.local @p0 [spmem:s10], $0x2800  }
0x62: {  	s23 =	simm.s32 @p0 $0x3  }
0x63: {  	s3 =	sadd.s32 $0x1, s3;
	_ =	swait.ge @p0 [sflag:s23], $0x2800  }
0x64: {  	p1 =	sne.s32 s3, s9;
	[sflag:s23] =	ssyncset.done @p0 $0x0  }
.Ltmp2:
0x65: {  	[sflag:s23] =	ssyncadd.s32 @p0 $0xFFFFD800;
	s23 =	simm.s32 @!p0 $0x3;
	(pc) =	sbr.rel @p1 .LBB2_1-.Ltmp2, $4  }
0x66: {  	[hbm:s22], [sflag:s11] =	dma.local @!p0 [spmem:s12], $0x2700  }
0x67: {  	_ =	swait.ge @!p0 [sflag:s23], $0x2700  }
0x68: {  	[sflag:s23] =	ssyncset.done @!p0 $0x0  }
0x69: {  	[sflag:s23] =	ssyncadd.s32 @!p0 $0xFFFFD900  }
0x6a: {  	_ =	sfence.sel $0x180000  }
0x6b: {  	[bflag:$0x0] =	sbarrier.arrive $0xFFFF  }
0x6c: {  	p0 =	sne.s32 s0, $0x0;
	_ =	strace $0x9000004A  }
0x6d: {  	s0 =	sadd.s32 @!p0 $0x100000, s1;
	[bflag:$0x2] =	sbarrier.arrive $0xFFFF  }
0x6e: {  	[sflag:s0] =	ssyncadd.tile.s32 @!p0 $0x1;
	_ =	shalt  }
.Lfunc_end2:
_tile_overlayer_lowered:
.L_overlay_start_2:
0x6f: {  	(tag) =	ssettag $0x2  }
0x70: {  	s0 =	rddreg [dreg:$0x0];
	s2 =	stileid.u32  }
0x71: {  	s1 =	rddreg [dreg:$0x1];
	p0 =	sne.s32 s2, $0x0  }
0x72: {  	s3 =	rddreg [dreg:$0x2];
	[bflag:$0x3] =	sbarrier.arrive $0xFFFF;
	s2 =	simm.s32 @!p0 $0x1C03  }
0x73: {  	[timem:s3], [sflag:s2] =	dma.local @!p0 [hbm:s0], s1  }
0x74: {  	s0 =	simm.s32 @!p0 $0x3  }
0x75: {  	_ =	swait.ge @!p0 [sflag:s0], s1  }
0x76: {  	s1 =	ssub.s32 @!p0 $0x0, s1;
	[sflag:s0] =	ssyncset.done @!p0 $0x0  }
0x77: {  	[sflag:s0] =	ssyncadd.s32 @!p0 s1  }
0x78: {  	[bflag:$0x3] =	sbarrier.arrive $0xFFFF  }
0x79: {  	_ =	shalt  }

// kernel: kernel.16.cloned.1.call-start
scs
__scs_entry_jumppad:
0x0: {  	(pc) =	sbr.rel $0x88, $3  }
0x1: {  	(tag) =	ssettag $0x0;
	lr =	simm.s32 $0x1  }
0x2: {  	[smem:$0x3F96] =	sst lr;
	_ =	strace $0xD0000000  }
0x3: {  	_ = 	snop  }
0x4: {  	_ = 	snop  }
0x5: {  	_ = 	snop  }
0x6: {  	_ = 	snop  }
0x7: {  	_ = 	snop  }
__scs_overlays_trampoline_lowered:
0x8: {  	[smem:$0x3FA5] =	sst s0  }
0x9: {  	[smem:$0x3FA6] =	sst s1  }
0xa: {  	[smem:$0x3FA7] =	sst s2  }
0xb: {  	[smem:$0x3FA8] =	sst s3  }
0xc: {  	[smem:$0x3FA9] =	sst s4  }
0xd: {  	[smem:$0x3FAA] =	sst s5  }
0xe: {  	[smem:$0x3FAB] =	sst s6  }
0xf: {  	[smem:$0x3FAC] =	sst s7  }
0x10: {  	[smem:$0x3FAD] =	sst s8  }
0x11: {  	[smem:$0x3FAE] =	sst s9;
	s0 =	simm.s32 @!p0 $0x0  }
0x12: {  	s1 =	sld [smem:$0x3F94];
	s0 =	simm.s32 @p0 $0x1  }
0x13: {  	[smem:$0x3FAF] =	sst s0;
	s0 =	simm.s32 @!p1 $0x0  }
0x14: {  	s2 =	sld [smem:$0x3F93];
	s0 =	simm.s32 @p1 $0x1  }
0x15: {  	[smem:$0x3FB0] =	sst s0;
	s0 =	simm.s32 @!p2 $0x0  }
0x16: {  	s3 =	sld [smem:$0x3FDB];
	s0 =	simm.s32 @p2 $0x1  }
0x17: {  	s4 =	simm.s32 $0x1BF5;
	[smem:$0x3FB2] =	sst s0  }
0x18: {  	s0 =	sld [smem:$0x3F95];
	_ =	swait.ge [sflag:s4], $0x0  }
0x19: {  	s7 =	sld [smem:$0x3F96]  }
0x1a: {  	s8 =	sadd.s32 $0xFFFFE003, lr  }
0x1b: {  	s9 =	sadd.s32 $0xFFFFFEF7, lr;
	s5 =	simm.s32 $0xFFFFFFFF;
	p2 =	slt.u32 s8, $0xFFFFF086  }
0x1c: {  	p1 =	slt.u32 s9, $0xF7A;
	s5 =	simm.s32 @!p2 $0x0  }
0x1d: {  	s5 =	simm.s32 @p1 $0x1;
	p0 =	seq.s32 s7, s2  }
0x1e: {  	s7 =	smul.u32 @!p0 $0xF7A, s2;
	p2 =	seq.s32 @!p0 s5, $0x0  }
0x1f: {  	s9 =	smul.u32 $0xF7A, s1;
	s8 =	simm.s32 @!p0 $0x1BF5;
	p2 =	por !p2, p0  }
0x20: {  	[sflag:s8] =	ssyncset.s32 @!p0 $0xFFFFF086;
	s6 =	sadd.s32 @!p0 s3, s7;
	s7 =	simm.s32 @!p0 $0x108  }
0x21: {  	s3 =	sadd.s32 s3, s9;
	s6 =	sadd.s32 @!p0 $0x88, s6;
	s7 =	simm.s32 @p2 $0x1082  }
0x22: {  	[simem:s7], [sflag:s8] =	dma.local @!p0 [hbm:s6], $0xF7A  }
0x23: {  	s9 =	sor.u32 $0xD0000000, s2;
	s6 =	simm.s32 $0x108;
	_ =	swait.ge @!p0 [sflag:s8], $0x0  }
0x24: {  	s3 =	sadd.s32 $0x88, s3;
	s6 =	simm.s32 @!p1 $0x1082;
	[sflag:s4] =	ssyncset.s32 $0xFFFFF086  }
0x25: {  	[simem:s6], [sflag:s4] =	dma.local [hbm:s3], $0xF7A  }
0x26: {  	[smem:$0x3F96] =	sst s1;
	(tag) =	ssettag s2;
	_ =	strace s9  }
0x27: {  	s1 =	sld [smem:$0x3FA6]  }
0x28: {  	s2 =	sld [smem:$0x3FA7]  }
0x29: {  	s4 =	sld [smem:$0x3FA9]  }
0x2a: {  	p0 =	seq.s32 s5, $0x0;
	s5 =	sld [smem:$0x3FAA]  }
0x2b: {  	s6 =	sld [smem:$0x3FAB]  }
0x2c: {  	s7 =	sld [smem:$0x3FAC]  }
0x2d: {  	s3 =	simm.s32 $0x108;
	s8 =	sld [smem:$0x3FAD]  }
0x2e: {  	s3 =	simm.s32 @!p0 $0x1082;
	s9 =	sld [smem:$0x3FAE]  }
0x2f: {  	lr =	sadd.s32 s0, s3;
	s0 =	sld [smem:$0x3FA5]  }
0x30: {  	s3 =	sld [smem:$0x3FA8]  }
0x31: {  	[smem:$0x3FB1] =	sst s10  }
0x32: {  	s10 =	sld [smem:$0x3FAF];
	_ =	sdelay $0x3  }
0x33: {  	p0 =	seq.s32 s10, $0x1;
	s10 =	sld [smem:$0x3FB1];
	_ =	sdelay $0x3  }
0x34: {  	[smem:$0x3FB1] =	sst s10  }
0x35: {  	s10 =	sld [smem:$0x3FB0];
	_ =	sdelay $0x3  }
0x36: {  	p1 =	seq.s32 s10, $0x1;
	s10 =	sld [smem:$0x3FB1];
	_ =	sdelay $0x3  }
0x37: {  	[smem:$0x3FB1] =	sst s10  }
0x38: {  	s10 =	sld [smem:$0x3FB2]  }
0x39: {  	_ = 	snop;
	(pc) =	sbr.ind lr, $3  }
0x3a: {  	_ = 	snop  }
0x3b: {  	_ = 	snop  }
0x3c: {  	p2 =	seq.s32 s10, $0x1;
	s10 =	sld [smem:$0x3FB1]  }
0x3d: {  	_ =	shalt  }
0x3e: {  	_ =	shalt  }
0x3f: {  	_ =	shalt  }
0x40: {  	_ =	shalt  }
0x41: {  	_ =	shalt  }
0x42: {  	_ =	shalt  }
0x43: {  	_ =	shalt  }
0x44: {  	_ =	shalt  }
0x45: {  	_ =	shalt  }
0x46: {  	_ =	shalt  }
0x47: {  	_ =	shalt  }
0x48: {  	_ =	shalt  }
0x49: {  	_ =	shalt  }
0x4a: {  	_ =	shalt  }
0x4b: {  	_ =	shalt  }
0x4c: {  	_ =	shalt  }
0x4d: {  	_ =	shalt  }
0x4e: {  	_ =	shalt  }
0x4f: {  	_ =	shalt  }
0x50: {  	_ =	shalt  }
0x51: {  	_ =	shalt  }
0x52: {  	_ =	shalt  }
0x53: {  	_ =	shalt  }
0x54: {  	_ =	shalt  }
0x55: {  	_ =	shalt  }
0x56: {  	_ =	shalt  }
0x57: {  	_ =	shalt  }
0x58: {  	_ =	shalt  }
0x59: {  	_ =	shalt  }
0x5a: {  	_ =	shalt  }
0x5b: {  	_ =	shalt  }
0x5c: {  	_ =	shalt  }
0x5d: {  	_ =	shalt  }
0x5e: {  	_ =	shalt  }
0x5f: {  	_ =	shalt  }
0x60: {  	_ =	shalt  }
0x61: {  	_ =	shalt  }
0x62: {  	_ =	shalt  }
0x63: {  	_ =	shalt  }
0x64: {  	_ =	shalt  }
0x65: {  	_ =	shalt  }
0x66: {  	_ =	shalt  }
0x67: {  	_ =	shalt  }
0x68: {  	_ =	shalt  }
0x69: {  	_ =	shalt  }
0x6a: {  	_ =	shalt  }
0x6b: {  	_ =	shalt  }
0x6c: {  	_ =	shalt  }
0x6d: {  	_ =	shalt  }
0x6e: {  	_ =	shalt  }
0x6f: {  	_ =	shalt  }
0x70: {  	_ =	shalt  }
0x71: {  	_ =	shalt  }
0x72: {  	_ =	shalt  }
0x73: {  	_ =	shalt  }
0x74: {  	_ =	shalt  }
0x75: {  	_ =	shalt  }
0x76: {  	_ =	shalt  }
0x77: {  	_ =	shalt  }
0x78: {  	_ =	shalt  }
0x79: {  	_ =	shalt  }
0x7a: {  	_ =	shalt  }
0x7b: {  	_ =	shalt  }
0x7c: {  	_ =	shalt  }
0x7d: {  	_ =	shalt  }
0x7e: {  	_ =	shalt  }
0x7f: {  	_ =	shalt  }
0x80: {  	_ =	shalt  }
0x81: {  	_ =	shalt  }
0x82: {  	_ =	shalt  }
0x83: {  	_ =	shalt  }
0x84: {  	_ =	shalt  }
0x85: {  	_ =	shalt  }
0x86: {  	_ =	shalt  }
0x87: {  	_ =	shalt  }
.Lfunc_end0:
.L_simem_size_0:
called_computation.2_lowered:
.L_overlay_start_0:
0x88: {  	s2 =	sld [smem:$0x3FD9]  }
0x89: {  	s3 =	sld [smem:$0x3FFE];
	_ =	sdelay $0x1  }
0x8a: {  	s1 =	srdreg.scid  }
0x8b: {  	s0 =	sand.u32 $0x1, s1  }
0x8c: {  	s16 =	sshll.u32 s0, $0xA;
	s2 =	sadd.s32 s3, s2  }
0x8d: {  	s2 =	sadd.s32 s2, s16  }
0x8e: {  	[smem:$0x3FBD] =	sst s2  }
0x8f: {  	_ = 	snop  }
0x90: {  	(tm) =	ssettm $0x1  }
0x91: {  	s17 =	sld [smem:$0x3FFB];
	_ =	sdelay $0x3  }
0x92: {  	_ =	strace s17  }
0x93: {  	s2 =	sld [smem:$0x3FFC];
	_ =	sdelay $0x3  }
0x94: {  	_ =	strace s2  }
0x95: {  	s2 =	sld [smem:$0x3FFD];
	_ =	sdelay $0x3  }
0x96: {  	_ =	strace s2  }
0x97: {  	_ =	strace $0x8FFFFFFF  }
0x98: {  	s18 =	sld [smem:$0x3FDB];
	_ =	sdelay $0x1  }
0x99: {  	s19 =	simm.s32 $_scs_section_size  }
0x9a: {  	s4 =	simm.s32 $_size__tile_overlayer_lowered;
	s5 =	simm.s32 $_tile_overlayer_lowered  }
0x9b: {  	s22 =	simm.s32 $0x1BFF;
	s21 =	sshll.u32 s5, $0x1;
	s2 =	sadd.s32 s19, s18  }
0x9c: {  	s6 =	simm.s32 $0x0;
	s20 =	sshll.u32 s4, $0x1;
	s4 =	sadd.s32 s21, s2  }
0x9d: {  	[timem:s6], [sflag:s22] =	dma.local [hbm:s4], s20  }
0x9e: {  	_ =	swait.ge [sflag:s22], s20  }
0x9f: {  	s3 =	ssub.s32 $0x0, s20;
	[sflag:s22] =	ssyncset.done $0x0  }
0xa0: {  	[sflag:s22] =	ssyncadd.s32 s3;
	_ =	sdelay $0x1  }
0xa1: {  	s23 =	simm.s32 $0x1B8B  }
0xa2: {  	_ =	swait.ge [sflag:s23], $0x1  }
0xa3: {  	[sflag:s23] =	ssyncset.done $0x0  }
0xa4: {  	s25 =	simm.s32 $0x1B8E;
	s24 =	sld [smem:$0x3FFE];
	[sflag:s23] =	ssyncadd.s32 $0xFFFFFFFF  }
0xa5: {  	s26 =	simm.s32 $execute0_lowered;
	[smem:$0x3FD2] =	sst s25  }
0xa6: {  	s4 =	sshll.u32 s26, $0x1;
	_ =	strace $0x8000004C;
	[dreg:$0x1] =	wrdreg $0xFFFFFFFF  }
0xa7: {  	s28 =	simm.s32 $_size_execute0_lowered;
	s2 =	sadd.s32 s2, s4;
	[dreg:$0x0] =	wrdreg $0x0  }
0xa8: {  	s4 =	sshll.u32 s28, $0x1;
	[dreg:$0x2] =	wrdreg s2  }
0xa9: {  	[dreg:$0x3] =	wrdreg s4  }
0xaa: {  	[dreg:$0x4] =	wrdreg $0xC0  }
0xab: {  	_ =	task [dreg:s6], $0x5FFFF  }
0xac: {  	[dreg:$0x1] =	wrdreg $0xFFFFFFFF  }
0xad: {  	[dreg:$0x0] =	wrdreg $0x60  }
0xae: {  	[dreg:$0x2] =	wrdreg s24  }
0xaf: {  	[dreg:$0x3] =	wrdreg $0x70000  }
0xb0: {  	[dreg:$0x4] =	wrdreg $0x9  }
0xb1: {  	_ =	task.clear_ibuf [dreg:s6], $0x5FFFF;
	_ =	strace $0x9000004C  }
0xb2: {  	s29 =	simm.s32 $0x9;
	_ =	strace $0x8000004E  }
0xb3: {  	_ =	swait.ge [sflag:s29], $0x1  }
0xb4: {  	[sflag:s29] =	ssyncadd.s32 $0xFFFFFFFF  }
0xb5: {  	_ =	strace $0x9000004E  }
0xb6: {  	_ =	sfence  }
0xb7: {  	s30 =	sld [smem:$0x0];
	_ =	sdelay $0x2  }
0xb8: {  	s31 =	sshll.u32 s1, $0xD;
	s1 =	sshrl.u32 s1, $0x2  }
0xb9: {  	s3 =	sand.u32 $0x4000, s31;
	s1 =	sadd.s32 s1, s30  }
0xba: {  	s0 =	sor.u32 s3, s0;
	s1 =	sshll.u32 s1, $0x11  }
0xbb: {  	s0 =	sor.u32 s1, s0  }
0xbc: {  	s0 =	sadd.s32 $0x8F2B, s0  }
0xbd: {  	[sflag:s0] =	ssyncadd.remote.s32 $0x1  }
0xbe: {  	_ =	sfence.sel $0xFFFF  }
0xbf: {  	[dreg:$0x0] =	wrdreg $0xFFFFFFFF;
	(pc) =	sbr.abs _section_cstart, $3  }
0xc0: {  	[dreg:$0x1] =	wrdreg $0xFFFFFFFF  }
0xc1: {  	_ =	task.clear_ibuf [dreg:s6], $0x2FFFF;
	_ =	strace $0x9FFFFFFF  }
0xc2: {  	(tm) =	ssettm $0x7FFFFFFF  }
0xc3: {  	_ =	shalt  }
tec
execute0_lowered:
.L_overlay_start_1:
0x0: {  	(tag) =	ssettag $0x1  }
0x1: {  	s6 =	rddreg [dreg:$0x0]  }
0x2: {  	s0 =	srdreg.scid;
	s2 =	rddreg [dreg:$0x1];
	s3 =	simm.s32 $0x0  }
0x3: {  	s15 =	simm.s32 $0x50;
	s16 =	simm.s32 $0x2000;
	s17 =	simm.s32 $0x4800  }
0x4: {  	s18 =	simm.s32 $0x1;
	s5 =	sand.u32 $0x1, s0;
	s0 =	stileid.u32  }
0x5: {  	s19 =	simm.s32 $0x2;
	s20 =	simm.s32 $0x1C00;
	s22 =	smul.u32 $0x2700, s0  }
0x6: {  	[smem:$0x7FF] =	sst s3;
	s4 =	sadd.s32 $0x3DC00, s6;
	s8 =	smul.u32 $0x27100, s5  }
0x7: {  	s14 =	sadd.s32 $0x124800, s2;
	s1 =	sshll.u32 s5, $0x4;
	s9 =	smul.u32 $0x4E000, s0  }
0x8: {  	s5 =	ssub.s32 $0x2, s5;
	p0 =	seq.s32 s0, $0xF;
	s1 =	sor.u32 s0, s1  }
0x9: {  	s31 =	sshrl.u32 s5, $0x1;
	s7 =	smul.u32 $0xA00, s1;
	s1 =	rddreg [dreg:$0x2]  }
0xa: {  	_ =	strace $0x8000004D;
	s30 =	sadd.s32 s22, s6;
	s9 =	sshrl.u32 s9, $0x2  }
0xb: {  	s11 =	sadd.s32 s8, s6;
	s12 =	ssub.s32 s5, s31;
	s13 =	sadd.s32 s9, s2  }
0xc: {  	s5 =	sadd.s32 $0x8C000, s30;
	s23 =	sadd.s32 $0xB3200, s11;
	s9 =	smax.u32 s12, $0x1  }
0xd: {  	s11 =	sshll.u32 @!p0 s0, $0x6;
	s10 =	sadd.s32 s7, s6;
	s6 =	sadd.s32 $0xB0900, s6  }
0xe: {  	s11 =	sor.u32 @!p0 $0x1C03, s11;
	s12 =	sshrl.u32 @!p0 s13, $0x3;
	s13 =	simm.s32 $0x3  }
0xf: {  	s21 =	sadd.s32 @p0 $0x24900, s23;
	s22 =	sadd.s32 @!p0 s22, s23;
	s7 =	sadd.s32 $0x29C00, s10  }
0x10: {  	s8 =	sadd.s32 $0x15C00, s10;
	s10 =	sshrl.u32 @p0 s14, $0x3;
	s14 =	simm.s32 $0x1000  }
.LBB2_1:
0x11: {  	s23 =	simm.s32 @p0 $0x1FC3  }
0x12: {  	[spmem:s10], [sflag:s23] =	dma.local @p0 [hbm:s6], $0x2800  }
0x13: {  	s23 =	simm.s32 @p0 $0x3  }
0x14: {  	_ =	swait.ge @p0 [sflag:s23], $0x2800  }
0x15: {  	[sflag:s23] =	ssyncset.done @p0 $0x0  }
0x16: {  	[sflag:s23] =	ssyncadd.s32 @p0 $0xFFFFD800;
	s23 =	simm.s32 @!p0 $0x3  }
0x17: {  	[spmem:s12], [sflag:s11] =	dma.local @!p0 [hbm:s5], $0x2700  }
0x18: {  	_ =	swait.ge @!p0 [sflag:s23], $0x2700  }
0x19: {  	[sflag:s23] =	ssyncset.done @!p0 $0x0  }
0x1a: {  	[sflag:s23] =	ssyncadd.s32 @!p0 $0xFFFFD900  }
0x1b: {  	s23 =	simm.s32 $0x0;
	[bflag:$0x0] =	sbarrier.arrive $0xFFFF  }
.LBB2_2:
0x1c: {  	s24 =	sshll.u32 s23, $0x9  }
0x1d: {  	s26 =	simm.s32 $0x0;
	s25 =	sadd.s32 s24, s7  }
0x1e: {  	[tilespmem:s26], [sflag:$0x3] =	stream.linear.gather [hbm4b:s25+s26], $0xC80, $0x38;
	[tilespmem:$0x1A880] =	vst v63  }
0x1f: {  	_ =	swait.ge [sflag:s13], $0xC80  }
0x20: {  	[sflag:s13] =	ssyncset.done $0x0  }
0x21: {  	s24 =	sadd.s32 s24, s8;
	[sflag:s13] =	ssyncadd.s32 $0xFFFFF380  }
0x22: {  	[tilespmem:s14], [sflag:$0x3] =	stream.linear.gather [hbm4b:s24+s26], $0xC80, $0x38;
	[tilespmem:$0x1A880] =	vst v63  }
0x23: {  	_ =	swait.ge [sflag:s13], $0xC80  }
0x24: {  	[sflag:s13] =	ssyncset.done $0x0  }
0x25: {  	[sflag:s13] =	ssyncadd.s32 $0xFFFFF380  }
0x26: {  	[tilespmem:s16], [sflag:$0x1] =	stream.indirect.gather [hbm4b:s4+s15], $0x80, s26, s15, $0xb8;
	[tilespmem:$0x1A880] =	vst v63  }
0x27: {  	s28 =	simm.s32 $0x80  }
0x28: {  	[tilespmem:s17], [sflag:$0x2] =	stream.indirect.gather [hbm4b:s4+s15], $0x80, s28, s15, $0xb8;
	[tilespmem:$0x1A880] =	vst v63  }
0x29: {  	_ =	swait.ge [sflag:s18], $0x2800  }
0x2a: {  	[sflag:s18] =	ssyncset.done $0x0  }
0x2b: {  	s29 =	simm.s32 $0x1000;
	[sflag:s18] =	ssyncadd.s32 $0xFFFFD800  }
0x2c: {  	[spmem:s2] =	stream.indirect.scatter.add.f32 [tilespmem:s16], [sflag:$0x3], $0x80, s29, s15, $0xb8;
	[tilespmem:$0x1A880] =	vst v63  }
0x2d: {  	_ =	swait.ge [sflag:s13], $0x2800  }
0x2e: {  	[sflag:s13] =	ssyncset.done $0x0  }
0x2f: {  	s30 =	simm.s32 $0x100;
	[sflag:s13] =	ssyncadd.s32 $0xFFFFD800  }
0x30: {  	[tilespmem:s16], [sflag:$0x1] =	stream.indirect.gather [hbm4b:s4+s15], $0x80, s30, s15, $0xb8;
	[tilespmem:$0x1A880] =	vst v63  }
0x31: {  	_ =	swait.ge [sflag:s19], $0x2800  }
0x32: {  	[sflag:s19] =	ssyncset.done $0x0  }
0x33: {  	s31 =	simm.s32 $0x1080;
	[sflag:s19] =	ssyncadd.s32 $0xFFFFD800  }
0x34: {  	[spmem:s2] =	stream.indirect.scatter.add.f32 [tilespmem:s17], [sflag:$0x3], $0x80, s31, s15, $0xb8;
	[tilespmem:$0x1A880] =	vst v63  }
0x35: {  	_ =	swait.ge [sflag:s13], $0x2800  }
0x36: {  	s25 =	simm.s32 $0x800;
	s24 =	simm.s32 $0x100;
	[sflag:s13] =	ssyncset.done $0x0  }
.LBB2_3:
0x37: {  	s26 =	sadd.s32 $0x80, s24  }
0x38: {  	[sflag:s13] =	ssyncadd.s32 $0xFFFFD800;
	s28 =	smov.u32 s25;
	s29 =	sadd.s32 $0x400, s25  }
0x39: {  	[tilespmem:s17], [sflag:$0x2] =	stream.indirect.gather [hbm4b:s4+s15], $0x80, s26, s15, $0xb8;
	[tilespmem:$0x1A880] =	vst v63  }
0x3a: {  	p1 =	sne.s32 s25, $0x2C00;
	_ =	swait.ge [sflag:s18], $0x2800  }
0x3b: {  	[sflag:s18] =	ssyncset.done $0x0  }
0x3c: {  	s25 =	sadd.s32 $0x1000, s24;
	[sflag:s18] =	ssyncadd.s32 $0xFFFFD800  }
0x3d: {  	[spmem:s2] =	stream.indirect.scatter.add.f32 [tilespmem:s16], [sflag:$0x3], $0x80, s25, s15, $0xb8;
	[tilespmem:$0x1A880] =	vst v63  }
0x3e: {  	_ =	swait.ge [sflag:s13], $0x2800  }
0x3f: {  	[sflag:s13] =	ssyncset.done $0x0  }
0x40: {  	s25 =	sadd.s32 $0x100, s24;
	[sflag:s13] =	ssyncadd.s32 $0xFFFFD800  }
0x41: {  	[tilespmem:s16], [sflag:$0x1] =	stream.indirect.gather [hbm4b:s4+s15], $0x80, s25, s15, $0xb8;
	[tilespmem:$0x1A880] =	vst v63  }
0x42: {  	_ =	swait.ge [sflag:s19], $0x2800  }
.Ltmp0:
0x43: {  	[sflag:s19] =	ssyncset.done $0x0;
	(pc) =	sbr.rel @p1 .LBB2_3-.Ltmp0, $4  }
0x44: {  	s24 =	sadd.s32 $0x1080, s24;
	[sflag:s19] =	ssyncadd.s32 $0xFFFFD800  }
0x45: {  	[spmem:s2] =	stream.indirect.scatter.add.f32 [tilespmem:s17], [sflag:$0x3], $0x80, s24, s15, $0xb8;
	[tilespmem:$0x1A880] =	vst v63  }
0x46: {  	_ =	swait.ge [sflag:s13], $0x2800  }
0x47: {  	s25 =	smov.u32 s29;
	s24 =	sshra.s32 s28, $0x2;
	[sflag:s13] =	ssyncset.done $0x0  }
0x48: {  	s25 =	sadd.s32 $0x80, s24;
	[sflag:s13] =	ssyncadd.s32 $0xFFFFD800  }
0x49: {  	[tilespmem:s17], [sflag:$0x2] =	stream.indirect.gather [hbm4b:s4+s15], $0x80, s25, s15, $0xb8;
	[tilespmem:$0x1A880] =	vst v63  }
0x4a: {  	_ =	swait.ge [sflag:s18], $0x2800  }
0x4b: {  	[sflag:s18] =	ssyncset.done $0x0  }
0x4c: {  	s29 =	sadd.s32 $0x1000, s24;
	[sflag:s18] =	ssyncadd.s32 $0xFFFFD800  }
0x4d: {  	[spmem:s2] =	stream.indirect.scatter.add.f32 [tilespmem:s16], [sflag:$0x3], $0x80, s29, s15, $0xb8;
	[tilespmem:$0x1A880] =	vst v63  }
0x4e: {  	_ =	swait.ge [sflag:s13], $0x2800  }
0x4f: {  	[sflag:s13] =	ssyncset.done $0x0  }
0x50: {  	s30 =	sadd.s32 $0x100, s24;
	[sflag:s13] =	ssyncadd.s32 $0xFFFFD800  }
0x51: {  	[tilespmem:s16], [sflag:$0x1] =	stream.indirect.gather [hbm4b:s4+s15], $0x80, s30, s15, $0xb8;
	[tilespmem:$0x1A880] =	vst v63  }
0x52: {  	_ =	swait.ge [sflag:s19], $0x2800  }
0x53: {  	[sflag:s19] =	ssyncset.done $0x0  }
0x54: {  	s31 =	sadd.s32 $0x1080, s24;
	[sflag:s19] =	ssyncadd.s32 $0xFFFFD800  }
0x55: {  	[spmem:s2] =	stream.indirect.scatter.add.f32 [tilespmem:s17], [sflag:$0x3], $0x80, s31, s15, $0xb8;
	[tilespmem:$0x1A880] =	vst v63  }
0x56: {  	_ =	swait.ge [sflag:s13], $0x2800  }
0x57: {  	[sflag:s13] =	ssyncset.done $0x0  }
0x58: {  	[sflag:s13] =	ssyncadd.s32 $0xFFFFD800  }
0x59: {  	s23 =	sadd.s32 $0x1, s23;
	_ =	swait.ge [sflag:s18], $0x2800  }
0x5a: {  	p1 =	sne.s32 s23, $0x5;
	[sflag:s18] =	ssyncset.done $0x0  }
.Ltmp1:
0x5b: {  	[sflag:s18] =	ssyncadd.s32 $0xFFFFD800;
	(pc) =	sbr.rel @p1 .LBB2_2-.Ltmp1, $4  }
0x5c: {  	[spmem:s2] =	stream.indirect.scatter.add.f32 [tilespmem:s16], [sflag:$0x3], $0x80, s20, s15, $0xb8;
	[tilespmem:$0x1A880] =	vst v63  }
0x5d: {  	_ =	swait.ge [sflag:s13], $0x2800  }
0x5e: {  	[sflag:s13] =	ssyncset.done $0x0  }
0x5f: {  	[sflag:s13] =	ssyncadd.s32 $0xFFFFD800  }
0x60: {  	[bflag:$0x0] =	sbarrier.arrive $0xFFFF;
	s23 =	simm.s32 @p0 $0x1FC3  }
0x61: {  	[hbm:s21], [sflag:s23] =	dma.local @p0 [spmem:s10], $0x2800  }
0x62: {  	s23 =	simm.s32 @p0 $0x3  }
0x63: {  	s3 =	sadd.s32 $0x1, s3;
	_ =	swait.ge @p0 [sflag:s23], $0x2800  }
0x64: {  	p1 =	sne.s32 s3, s9;
	[sflag:s23] =	ssyncset.done @p0 $0x0  }
.Ltmp2:
0x65: {  	[sflag:s23] =	ssyncadd.s32 @p0 $0xFFFFD800;
	s23 =	simm.s32 @!p0 $0x3;
	(pc) =	sbr.rel @p1 .LBB2_1-.Ltmp2, $4  }
0x66: {  	[hbm:s22], [sflag:s11] =	dma.local @!p0 [spmem:s12], $0x2700  }
0x67: {  	_ =	swait.ge @!p0 [sflag:s23], $0x2700  }
0x68: {  	[sflag:s23] =	ssyncset.done @!p0 $0x0  }
0x69: {  	[sflag:s23] =	ssyncadd.s32 @!p0 $0xFFFFD900  }
0x6a: {  	_ =	sfence.sel $0x180000  }
0x6b: {  	[bflag:$0x0] =	sbarrier.arrive $0xFFFF  }
0x6c: {  	p0 =	sne.s32 s0, $0x0;
	_ =	strace $0x9000004D  }
0x6d: {  	s0 =	sadd.s32 @!p0 $0x100000, s1;
	[bflag:$0x2] =	sbarrier.arrive $0xFFFF  }
0x6e: {  	[sflag:s0] =	ssyncadd.tile.s32 @!p0 $0x1;
	_ =	shalt  }
.Lfunc_end2:
_tile_overlayer_lowered:
.L_overlay_start_2:
0x6f: {  	(tag) =	ssettag $0x2  }
0x70: {  	s0 =	rddreg [dreg:$0x0];
	s2 =	stileid.u32  }
0x71: {  	s1 =	rddreg [dreg:$0x1];
	p0 =	sne.s32 s2, $0x0  }
0x72: {  	s3 =	rddreg [dreg:$0x2];
	[bflag:$0x3] =	sbarrier.arrive $0xFFFF;
	s2 =	simm.s32 @!p0 $0x1C03  }
0x73: {  	[timem:s3], [sflag:s2] =	dma.local @!p0 [hbm:s0], s1  }
0x74: {  	s0 =	simm.s32 @!p0 $0x3  }
0x75: {  	_ =	swait.ge @!p0 [sflag:s0], s1  }
0x76: {  	s1 =	ssub.s32 @!p0 $0x0, s1;
	[sflag:s0] =	ssyncset.done @!p0 $0x0  }
0x77: {  	[sflag:s0] =	ssyncadd.s32 @!p0 s1  }
0x78: {  	[bflag:$0x3] =	sbarrier.arrive $0xFFFF  }
0x79: {  	_ =	shalt  }

// kernel: kernel.19.cloned.1.call-start
scs
__scs_entry_jumppad:
0x0: {  	(pc) =	sbr.rel $0x88, $3  }
0x1: {  	(tag) =	ssettag $0x0;
	lr =	simm.s32 $0x1  }
0x2: {  	[smem:$0x3F96] =	sst lr;
	_ =	strace $0xD0000000  }
0x3: {  	_ = 	snop  }
0x4: {  	_ = 	snop  }
0x5: {  	_ = 	snop  }
0x6: {  	_ = 	snop  }
0x7: {  	_ = 	snop  }
__scs_overlays_trampoline_lowered:
0x8: {  	[smem:$0x3FA5] =	sst s0  }
0x9: {  	[smem:$0x3FA6] =	sst s1  }
0xa: {  	[smem:$0x3FA7] =	sst s2  }
0xb: {  	[smem:$0x3FA8] =	sst s3  }
0xc: {  	[smem:$0x3FA9] =	sst s4  }
0xd: {  	[smem:$0x3FAA] =	sst s5  }
0xe: {  	[smem:$0x3FAB] =	sst s6  }
0xf: {  	[smem:$0x3FAC] =	sst s7  }
0x10: {  	[smem:$0x3FAD] =	sst s8  }
0x11: {  	[smem:$0x3FAE] =	sst s9;
	s0 =	simm.s32 @!p0 $0x0  }
0x12: {  	s1 =	sld [smem:$0x3F94];
	s0 =	simm.s32 @p0 $0x1  }
0x13: {  	[smem:$0x3FAF] =	sst s0;
	s0 =	simm.s32 @!p1 $0x0  }
0x14: {  	s2 =	sld [smem:$0x3F93];
	s0 =	simm.s32 @p1 $0x1  }
0x15: {  	[smem:$0x3FB0] =	sst s0;
	s0 =	simm.s32 @!p2 $0x0  }
0x16: {  	s3 =	sld [smem:$0x3FDB];
	s0 =	simm.s32 @p2 $0x1  }
0x17: {  	s4 =	simm.s32 $0x1BF5;
	[smem:$0x3FB2] =	sst s0  }
0x18: {  	s0 =	sld [smem:$0x3F95];
	_ =	swait.ge [sflag:s4], $0x0  }
0x19: {  	s7 =	sld [smem:$0x3F96]  }
0x1a: {  	s8 =	sadd.s32 $0xFFFFE003, lr  }
0x1b: {  	s9 =	sadd.s32 $0xFFFFFEF7, lr;
	s5 =	simm.s32 $0xFFFFFFFF;
	p2 =	slt.u32 s8, $0xFFFFF086  }
0x1c: {  	p1 =	slt.u32 s9, $0xF7A;
	s5 =	simm.s32 @!p2 $0x0  }
0x1d: {  	s5 =	simm.s32 @p1 $0x1;
	p0 =	seq.s32 s7, s2  }
0x1e: {  	s7 =	smul.u32 @!p0 $0xF7A, s2;
	p2 =	seq.s32 @!p0 s5, $0x0  }
0x1f: {  	s9 =	smul.u32 $0xF7A, s1;
	s8 =	simm.s32 @!p0 $0x1BF5;
	p2 =	por !p2, p0  }
0x20: {  	[sflag:s8] =	ssyncset.s32 @!p0 $0xFFFFF086;
	s6 =	sadd.s32 @!p0 s3, s7;
	s7 =	simm.s32 @!p0 $0x108  }
0x21: {  	s3 =	sadd.s32 s3, s9;
	s6 =	sadd.s32 @!p0 $0x88, s6;
	s7 =	simm.s32 @p2 $0x1082  }
0x22: {  	[simem:s7], [sflag:s8] =	dma.local @!p0 [hbm:s6], $0xF7A  }
0x23: {  	s9 =	sor.u32 $0xD0000000, s2;
	s6 =	simm.s32 $0x108;
	_ =	swait.ge @!p0 [sflag:s8], $0x0  }
0x24: {  	s3 =	sadd.s32 $0x88, s3;
	s6 =	simm.s32 @!p1 $0x1082;
	[sflag:s4] =	ssyncset.s32 $0xFFFFF086  }
0x25: {  	[simem:s6], [sflag:s4] =	dma.local [hbm:s3], $0xF7A  }
0x26: {  	[smem:$0x3F96] =	sst s1;
	(tag) =	ssettag s2;
	_ =	strace s9  }
0x27: {  	s1 =	sld [smem:$0x3FA6]  }
0x28: {  	s2 =	sld [smem:$0x3FA7]  }
0x29: {  	s4 =	sld [smem:$0x3FA9]  }
0x2a: {  	p0 =	seq.s32 s5, $0x0;
	s5 =	sld [smem:$0x3FAA]  }
0x2b: {  	s6 =	sld [smem:$0x3FAB]  }
0x2c: {  	s7 =	sld [smem:$0x3FAC]  }
0x2d: {  	s3 =	simm.s32 $0x108;
	s8 =	sld [smem:$0x3FAD]  }
0x2e: {  	s3 =	simm.s32 @!p0 $0x1082;
	s9 =	sld [smem:$0x3FAE]  }
0x2f: {  	lr =	sadd.s32 s0, s3;
	s0 =	sld [smem:$0x3FA5]  }
0x30: {  	s3 =	sld [smem:$0x3FA8]  }
0x31: {  	[smem:$0x3FB1] =	sst s10  }
0x32: {  	s10 =	sld [smem:$0x3FAF];
	_ =	sdelay $0x3  }
0x33: {  	p0 =	seq.s32 s10, $0x1;
	s10 =	sld [smem:$0x3FB1];
	_ =	sdelay $0x3  }
0x34: {  	[smem:$0x3FB1] =	sst s10  }
0x35: {  	s10 =	sld [smem:$0x3FB0];
	_ =	sdelay $0x3  }
0x36: {  	p1 =	seq.s32 s10, $0x1;
	s10 =	sld [smem:$0x3FB1];
	_ =	sdelay $0x3  }
0x37: {  	[smem:$0x3FB1] =	sst s10  }
0x38: {  	s10 =	sld [smem:$0x3FB2]  }
0x39: {  	_ = 	snop;
	(pc) =	sbr.ind lr, $3  }
0x3a: {  	_ = 	snop  }
0x3b: {  	_ = 	snop  }
0x3c: {  	p2 =	seq.s32 s10, $0x1;
	s10 =	sld [smem:$0x3FB1]  }
0x3d: {  	_ =	shalt  }
0x3e: {  	_ =	shalt  }
0x3f: {  	_ =	shalt  }
0x40: {  	_ =	shalt  }
0x41: {  	_ =	shalt  }
0x42: {  	_ =	shalt  }
0x43: {  	_ =	shalt  }
0x44: {  	_ =	shalt  }
0x45: {  	_ =	shalt  }
0x46: {  	_ =	shalt  }
0x47: {  	_ =	shalt  }
0x48: {  	_ =	shalt  }
0x49: {  	_ =	shalt  }
0x4a: {  	_ =	shalt  }
0x4b: {  	_ =	shalt  }
0x4c: {  	_ =	shalt  }
0x4d: {  	_ =	shalt  }
0x4e: {  	_ =	shalt  }
0x4f: {  	_ =	shalt  }
0x50: {  	_ =	shalt  }
0x51: {  	_ =	shalt  }
0x52: {  	_ =	shalt  }
0x53: {  	_ =	shalt  }
0x54: {  	_ =	shalt  }
0x55: {  	_ =	shalt  }
0x56: {  	_ =	shalt  }
0x57: {  	_ =	shalt  }
0x58: {  	_ =	shalt  }
0x59: {  	_ =	shalt  }
0x5a: {  	_ =	shalt  }
0x5b: {  	_ =	shalt  }
0x5c: {  	_ =	shalt  }
0x5d: {  	_ =	shalt  }
0x5e: {  	_ =	shalt  }
0x5f: {  	_ =	shalt  }
0x60: {  	_ =	shalt  }
0x61: {  	_ =	shalt  }
0x62: {  	_ =	shalt  }
0x63: {  	_ =	shalt  }
0x64: {  	_ =	shalt  }
0x65: {  	_ =	shalt  }
0x66: {  	_ =	shalt  }
0x67: {  	_ =	shalt  }
0x68: {  	_ =	shalt  }
0x69: {  	_ =	shalt  }
0x6a: {  	_ =	shalt  }
0x6b: {  	_ =	shalt  }
0x6c: {  	_ =	shalt  }
0x6d: {  	_ =	shalt  }
0x6e: {  	_ =	shalt  }
0x6f: {  	_ =	shalt  }
0x70: {  	_ =	shalt  }
0x71: {  	_ =	shalt  }
0x72: {  	_ =	shalt  }
0x73: {  	_ =	shalt  }
0x74: {  	_ =	shalt  }
0x75: {  	_ =	shalt  }
0x76: {  	_ =	shalt  }
0x77: {  	_ =	shalt  }
0x78: {  	_ =	shalt  }
0x79: {  	_ =	shalt  }
0x7a: {  	_ =	shalt  }
0x7b: {  	_ =	shalt  }
0x7c: {  	_ =	shalt  }
0x7d: {  	_ =	shalt  }
0x7e: {  	_ =	shalt  }
0x7f: {  	_ =	shalt  }
0x80: {  	_ =	shalt  }
0x81: {  	_ =	shalt  }
0x82: {  	_ =	shalt  }
0x83: {  	_ =	shalt  }
0x84: {  	_ =	shalt  }
0x85: {  	_ =	shalt  }
0x86: {  	_ =	shalt  }
0x87: {  	_ =	shalt  }
.Lfunc_end0:
.L_simem_size_0:
called_computation.3_lowered:
.L_overlay_start_0:
0x88: {  	s2 =	sld [smem:$0x3FD9]  }
0x89: {  	s3 =	sld [smem:$0x3FFE];
	_ =	sdelay $0x1  }
0x8a: {  	s1 =	srdreg.scid  }
0x8b: {  	s0 =	sand.u32 $0x1, s1  }
0x8c: {  	s16 =	sshll.u32 s0, $0xA;
	s2 =	sadd.s32 s3, s2  }
0x8d: {  	s2 =	sadd.s32 s2, s16  }
0x8e: {  	[smem:$0x3FBD] =	sst s2  }
0x8f: {  	_ = 	snop  }
0x90: {  	(tm) =	ssettm $0x1  }
0x91: {  	s17 =	sld [smem:$0x3FFB];
	_ =	sdelay $0x3  }
0x92: {  	_ =	strace s17  }
0x93: {  	s2 =	sld [smem:$0x3FFC];
	_ =	sdelay $0x3  }
0x94: {  	_ =	strace s2  }
0x95: {  	s2 =	sld [smem:$0x3FFD];
	_ =	sdelay $0x3  }
0x96: {  	_ =	strace s2  }
0x97: {  	_ =	strace $0x8FFFFFFF  }
0x98: {  	s18 =	sld [smem:$0x3FDB];
	_ =	sdelay $0x1  }
0x99: {  	s19 =	simm.s32 $_scs_section_size  }
0x9a: {  	s4 =	simm.s32 $_size__tile_overlayer_lowered;
	s5 =	simm.s32 $_tile_overlayer_lowered  }
0x9b: {  	s22 =	simm.s32 $0x1BFF;
	s21 =	sshll.u32 s5, $0x1;
	s2 =	sadd.s32 s19, s18  }
0x9c: {  	s6 =	simm.s32 $0x0;
	s20 =	sshll.u32 s4, $0x1;
	s4 =	sadd.s32 s21, s2  }
0x9d: {  	[timem:s6], [sflag:s22] =	dma.local [hbm:s4], s20  }
0x9e: {  	_ =	swait.ge [sflag:s22], s20  }
0x9f: {  	s3 =	ssub.s32 $0x0, s20;
	[sflag:s22] =	ssyncset.done $0x0  }
0xa0: {  	[sflag:s22] =	ssyncadd.s32 s3;
	_ =	sdelay $0x1  }
0xa1: {  	s23 =	simm.s32 $0x1B8B  }
0xa2: {  	_ =	swait.ge [sflag:s23], $0x1  }
0xa3: {  	[sflag:s23] =	ssyncset.done $0x0  }
0xa4: {  	s25 =	simm.s32 $0x1B8E;
	s24 =	sld [smem:$0x3FFE];
	[sflag:s23] =	ssyncadd.s32 $0xFFFFFFFF  }
0xa5: {  	s26 =	simm.s32 $execute0_lowered;
	[smem:$0x3FD2] =	sst s25  }
0xa6: {  	s4 =	sshll.u32 s26, $0x1;
	_ =	strace $0x8000004F;
	[dreg:$0x1] =	wrdreg $0xFFFFFFFF  }
0xa7: {  	s28 =	simm.s32 $_size_execute0_lowered;
	s2 =	sadd.s32 s2, s4;
	[dreg:$0x0] =	wrdreg $0x0  }
0xa8: {  	s4 =	sshll.u32 s28, $0x1;
	[dreg:$0x2] =	wrdreg s2  }
0xa9: {  	[dreg:$0x3] =	wrdreg s4  }
0xaa: {  	[dreg:$0x4] =	wrdreg $0xC0  }
0xab: {  	_ =	task [dreg:s6], $0x5FFFF  }
0xac: {  	[dreg:$0x1] =	wrdreg $0xFFFFFFFF  }
0xad: {  	[dreg:$0x0] =	wrdreg $0x60  }
0xae: {  	[dreg:$0x2] =	wrdreg s24  }
0xaf: {  	[dreg:$0x3] =	wrdreg $0x70000  }
0xb0: {  	[dreg:$0x4] =	wrdreg $0x9  }
0xb1: {  	_ =	task.clear_ibuf [dreg:s6], $0x5FFFF;
	_ =	strace $0x9000004F  }
0xb2: {  	s29 =	simm.s32 $0x9;
	_ =	strace $0x80000051  }
0xb3: {  	_ =	swait.ge [sflag:s29], $0x1  }
0xb4: {  	[sflag:s29] =	ssyncadd.s32 $0xFFFFFFFF  }
0xb5: {  	_ =	strace $0x90000051  }
0xb6: {  	_ =	sfence  }
0xb7: {  	s30 =	sld [smem:$0x0];
	_ =	sdelay $0x2  }
0xb8: {  	s31 =	sshll.u32 s1, $0xD;
	s1 =	sshrl.u32 s1, $0x2  }
0xb9: {  	s3 =	sand.u32 $0x4000, s31;
	s1 =	sadd.s32 s1, s30  }
0xba: {  	s0 =	sor.u32 s3, s0;
	s1 =	sshll.u32 s1, $0x11  }
0xbb: {  	s0 =	sor.u32 s1, s0  }
0xbc: {  	s0 =	sadd.s32 $0x8F2B, s0  }
0xbd: {  	[sflag:s0] =	ssyncadd.remote.s32 $0x1  }
0xbe: {  	_ =	sfence.sel $0xFFFF  }
0xbf: {  	[dreg:$0x0] =	wrdreg $0xFFFFFFFF;
	(pc) =	sbr.abs _section_cstart, $3  }
0xc0: {  	[dreg:$0x1] =	wrdreg $0xFFFFFFFF  }
0xc1: {  	_ =	task.clear_ibuf [dreg:s6], $0x2FFFF;
	_ =	strace $0x9FFFFFFF  }
0xc2: {  	(tm) =	ssettm $0x7FFFFFFF  }
0xc3: {  	_ =	shalt  }
tec
execute0_lowered:
.L_overlay_start_1:
0x0: {  	(tag) =	ssettag $0x1  }
0x1: {  	s6 =	rddreg [dreg:$0x0]  }
0x2: {  	s0 =	srdreg.scid;
	s2 =	rddreg [dreg:$0x1];
	s3 =	simm.s32 $0x0  }
0x3: {  	s15 =	simm.s32 $0x50;
	s16 =	simm.s32 $0x2000;
	s17 =	simm.s32 $0x4800  }
0x4: {  	s18 =	simm.s32 $0x1;
	s5 =	sand.u32 $0x1, s0;
	s0 =	stileid.u32  }
0x5: {  	s19 =	simm.s32 $0x2;
	s20 =	simm.s32 $0x1C00;
	s22 =	smul.u32 $0x2700, s0  }
0x6: {  	[smem:$0x7FF] =	sst s3;
	s4 =	sadd.s32 $0x3DC00, s6;
	s8 =	smul.u32 $0x27100, s5  }
0x7: {  	s14 =	sadd.s32 $0x124800, s2;
	s1 =	sshll.u32 s5, $0x4;
	s9 =	smul.u32 $0x4E000, s0  }
0x8: {  	s5 =	ssub.s32 $0x2, s5;
	p0 =	seq.s32 s0, $0xF;
	s1 =	sor.u32 s0, s1  }
0x9: {  	s31 =	sshrl.u32 s5, $0x1;
	s7 =	smul.u32 $0xA00, s1;
	s1 =	rddreg [dreg:$0x2]  }
0xa: {  	_ =	strace $0x80000050;
	s30 =	sadd.s32 s22, s6;
	s9 =	sshrl.u32 s9, $0x2  }
0xb: {  	s11 =	sadd.s32 s8, s6;
	s12 =	ssub.s32 s5, s31;
	s13 =	sadd.s32 s9, s2  }
0xc: {  	s5 =	sadd.s32 $0x8C000, s30;
	s23 =	sadd.s32 $0xB3200, s11;
	s9 =	smax.u32 s12, $0x1  }
0xd: {  	s11 =	sshll.u32 @!p0 s0, $0x6;
	s10 =	sadd.s32 s7, s6;
	s6 =	sadd.s32 $0xB0900, s6  }
0xe: {  	s11 =	sor.u32 @!p0 $0x1C03, s11;
	s12 =	sshrl.u32 @!p0 s13, $0x3;
	s13 =	simm.s32 $0x3  }
0xf: {  	s21 =	sadd.s32 @p0 $0x24900, s23;
	s22 =	sadd.s32 @!p0 s22, s23;
	s7 =	sadd.s32 $0x29C00, s10  }
0x10: {  	s8 =	sadd.s32 $0x15C00, s10;
	s10 =	sshrl.u32 @p0 s14, $0x3;
	s14 =	simm.s32 $0x1000  }
.LBB2_1:
0x11: {  	s23 =	simm.s32 @p0 $0x1FC3  }
0x12: {  	[spmem:s10], [sflag:s23] =	dma.local @p0 [hbm:s6], $0x2800  }
0x13: {  	s23 =	simm.s32 @p0 $0x3  }
0x14: {  	_ =	swait.ge @p0 [sflag:s23], $0x2800  }
0x15: {  	[sflag:s23] =	ssyncset.done @p0 $0x0  }
0x16: {  	[sflag:s23] =	ssyncadd.s32 @p0 $0xFFFFD800;
	s23 =	simm.s32 @!p0 $0x3  }
0x17: {  	[spmem:s12], [sflag:s11] =	dma.local @!p0 [hbm:s5], $0x2700  }
0x18: {  	_ =	swait.ge @!p0 [sflag:s23], $0x2700  }
0x19: {  	[sflag:s23] =	ssyncset.done @!p0 $0x0  }
0x1a: {  	[sflag:s23] =	ssyncadd.s32 @!p0 $0xFFFFD900  }
0x1b: {  	s23 =	simm.s32 $0x0;
	[bflag:$0x0] =	sbarrier.arrive $0xFFFF  }
.LBB2_2:
0x1c: {  	s24 =	sshll.u32 s23, $0x9  }
0x1d: {  	s26 =	simm.s32 $0x0;
	s25 =	sadd.s32 s24, s7  }
0x1e: {  	[tilespmem:s26], [sflag:$0x3] =	stream.linear.gather [hbm4b:s25+s26], $0xC80, $0x38;
	[tilespmem:$0x1A880] =	vst v63  }
0x1f: {  	_ =	swait.ge [sflag:s13], $0xC80  }
0x20: {  	[sflag:s13] =	ssyncset.done $0x0  }
0x21: {  	s24 =	sadd.s32 s24, s8;
	[sflag:s13] =	ssyncadd.s32 $0xFFFFF380  }
0x22: {  	[tilespmem:s14], [sflag:$0x3] =	stream.linear.gather [hbm4b:s24+s26], $0xC80, $0x38;
	[tilespmem:$0x1A880] =	vst v63  }
0x23: {  	_ =	swait.ge [sflag:s13], $0xC80  }
0x24: {  	[sflag:s13] =	ssyncset.done $0x0  }
0x25: {  	[sflag:s13] =	ssyncadd.s32 $0xFFFFF380  }
0x26: {  	[tilespmem:s16], [sflag:$0x1] =	stream.indirect.gather [hbm4b:s4+s15], $0x80, s26, s15, $0xb8;
	[tilespmem:$0x1A880] =	vst v63  }
0x27: {  	s28 =	simm.s32 $0x80  }
0x28: {  	[tilespmem:s17], [sflag:$0x2] =	stream.indirect.gather [hbm4b:s4+s15], $0x80, s28, s15, $0xb8;
	[tilespmem:$0x1A880] =	vst v63  }
0x29: {  	_ =	swait.ge [sflag:s18], $0x2800  }
0x2a: {  	[sflag:s18] =	ssyncset.done $0x0  }
0x2b: {  	s29 =	simm.s32 $0x1000;
	[sflag:s18] =	ssyncadd.s32 $0xFFFFD800  }
0x2c: {  	[spmem:s2] =	stream.indirect.scatter.add.f32 [tilespmem:s16], [sflag:$0x3], $0x80, s29, s15, $0xb8;
	[tilespmem:$0x1A880] =	vst v63  }
0x2d: {  	_ =	swait.ge [sflag:s13], $0x2800  }
0x2e: {  	[sflag:s13] =	ssyncset.done $0x0  }
0x2f: {  	s30 =	simm.s32 $0x100;
	[sflag:s13] =	ssyncadd.s32 $0xFFFFD800  }
0x30: {  	[tilespmem:s16], [sflag:$0x1] =	stream.indirect.gather [hbm4b:s4+s15], $0x80, s30, s15, $0xb8;
	[tilespmem:$0x1A880] =	vst v63  }
0x31: {  	_ =	swait.ge [sflag:s19], $0x2800  }
0x32: {  	[sflag:s19] =	ssyncset.done $0x0  }
0x33: {  	s31 =	simm.s32 $0x1080;
	[sflag:s19] =	ssyncadd.s32 $0xFFFFD800  }
0x34: {  	[spmem:s2] =	stream.indirect.scatter.add.f32 [tilespmem:s17], [sflag:$0x3], $0x80, s31, s15, $0xb8;
	[tilespmem:$0x1A880] =	vst v63  }
0x35: {  	_ =	swait.ge [sflag:s13], $0x2800  }
0x36: {  	s25 =	simm.s32 $0x800;
	s24 =	simm.s32 $0x100;
	[sflag:s13] =	ssyncset.done $0x0  }
.LBB2_3:
0x37: {  	s26 =	sadd.s32 $0x80, s24  }
0x38: {  	[sflag:s13] =	ssyncadd.s32 $0xFFFFD800;
	s28 =	smov.u32 s25;
	s29 =	sadd.s32 $0x400, s25  }
0x39: {  	[tilespmem:s17], [sflag:$0x2] =	stream.indirect.gather [hbm4b:s4+s15], $0x80, s26, s15, $0xb8;
	[tilespmem:$0x1A880] =	vst v63  }
0x3a: {  	p1 =	sne.s32 s25, $0x2C00;
	_ =	swait.ge [sflag:s18], $0x2800  }
0x3b: {  	[sflag:s18] =	ssyncset.done $0x0  }
0x3c: {  	s25 =	sadd.s32 $0x1000, s24;
	[sflag:s18] =	ssyncadd.s32 $0xFFFFD800  }
0x3d: {  	[spmem:s2] =	stream.indirect.scatter.add.f32 [tilespmem:s16], [sflag:$0x3], $0x80, s25, s15, $0xb8;
	[tilespmem:$0x1A880] =	vst v63  }
0x3e: {  	_ =	swait.ge [sflag:s13], $0x2800  }
0x3f: {  	[sflag:s13] =	ssyncset.done $0x0  }
0x40: {  	s25 =	sadd.s32 $0x100, s24;
	[sflag:s13] =	ssyncadd.s32 $0xFFFFD800  }
0x41: {  	[tilespmem:s16], [sflag:$0x1] =	stream.indirect.gather [hbm4b:s4+s15], $0x80, s25, s15, $0xb8;
	[tilespmem:$0x1A880] =	vst v63  }
0x42: {  	_ =	swait.ge [sflag:s19], $0x2800  }
.Ltmp0:
0x43: {  	[sflag:s19] =	ssyncset.done $0x0;
	(pc) =	sbr.rel @p1 .LBB2_3-.Ltmp0, $4  }
0x44: {  	s24 =	sadd.s32 $0x1080, s24;
	[sflag:s19] =	ssyncadd.s32 $0xFFFFD800  }
0x45: {  	[spmem:s2] =	stream.indirect.scatter.add.f32 [tilespmem:s17], [sflag:$0x3], $0x80, s24, s15, $0xb8;
	[tilespmem:$0x1A880] =	vst v63  }
0x46: {  	_ =	swait.ge [sflag:s13], $0x2800  }
0x47: {  	s25 =	smov.u32 s29;
	s24 =	sshra.s32 s28, $0x2;
	[sflag:s13] =	ssyncset.done $0x0  }
0x48: {  	s25 =	sadd.s32 $0x80, s24;
	[sflag:s13] =	ssyncadd.s32 $0xFFFFD800  }
0x49: {  	[tilespmem:s17], [sflag:$0x2] =	stream.indirect.gather [hbm4b:s4+s15], $0x80, s25, s15, $0xb8;
	[tilespmem:$0x1A880] =	vst v63  }
0x4a: {  	_ =	swait.ge [sflag:s18], $0x2800  }
0x4b: {  	[sflag:s18] =	ssyncset.done $0x0  }
0x4c: {  	s29 =	sadd.s32 $0x1000, s24;
	[sflag:s18] =	ssyncadd.s32 $0xFFFFD800  }
0x4d: {  	[spmem:s2] =	stream.indirect.scatter.add.f32 [tilespmem:s16], [sflag:$0x3], $0x80, s29, s15, $0xb8;
	[tilespmem:$0x1A880] =	vst v63  }
0x4e: {  	_ =	swait.ge [sflag:s13], $0x2800  }
0x4f: {  	[sflag:s13] =	ssyncset.done $0x0  }
0x50: {  	s30 =	sadd.s32 $0x100, s24;
	[sflag:s13] =	ssyncadd.s32 $0xFFFFD800  }
0x51: {  	[tilespmem:s16], [sflag:$0x1] =	stream.indirect.gather [hbm4b:s4+s15], $0x80, s30, s15, $0xb8;
	[tilespmem:$0x1A880] =	vst v63  }
0x52: {  	_ =	swait.ge [sflag:s19], $0x2800  }
0x53: {  	[sflag:s19] =	ssyncset.done $0x0  }
0x54: {  	s31 =	sadd.s32 $0x1080, s24;
	[sflag:s19] =	ssyncadd.s32 $0xFFFFD800  }
0x55: {  	[spmem:s2] =	stream.indirect.scatter.add.f32 [tilespmem:s17], [sflag:$0x3], $0x80, s31, s15, $0xb8;
	[tilespmem:$0x1A880] =	vst v63  }
0x56: {  	_ =	swait.ge [sflag:s13], $0x2800  }
0x57: {  	[sflag:s13] =	ssyncset.done $0x0  }
0x58: {  	[sflag:s13] =	ssyncadd.s32 $0xFFFFD800  }
0x59: {  	s23 =	sadd.s32 $0x1, s23;
	_ =	swait.ge [sflag:s18], $0x2800  }
0x5a: {  	p1 =	sne.s32 s23, $0x5;
	[sflag:s18] =	ssyncset.done $0x0  }
.Ltmp1:
0x5b: {  	[sflag:s18] =	ssyncadd.s32 $0xFFFFD800;
	(pc) =	sbr.rel @p1 .LBB2_2-.Ltmp1, $4  }
0x5c: {  	[spmem:s2] =	stream.indirect.scatter.add.f32 [tilespmem:s16], [sflag:$0x3], $0x80, s20, s15, $0xb8;
	[tilespmem:$0x1A880] =	vst v63  }
0x5d: {  	_ =	swait.ge [sflag:s13], $0x2800  }
0x5e: {  	[sflag:s13] =	ssyncset.done $0x0  }
0x5f: {  	[sflag:s13] =	ssyncadd.s32 $0xFFFFD800  }
0x60: {  	[bflag:$0x0] =	sbarrier.arrive $0xFFFF;
	s23 =	simm.s32 @p0 $0x1FC3  }
0x61: {  	[hbm:s21], [sflag:s23] =	dma.local @p0 [spmem:s10], $0x2800  }
0x62: {  	s23 =	simm.s32 @p0 $0x3  }
0x63: {  	s3 =	sadd.s32 $0x1, s3;
	_ =	swait.ge @p0 [sflag:s23], $0x2800  }
0x64: {  	p1 =	sne.s32 s3, s9;
	[sflag:s23] =	ssyncset.done @p0 $0x0  }
.Ltmp2:
0x65: {  	[sflag:s23] =	ssyncadd.s32 @p0 $0xFFFFD800;
	s23 =	simm.s32 @!p0 $0x3;
	(pc) =	sbr.rel @p1 .LBB2_1-.Ltmp2, $4  }
0x66: {  	[hbm:s22], [sflag:s11] =	dma.local @!p0 [spmem:s12], $0x2700  }
0x67: {  	_ =	swait.ge @!p0 [sflag:s23], $0x2700  }
0x68: {  	[sflag:s23] =	ssyncset.done @!p0 $0x0  }
0x69: {  	[sflag:s23] =	ssyncadd.s32 @!p0 $0xFFFFD900  }
0x6a: {  	_ =	sfence.sel $0x180000  }
0x6b: {  	[bflag:$0x0] =	sbarrier.arrive $0xFFFF  }
0x6c: {  	p0 =	sne.s32 s0, $0x0;
	_ =	strace $0x90000050  }
0x6d: {  	s0 =	sadd.s32 @!p0 $0x100000, s1;
	[bflag:$0x2] =	sbarrier.arrive $0xFFFF  }
0x6e: {  	[sflag:s0] =	ssyncadd.tile.s32 @!p0 $0x1;
	_ =	shalt  }
.Lfunc_end2:
_tile_overlayer_lowered:
.L_overlay_start_2:
0x6f: {  	(tag) =	ssettag $0x2  }
0x70: {  	s0 =	rddreg [dreg:$0x0];
	s2 =	stileid.u32  }
0x71: {  	s1 =	rddreg [dreg:$0x1];
	p0 =	sne.s32 s2, $0x0  }
0x72: {  	s3 =	rddreg [dreg:$0x2];
	[bflag:$0x3] =	sbarrier.arrive $0xFFFF;
	s2 =	simm.s32 @!p0 $0x1C03  }
0x73: {  	[timem:s3], [sflag:s2] =	dma.local @!p0 [hbm:s0], s1  }
0x74: {  	s0 =	simm.s32 @!p0 $0x3  }
0x75: {  	_ =	swait.ge @!p0 [sflag:s0], s1  }
0x76: {  	s1 =	ssub.s32 @!p0 $0x0, s1;
	[sflag:s0] =	ssyncset.done @!p0 $0x0  }
0x77: {  	[sflag:s0] =	ssyncadd.s32 @!p0 s1  }
0x78: {  	[bflag:$0x3] =	sbarrier.arrive $0xFFFF  }
0x79: {  	_ =	shalt  }

</sc_bundles>
